<compile_context>
chip_gen: v7x
topology: tpu7x:2x2x1
jax: 0.10.2.dev20260603
libtpu: 0.0.44.dev20260713+nightly
codegen_flags: <defaults>
</compile_context>

<pallas_src>
import functools

import jax
import jax.numpy as jnp
from jax import lax
from jax.experimental import pallas as pl
from jax.experimental.pallas import tpu as pltpu
from jax.experimental.pallas import tpu_sc as plsc

_NC = 2
_NS = 16
_L = 16
_NW = _NC * _NS

_B = 4
_S = 2048
_D = 1024
_ROWS = _B * _S
_SEG = _ROWS // _NW
_WPR = _S // _SEG
_CHUNK = 16
_NCHUNK = _SEG // _CHUNK
_NXB = 3
_NRB = 4


def _body(x_hbm, ids_hbm, table_hbm, out_hbm,
          ids_v, pid_v, xb0, xb1, xb2, rb0, rb1, rb2, rb3,
          sx0, sx1, sx2, sg0, sg1, sg2, sg3, ss0, ss1, ss2, si):
    xbufs = (xb0, xb1, xb2)
    rbufs = (rb0, rb1, rb2, rb3)
    sx = (sx0, sx1, sx2)
    sg = (sg0, sg1, sg2, sg3)
    ss = (ss0, ss1, ss2)

    wid = lax.axis_index("s") * _NC + lax.axis_index("c")
    b = wid // _WPR
    s = wid % _WPR

    seg_base = wid * _SEG
    p0 = s * _SEG

    def x_load(ch):
        sl = ch % _NXB
        return pltpu.async_copy(
            x_hbm.at[pl.ds(seg_base + ch * _CHUNK, _CHUNK)], xbufs[sl], sx[sl])

    def g_load(ch):
        sl = ch % _NRB
        return pltpu.async_copy(
            table_hbm.at[pid_v.at[pl.ds(p0 + ch * _CHUNK, _CHUNK)]],
            rbufs[sl], sg[sl])

    d_ids = pltpu.async_copy(ids_hbm.at[b], ids_v, si)
    dx01 = [x_load(0), x_load(1)]
    d_ids.wait()

    def cnt_step(j, carry):
        v = ids_v[pl.ds(j * _L, _L)]
        return carry + plsc.all_reduce_population_count(v != 0)

    cnt = lax.fori_loop(0, s * (_SEG // _L), cnt_step,
                        jnp.zeros((_L,), jnp.int32))

    def pid_step(j, carry):
        v = ids_v[pl.ds(j * _L, _L)]
        m = jnp.where(v != 0, jnp.int32(1), jnp.int32(0))
        c = plsc.cumsum(m) + carry
        pid_v[pl.ds(j * _L, _L)] = c * m
        return jnp.max(c)

    lax.fori_loop(s * (_SEG // _L), (s + 1) * (_SEG // _L), pid_step,
                  jnp.max(cnt))

    def accumulate(sl, gl):
        xb, rb = xbufs[sl], rbufs[gl]

        def row_body(r, _):
            @plsc.parallel_loop(0, _D // _L, unroll=8)
            def _k(k):
                plsc.addupdate(xb.at[r, pl.ds(k * _L, _L)],
                               rb[r, pl.ds(k * _L, _L)])
            return 0

        lax.fori_loop(0, _CHUNK, row_body, 0)

    x_pend = [None] * _NXB
    g_pend = [None] * _NRB
    s_pend = [None] * _NXB
    for ch in range(3):
        g_pend[ch % _NRB] = g_load(ch)
    x_pend[0], x_pend[1] = dx01
    for ch in range(_NCHUNK):
        sl = ch % _NXB
        gl = ch % _NRB
        x_pend[sl].wait()
        g_pend[gl].wait()
        x_pend[sl] = None
        g_pend[gl] = None
        if ch + 3 < _NCHUNK:
            g_pend[(ch + 3) % _NRB] = g_load(ch + 3)
        if ch + 2 < _NCHUNK:
            s2 = (ch + 2) % _NXB
            if s_pend[s2] is not None:
                s_pend[s2].wait()
                s_pend[s2] = None
            x_pend[s2] = x_load(ch + 2)
        accumulate(sl, gl)
        s_pend[sl] = pltpu.async_copy(
            xbufs[sl], out_hbm.at[pl.ds(seg_base + ch * _CHUNK, _CHUNK)],
            ss[sl])
    for d in s_pend:
        if d is not None:
            d.wait()


_pe = functools.partial(
    pl.kernel,
    out_type=jax.ShapeDtypeStruct((_ROWS, _D), jnp.float32),
    mesh=plsc.VectorSubcoreMesh(
        core_axis_name="c", subcore_axis_name="s",
        num_cores=_NC, num_subcores=_NS),
    compiler_params=pltpu.CompilerParams(needs_layout_passes=False),
    scratch_types=[
        pltpu.VMEM((_S,), jnp.int32),
        pltpu.VMEM((_S,), jnp.int32),
        pltpu.VMEM((_CHUNK, _D), jnp.float32),
        pltpu.VMEM((_CHUNK, _D), jnp.float32),
        pltpu.VMEM((_CHUNK, _D), jnp.float32),
        pltpu.VMEM((_CHUNK, _D), jnp.float32),
        pltpu.VMEM((_CHUNK, _D), jnp.float32),
        pltpu.VMEM((_CHUNK, _D), jnp.float32),
        pltpu.VMEM((_CHUNK, _D), jnp.float32),
        pltpu.SemaphoreType.DMA,
        pltpu.SemaphoreType.DMA,
        pltpu.SemaphoreType.DMA,
        pltpu.SemaphoreType.DMA,
        pltpu.SemaphoreType.DMA,
        pltpu.SemaphoreType.DMA,
        pltpu.SemaphoreType.DMA,
        pltpu.SemaphoreType.DMA,
        pltpu.SemaphoreType.DMA,
        pltpu.SemaphoreType.DMA,
        pltpu.SemaphoreType.DMA,
    ],
)(_body)


def kernel(X, input_ids, table):
    out = _pe(X.reshape(_ROWS, _D), input_ids, table)
    return out.reshape(_B, _S, _D)

# --- scband reference (transcript-rebuilt; emitter-appended) ---
"""Pipeline reference for scband-learned-positional-embedding-326417514648 (READ-ONLY COPY).

The authoritative reference and input builder live on the scoring server;
editing this copy changes nothing except your own understanding.
"""

import jax, jax.numpy as jnp
import numpy as np

PAD_IDX = 0
D_MODEL = 1024
MAX_LEN = 2048

def setup_inputs(seed: int = 0) -> dict:
    key = jax.random.key(seed)
    k1, k2, k3 = jax.random.split(key, 3)
    X = jax.random.normal(k1, (4, 2048, D_MODEL), dtype=jnp.float32)
    input_ids = jax.random.randint(k2, (4, 2048), 0, 50000, dtype=jnp.int32)
    # learned position embedding table: (max_len + 1, d_model), row 0 zeroed (padding row)
    table = jax.random.normal(k3, (MAX_LEN + 1, D_MODEL), dtype=jnp.float32) * 0.02
    table = table.at[0].set(0.0)
    return {"X": X, "input_ids": input_ids, "table": table}

def reference(X, input_ids, table):
    mask = (input_ids != PAD_IDX).astype(jnp.int32)
    position_ids = jnp.cumsum(mask, axis=1) * mask
    pos_emb = jnp.take(table, position_ids, axis=0)
    return X + pos_emb

if __name__ == "__main__":
    import jax
    _d = setup_inputs()
    print(jax.jit(kernel)(*tuple(_d.values())))

</pallas_src>

<mosaic_0001>
#map = affine_map<(d0, d1) -> (0, 0)>
module attributes {stable_mosaic.version = 14 : i64} {
  func.func @_body(%arg0: i32, %arg1: i32, %arg2: memref<8192x1024xf32, #tpu.memory_space<hbm>>, %arg3: memref<4x2048xi32, #tpu.memory_space<hbm>>, %arg4: memref<2049x1024xf32, #tpu.memory_space<hbm>>, %arg5: memref<8192x1024xf32, #tpu.memory_space<hbm>>, %arg6: memref<2048xi32, #tpu.memory_space<vmem>>, %arg7: memref<2048xi32, #tpu.memory_space<vmem>>, %arg8: memref<16x1024xf32, #tpu.memory_space<vmem>>, %arg9: memref<16x1024xf32, #tpu.memory_space<vmem>>, %arg10: memref<16x1024xf32, #tpu.memory_space<vmem>>, %arg11: memref<16x1024xf32, #tpu.memory_space<vmem>>, %arg12: memref<16x1024xf32, #tpu.memory_space<vmem>>, %arg13: memref<16x1024xf32, #tpu.memory_space<vmem>>, %arg14: memref<16x1024xf32, #tpu.memory_space<vmem>>, %arg15: memref<!tpu.dma_semaphore, #tpu.memory_space<semaphore_mem>>, %arg16: memref<!tpu.dma_semaphore, #tpu.memory_space<semaphore_mem>>, %arg17: memref<!tpu.dma_semaphore, #tpu.memory_space<semaphore_mem>>, %arg18: memref<!tpu.dma_semaphore, #tpu.memory_space<semaphore_mem>>, %arg19: memref<!tpu.dma_semaphore, #tpu.memory_space<semaphore_mem>>, %arg20: memref<!tpu.dma_semaphore, #tpu.memory_space<semaphore_mem>>, %arg21: memref<!tpu.dma_semaphore, #tpu.memory_space<semaphore_mem>>, %arg22: memref<!tpu.dma_semaphore, #tpu.memory_space<semaphore_mem>>, %arg23: memref<!tpu.dma_semaphore, #tpu.memory_space<semaphore_mem>>, %arg24: memref<!tpu.dma_semaphore, #tpu.memory_space<semaphore_mem>>, %arg25: memref<!tpu.dma_semaphore, #tpu.memory_space<semaphore_mem>>) attributes {dimension_semantics = [#tpu.dimension_semantics<core_parallel>, #tpu.dimension_semantics<subcore_parallel>], iteration_bounds = array<i64: 2, 16>, scalar_prefetch = 0 : i64, scratch_operands = 20 : i64, tpu.core_type = #tpu.core_type<sc_vector_subcore>, window_params = [{transform_indices = #map}, {transform_indices = #map}, {transform_indices = #map}, {transform_indices = #map}]} {
    %mul3A = arith.constant 2 : i32
    %mul3A_0 = arith.muli %arg1, %mul3A : i32
    %add3A = arith.addi %mul3A_0, %arg0 : i32
    %jit3A = arith.constant 8 : i32
    %div3A = arith.divsi %add3A, %jit3A : i32
    %sign3A = arith.constant 0 : i32
    %sign3A_1 = arith.cmpi sgt, %add3A, %sign3A : i32
    %sign3A_2 = arith.extui %sign3A_1 : i1 to i32
    %sign3A_3 = arith.constant 0 : i32
    %sign3A_4 = arith.cmpi slt, %add3A, %sign3A_3 : i32
    %sign3A_5 = arith.extui %sign3A_4 : i1 to i32
    %sign3A_6 = arith.subi %sign3A_2, %sign3A_5 : i32
    %sign3A_7 = arith.constant 0 : i32
    %sign3A_8 = arith.cmpi sgt, %jit3A, %sign3A_7 : i32
    %sign3A_9 = arith.extui %sign3A_8 : i1 to i32
    %sign3A_10 = arith.constant 0 : i32
    %sign3A_11 = arith.cmpi slt, %jit3A, %sign3A_10 : i32
    %sign3A_12 = arith.extui %sign3A_11 : i1 to i32
    %sign3A_13 = arith.subi %sign3A_9, %sign3A_12 : i32
    %ne3A = arith.cmpi ne, %sign3A_6, %sign3A_13 : i32
    %rem3A = arith.remsi %add3A, %jit3A : i32
    %ne3A_14 = arith.constant 0 : i32
    %ne3A_15 = arith.cmpi ne, %rem3A, %ne3A_14 : i32
    %and3A = arith.andi %ne3A, %ne3A_15 : i1
    %sub3A = arith.constant 1 : i32
    %sub3A_16 = arith.subi %div3A, %sub3A : i32
    %select_n3A = arith.select %and3A, %sub3A_16, %div3A : i32
    %jit3A_17 = arith.constant 8 : i32
    %eq3A = arith.constant 0 : i32
    %eq3A_18 = arith.cmpi eq, %jit3A_17, %eq3A : i32
    %jit3A_19 = arith.constant 1 : i32
    %select_n3A_20 = arith.select %eq3A_18, %jit3A_19, %jit3A_17 : i32
    %rem3A_21 = arith.remsi %add3A, %select_n3A_20 : i32
    %ne3A_22 = arith.constant 0 : i32
    %ne3A_23 = arith.cmpi ne, %rem3A_21, %ne3A_22 : i32
    %lt3A = arith.constant 0 : i32
    %lt3A_24 = arith.cmpi slt, %rem3A_21, %lt3A : i32
    %lt3A_25 = arith.constant 0 : i32
    %lt3A_26 = arith.cmpi slt, %select_n3A_20, %lt3A_25 : i32
    %ne3A_27 = arith.xori %lt3A_24, %lt3A_26 : i1
    %and3A_28 = arith.andi %ne3A_27, %ne3A_23 : i1
    %add3A_29 = arith.addi %rem3A_21, %select_n3A_20 : i32
    %select_n3A_30 = arith.select %and3A_28, %add3A_29, %rem3A_21 : i32
    %mul3A_31 = arith.constant 256 : i32
    %mul3A_32 = arith.muli %add3A, %mul3A_31 : i32
    %mul3A_33 = arith.constant 256 : i32
    %mul3A_34 = arith.muli %select_n3A_30, %mul3A_33 : i32
    %dma_start3A = arith.constant 0 : i32
    %dma_start3A_35 = tpu.memref_slice %arg3[%select_n3A, %dma_start3A] : memref<4x2048xi32, #tpu.memory_space<hbm>> -> memref<1x2048xi32, #tpu.memory_space<hbm>>
    %dma_start3A_36 = tpu.memref_squeeze %dma_start3A_35 : memref<1x2048xi32, #tpu.memory_space<hbm>> -> memref<2048xi32, #tpu.memory_space<hbm>>
    %dma_start3A_37 = arith.constant 0 : i32
    %dma_start3A_38 = tpu.memref_slice %arg3[%select_n3A, %dma_start3A_37] : memref<4x2048xi32, #tpu.memory_space<hbm>> -> memref<1x2048xi32, #tpu.memory_space<hbm>>
    %dma_start3A_39 = tpu.memref_squeeze %dma_start3A_38 : memref<1x2048xi32, #tpu.memory_space<hbm>> -> memref<2048xi32, #tpu.memory_space<hbm>>
    tpu.enqueue_dma source(%dma_start3A_39 : memref<2048xi32, #tpu.memory_space<hbm>>) target(%arg6 : memref<2048xi32, #tpu.memory_space<vmem>>) target_semaphore(%arg25 : memref<!tpu.dma_semaphore, #tpu.memory_space<semaphore_mem>>)
    %add3A_40 = arith.constant 0 : i32
    %add3A_41 = arith.addi %mul3A_32, %add3A_40 : i32
    %dma_start3A_42 = arith.constant 0 : i32
    %dma_start3A_43 = tpu.memref_slice %arg2[%add3A_41, %dma_start3A_42] : memref<8192x1024xf32, #tpu.memory_space<hbm>> -> memref<16x1024xf32, #tpu.memory_space<hbm>>
    %dma_start3A_44 = arith.constant 0 : i32
    %dma_start3A_45 = tpu.memref_slice %arg2[%add3A_41, %dma_start3A_44] : memref<8192x1024xf32, #tpu.memory_space<hbm>> -> memref<16x1024xf32, #tpu.memory_space<hbm>>
    tpu.enqueue_dma source(%dma_start3A_45 : memref<16x1024xf32, #tpu.memory_space<hbm>>) target(%arg8 : memref<16x1024xf32, #tpu.memory_space<vmem>>) target_semaphore(%arg15 : memref<!tpu.dma_semaphore, #tpu.memory_space<semaphore_mem>>)
    %add3A_46 = arith.constant 16 : i32
    %add3A_47 = arith.addi %mul3A_32, %add3A_46 : i32
    %dma_start3A_48 = arith.constant 0 : i32
    %dma_start3A_49 = tpu.memref_slice %arg2[%add3A_47, %dma_start3A_48] : memref<8192x1024xf32, #tpu.memory_space<hbm>> -> memref<16x1024xf32, #tpu.memory_space<hbm>>
    %dma_start3A_50 = arith.constant 0 : i32
    %dma_start3A_51 = tpu.memref_slice %arg2[%add3A_47, %dma_start3A_50] : memref<8192x1024xf32, #tpu.memory_space<hbm>> -> memref<16x1024xf32, #tpu.memory_space<hbm>>
    tpu.enqueue_dma source(%dma_start3A_51 : memref<16x1024xf32, #tpu.memory_space<hbm>>) target(%arg9 : memref<16x1024xf32, #tpu.memory_space<vmem>>) target_semaphore(%arg16 : memref<!tpu.dma_semaphore, #tpu.memory_space<semaphore_mem>>)
    %dma_wait3A = arith.constant 0 : i32
    %dma_wait3A_52 = tpu.memref_slice %arg3[%select_n3A, %dma_wait3A] : memref<4x2048xi32, #tpu.memory_space<hbm>> -> memref<1x2048xi32, #tpu.memory_space<hbm>>
    %dma_wait3A_53 = tpu.memref_squeeze %dma_wait3A_52 : memref<1x2048xi32, #tpu.memory_space<hbm>> -> memref<2048xi32, #tpu.memory_space<hbm>>
    %dma_wait3A_54 = arith.constant 0 : i32
    %dma_wait3A_55 = tpu.memref_slice %arg3[%select_n3A, %dma_wait3A_54] : memref<4x2048xi32, #tpu.memory_space<hbm>> -> memref<1x2048xi32, #tpu.memory_space<hbm>>
    %dma_wait3A_56 = tpu.memref_squeeze %dma_wait3A_55 : memref<1x2048xi32, #tpu.memory_space<hbm>> -> memref<2048xi32, #tpu.memory_space<hbm>>
    tpu.wait_dma2 semaphore(%arg25 : memref<!tpu.dma_semaphore, #tpu.memory_space<semaphore_mem>>) src(%dma_wait3A_56 : memref<2048xi32, #tpu.memory_space<hbm>>) dst(%arg6 : memref<2048xi32, #tpu.memory_space<vmem>>)
    %mul3A_57 = arith.constant 16 : i32
    %mul3A_58 = arith.muli %select_n3A_30, %mul3A_57 : i32
    %broadcast_in_dim3A = arith.constant 0 : i32
    %broadcast_in_dim3A_59 = vector.broadcast %broadcast_in_dim3A : i32 to vector<16xi32>
    %while3A = arith.constant 0 : i32
    %while3A_60 = arith.subi %mul3A_58, %while3A : i32
    %while3A_61 = arith.addi %while3A, %while3A_60 : i32
    %while3A_62 = arith.constant 1 : i32
    %while3A_63 = arith.divsi %while3A_60, %while3A_62 : i32
    %while3A_64 = arith.muli %while3A_63, %while3A_62 : i32
    %while3A_65 = arith.addi %while3A, %while3A_64 : i32
    %while3A_66 = arith.constant 1 : i32
    %while3A_67 = scf.for %while3A_672 = %while3A to %while3A_65 step %while3A_66 iter_args(%while3A_673 = %broadcast_in_dim3A_59) -> (vector<16xi32>)  : i32 {
      %mul3A_674 = arith.constant 16 : i32
      %mul3A_675 = arith.muli %while3A_672, %mul3A_674 : i32
      %get3A = arith.index_cast %mul3A_675 : i32 to index
      %get3A_676 = tpu.vector_load %arg6[%get3A] {strides = array<i32>} : memref<2048xi32, #tpu.memory_space<vmem>>, vector<16xi32>,
      %ne3A_677 = arith.constant 0 : i32
      %ne3A_678 = vector.broadcast %ne3A_677 : i32 to vector<16xi32>
      %ne3A_679 = arith.cmpi ne, %get3A_676, %ne3A_678 : vector<16xi32>
      %all_reduce_population_count3A = tpu.all_reduce %ne3A_679 {dim = 0 : i64, kind = #tpu.reduction_kind<sum>} : vector<16xi1> -> vector<16xi32>
      %add3A_680 = arith.addi %while3A_673, %all_reduce_population_count3A : vector<16xi32>
      scf.yield %add3A_680 : vector<16xi32>
    }
    %while3A_68 = arith.constant 1 : i32
    %while3A_69 = scf.for %while3A_672 = %while3A_65 to %while3A_61 step %while3A_68 iter_args(%while3A_673 = %while3A_67) -> (vector<16xi32>)  : i32 {
      %mul3A_674 = arith.constant 16 : i32
      %mul3A_675 = arith.muli %while3A_672, %mul3A_674 : i32
      %get3A = arith.index_cast %mul3A_675 : i32 to index
      %get3A_676 = tpu.vector_load %arg6[%get3A] {strides = array<i32>} : memref<2048xi32, #tpu.memory_space<vmem>>, vector<16xi32>,
      %ne3A_677 = arith.constant 0 : i32
      %ne3A_678 = vector.broadcast %ne3A_677 : i32 to vector<16xi32>
      %ne3A_679 = arith.cmpi ne, %get3A_676, %ne3A_678 : vector<16xi32>
      %all_reduce_population_count3A = tpu.all_reduce %ne3A_679 {dim = 0 : i64, kind = #tpu.reduction_kind<sum>} : vector<16xi1> -> vector<16xi32>
      %add3A_680 = arith.addi %while3A_673, %all_reduce_population_count3A : vector<16xi32>
      scf.yield %add3A_680 : vector<16xi32>
    }
    %mul3A_70 = arith.constant 16 : i32
    %mul3A_71 = arith.muli %select_n3A_30, %mul3A_70 : i32
    %add3A_72 = arith.constant 1 : i32
    %add3A_73 = arith.addi %select_n3A_30, %add3A_72 : i32
    %mul3A_74 = arith.constant 16 : i32
    %mul3A_75 = arith.muli %add3A_73, %mul3A_74 : i32
    %reduce_max3A = arith.constant true
    %reduce_max3A_76 = vector.broadcast %reduce_max3A : i1 to vector<16xi1>
    %reduce_max3A_77 = arith.constant -2147483648 : i32
    %reduce_max3A_78 = vector.broadcast %reduce_max3A_77 : i32 to vector<16xi32>
    %reduce_max3A_79 = arith.xori %while3A_69, %reduce_max3A_78 : vector<16xi32>
    %reduce_max3A_80 = tpu.scan <max>, %reduce_max3A_79 masked %reduce_max3A_76 : vector<16xi32>, vector<16xi1> -> vector<16xi32>
    %reduce_max3A_81 = arith.xori %reduce_max3A_80, %reduce_max3A_78 : vector<16xi32>
    %reduce_max3A_82 = vector.extract %reduce_max3A_81[15] : i32 from vector<16xi32>
    %while3A_83 = arith.subi %mul3A_75, %mul3A_71 : i32
    %while3A_84 = arith.addi %mul3A_71, %while3A_83 : i32
    %while3A_85 = arith.constant 1 : i32
    %while3A_86 = arith.divsi %while3A_83, %while3A_85 : i32
    %while3A_87 = arith.muli %while3A_86, %while3A_85 : i32
    %while3A_88 = arith.addi %mul3A_71, %while3A_87 : i32
    %while3A_89 = arith.constant 1 : i32
    %while3A_90 = scf.for %while3A_672 = %mul3A_71 to %while3A_88 step %while3A_89 iter_args(%while3A_673 = %reduce_max3A_82) -> (i32)  : i32 {
      %mul3A_674 = arith.constant 16 : i32
      %mul3A_675 = arith.muli %while3A_672, %mul3A_674 : i32
      %get3A = arith.index_cast %mul3A_675 : i32 to index
      %get3A_676 = tpu.vector_load %arg6[%get3A] {strides = array<i32>} : memref<2048xi32, #tpu.memory_space<vmem>>, vector<16xi32>,
      %ne3A_677 = arith.constant 0 : i32
      %ne3A_678 = vector.broadcast %ne3A_677 : i32 to vector<16xi32>
      %ne3A_679 = arith.cmpi ne, %get3A_676, %ne3A_678 : vector<16xi32>
      %jit3A_680 = arith.constant 1 : i32
      %jit3A_681 = arith.constant 0 : i32
      %broadcast_in_dim3A_682 = vector.broadcast %jit3A_680 : i32 to vector<16xi32>
      %broadcast_in_dim3A_683 = vector.broadcast %jit3A_681 : i32 to vector<16xi32>
      %select_n3A_684 = arith.select %ne3A_679, %broadcast_in_dim3A_682, %broadcast_in_dim3A_683 : vector<16xi1>, vector<16xi32>
      %broadcast_in_dim3A_685 = arith.constant true
      %broadcast_in_dim3A_686 = vector.broadcast %broadcast_in_dim3A_685 : i1 to vector<16xi1>
      %masked_cumsum3A = tpu.scan <sum>, %select_n3A_684 masked %broadcast_in_dim3A_686 : vector<16xi32>, vector<16xi1> -> vector<16xi32>
      %add3A_687 = vector.broadcast %while3A_673 : i32 to vector<16xi32>
      %add3A_688 = arith.addi %masked_cumsum3A, %add3A_687 : vector<16xi32>
      %mul3A_689 = arith.muli %add3A_688, %select_n3A_684 : vector<16xi32>
      %mul3A_690 = arith.constant 16 : i32
      %mul3A_691 = arith.muli %while3A_672, %mul3A_690 : i32
      %swap3A = arith.index_cast %mul3A_691 : i32 to index
      %swap3A_692 = tpu.vector_load %arg7[%swap3A] {strides = array<i32>} : memref<2048xi32, #tpu.memory_space<vmem>>, vector<16xi32>,
      tpu.vector_store %arg7[%swap3A], %mul3A_689 {strides = array<i32>} : memref<2048xi32, #tpu.memory_space<vmem>>, vector<16xi32>,
      %reduce_max3A_693 = arith.constant true
      %reduce_max3A_694 = vector.broadcast %reduce_max3A_693 : i1 to vector<16xi1>
      %reduce_max3A_695 = arith.constant -2147483648 : i32
      %reduce_max3A_696 = vector.broadcast %reduce_max3A_695 : i32 to vector<16xi32>
      %reduce_max3A_697 = arith.xori %add3A_688, %reduce_max3A_696 : vector<16xi32>
      %reduce_max3A_698 = tpu.scan <max>, %reduce_max3A_697 masked %reduce_max3A_694 : vector<16xi32>, vector<16xi1> -> vector<16xi32>
      %reduce_max3A_699 = arith.xori %reduce_max3A_698, %reduce_max3A_696 : vector<16xi32>
      %reduce_max3A_700 = vector.extract %reduce_max3A_699[15] : i32 from vector<16xi32>
      scf.yield %reduce_max3A_700 : i32
    }
    %while3A_91 = arith.constant 1 : i32
    %while3A_92 = scf.for %while3A_672 = %while3A_88 to %while3A_84 step %while3A_91 iter_args(%while3A_673 = %while3A_90) -> (i32)  : i32 {
      %mul3A_674 = arith.constant 16 : i32
      %mul3A_675 = arith.muli %while3A_672, %mul3A_674 : i32
      %get3A = arith.index_cast %mul3A_675 : i32 to index
      %get3A_676 = tpu.vector_load %arg6[%get3A] {strides = array<i32>} : memref<2048xi32, #tpu.memory_space<vmem>>, vector<16xi32>,
      %ne3A_677 = arith.constant 0 : i32
      %ne3A_678 = vector.broadcast %ne3A_677 : i32 to vector<16xi32>
      %ne3A_679 = arith.cmpi ne, %get3A_676, %ne3A_678 : vector<16xi32>
      %jit3A_680 = arith.constant 1 : i32
      %jit3A_681 = arith.constant 0 : i32
      %broadcast_in_dim3A_682 = vector.broadcast %jit3A_680 : i32 to vector<16xi32>
      %broadcast_in_dim3A_683 = vector.broadcast %jit3A_681 : i32 to vector<16xi32>
      %select_n3A_684 = arith.select %ne3A_679, %broadcast_in_dim3A_682, %broadcast_in_dim3A_683 : vector<16xi1>, vector<16xi32>
      %broadcast_in_dim3A_685 = arith.constant true
      %broadcast_in_dim3A_686 = vector.broadcast %broadcast_in_dim3A_685 : i1 to vector<16xi1>
      %masked_cumsum3A = tpu.scan <sum>, %select_n3A_684 masked %broadcast_in_dim3A_686 : vector<16xi32>, vector<16xi1> -> vector<16xi32>
      %add3A_687 = vector.broadcast %while3A_673 : i32 to vector<16xi32>
      %add3A_688 = arith.addi %masked_cumsum3A, %add3A_687 : vector<16xi32>
      %mul3A_689 = arith.muli %add3A_688, %select_n3A_684 : vector<16xi32>
      %mul3A_690 = arith.constant 16 : i32
      %mul3A_691 = arith.muli %while3A_672, %mul3A_690 : i32
      %swap3A = arith.index_cast %mul3A_691 : i32 to index
      %swap3A_692 = tpu.vector_load %arg7[%swap3A] {strides = array<i32>} : memref<2048xi32, #tpu.memory_space<vmem>>, vector<16xi32>,
      tpu.vector_store %arg7[%swap3A], %mul3A_689 {strides = array<i32>} : memref<2048xi32, #tpu.memory_space<vmem>>, vector<16xi32>,
      %reduce_max3A_693 = arith.constant true
      %reduce_max3A_694 = vector.broadcast %reduce_max3A_693 : i1 to vector<16xi1>
      %reduce_max3A_695 = arith.constant -2147483648 : i32
      %reduce_max3A_696 = vector.broadcast %reduce_max3A_695 : i32 to vector<16xi32>
      %reduce_max3A_697 = arith.xori %add3A_688, %reduce_max3A_696 : vector<16xi32>
      %reduce_max3A_698 = tpu.scan <max>, %reduce_max3A_697 masked %reduce_max3A_694 : vector<16xi32>, vector<16xi1> -> vector<16xi32>
      %reduce_max3A_699 = arith.xori %reduce_max3A_698, %reduce_max3A_696 : vector<16xi32>
      %reduce_max3A_700 = vector.extract %reduce_max3A_699[15] : i32 from vector<16xi32>
      scf.yield %reduce_max3A_700 : i32
    }
    %add3A_93 = arith.constant 0 : i32
    %add3A_94 = arith.addi %mul3A_34, %add3A_93 : i32
    %dma_start3A_95 = tpu.memref_slice %arg7[%add3A_94] : memref<2048xi32, #tpu.memory_space<vmem>> -> memref<16xi32, #tpu.memory_space<vmem>>
    %dma_start3A_96 = arith.constant 0 : i32
    %dma_start3A_97 = arith.constant 0 : i32
    %dma_start3A_98 = tpu.memref_slice %arg4[%dma_start3A_96, %dma_start3A_97] : memref<2049x1024xf32, #tpu.memory_space<hbm>> -> memref<2049x1024xf32, #tpu.memory_space<hbm>>
    tpu.enqueue_indirect_dma source(%dma_start3A_98 : memref<2049x1024xf32, #tpu.memory_space<hbm>>) target(%arg11 : memref<16x1024xf32, #tpu.memory_space<vmem>>) offsets(%dma_start3A_95 : memref<16xi32, #tpu.memory_space<vmem>>) semaphore(%arg18 : memref<!tpu.dma_semaphore, #tpu.memory_space<semaphore_mem>>)
    %add3A_99 = arith.constant 16 : i32
    %add3A_100 = arith.addi %mul3A_34, %add3A_99 : i32
    %dma_start3A_101 = tpu.memref_slice %arg7[%add3A_100] : memref<2048xi32, #tpu.memory_space<vmem>> -> memref<16xi32, #tpu.memory_space<vmem>>
    %dma_start3A_102 = arith.constant 0 : i32
    %dma_start3A_103 = arith.constant 0 : i32
    %dma_start3A_104 = tpu.memref_slice %arg4[%dma_start3A_102, %dma_start3A_103] : memref<2049x1024xf32, #tpu.memory_space<hbm>> -> memref<2049x1024xf32, #tpu.memory_space<hbm>>
    tpu.enqueue_indirect_dma source(%dma_start3A_104 : memref<2049x1024xf32, #tpu.memory_space<hbm>>) target(%arg12 : memref<16x1024xf32, #tpu.memory_space<vmem>>) offsets(%dma_start3A_101 : memref<16xi32, #tpu.memory_space<vmem>>) semaphore(%arg19 : memref<!tpu.dma_semaphore, #tpu.memory_space<semaphore_mem>>)
    %add3A_105 = arith.constant 32 : i32
    %add3A_106 = arith.addi %mul3A_34, %add3A_105 : i32
    %dma_start3A_107 = tpu.memref_slice %arg7[%add3A_106] : memref<2048xi32, #tpu.memory_space<vmem>> -> memref<16xi32, #tpu.memory_space<vmem>>
    %dma_start3A_108 = arith.constant 0 : i32
    %dma_start3A_109 = arith.constant 0 : i32
    %dma_start3A_110 = tpu.memref_slice %arg4[%dma_start3A_108, %dma_start3A_109] : memref<2049x1024xf32, #tpu.memory_space<hbm>> -> memref<2049x1024xf32, #tpu.memory_space<hbm>>
    tpu.enqueue_indirect_dma source(%dma_start3A_110 : memref<2049x1024xf32, #tpu.memory_space<hbm>>) target(%arg13 : memref<16x1024xf32, #tpu.memory_space<vmem>>) offsets(%dma_start3A_107 : memref<16xi32, #tpu.memory_space<vmem>>) semaphore(%arg20 : memref<!tpu.dma_semaphore, #tpu.memory_space<semaphore_mem>>)
    %dma_wait3A_111 = arith.constant 0 : i32
    %dma_wait3A_112 = tpu.memref_slice %arg2[%add3A_41, %dma_wait3A_111] : memref<8192x1024xf32, #tpu.memory_space<hbm>> -> memref<16x1024xf32, #tpu.memory_space<hbm>>
    %dma_wait3A_113 = arith.constant 0 : i32
    %dma_wait3A_114 = tpu.memref_slice %arg2[%add3A_41, %dma_wait3A_113] : memref<8192x1024xf32, #tpu.memory_space<hbm>> -> memref<16x1024xf32, #tpu.memory_space<hbm>>
    tpu.wait_dma2 semaphore(%arg15 : memref<!tpu.dma_semaphore, #tpu.memory_space<semaphore_mem>>) src(%dma_wait3A_114 : memref<16x1024xf32, #tpu.memory_space<hbm>>) dst(%arg8 : memref<16x1024xf32, #tpu.memory_space<vmem>>)
    %dma_wait3A_115 = tpu.memref_slice %arg7[%add3A_94] : memref<2048xi32, #tpu.memory_space<vmem>> -> memref<16xi32, #tpu.memory_space<vmem>>
    %dma_wait3A_116 = arith.constant 0 : i32
    %dma_wait3A_117 = arith.constant 0 : i32
    %dma_wait3A_118 = tpu.memref_slice %arg4[%dma_wait3A_116, %dma_wait3A_117] : memref<2049x1024xf32, #tpu.memory_space<hbm>> -> memref<2049x1024xf32, #tpu.memory_space<hbm>>
    tpu.wait_indirect_dma semaphore(%arg18 : memref<!tpu.dma_semaphore, #tpu.memory_space<semaphore_mem>>) src(%dma_wait3A_118 : memref<2049x1024xf32, #tpu.memory_space<hbm>>) dst(%arg11 : memref<16x1024xf32, #tpu.memory_space<vmem>>)
    %add3A_119 = arith.constant 48 : i32
    %add3A_120 = arith.addi %mul3A_34, %add3A_119 : i32
    %dma_start3A_121 = tpu.memref_slice %arg7[%add3A_120] : memref<2048xi32, #tpu.memory_space<vmem>> -> memref<16xi32, #tpu.memory_space<vmem>>
    %dma_start3A_122 = arith.constant 0 : i32
    %dma_start3A_123 = arith.constant 0 : i32
    %dma_start3A_124 = tpu.memref_slice %arg4[%dma_start3A_122, %dma_start3A_123] : memref<2049x1024xf32, #tpu.memory_space<hbm>> -> memref<2049x1024xf32, #tpu.memory_space<hbm>>
    tpu.enqueue_indirect_dma source(%dma_start3A_124 : memref<2049x1024xf32, #tpu.memory_space<hbm>>) target(%arg14 : memref<16x1024xf32, #tpu.memory_space<vmem>>) offsets(%dma_start3A_121 : memref<16xi32, #tpu.memory_space<vmem>>) semaphore(%arg21 : memref<!tpu.dma_semaphore, #tpu.memory_space<semaphore_mem>>)
    %add3A_125 = arith.constant 32 : i32
    %add3A_126 = arith.addi %mul3A_32, %add3A_125 : i32
    %dma_start3A_127 = arith.constant 0 : i32
    %dma_start3A_128 = tpu.memref_slice %arg2[%add3A_126, %dma_start3A_127] : memref<8192x1024xf32, #tpu.memory_space<hbm>> -> memref<16x1024xf32, #tpu.memory_space<hbm>>
    %dma_start3A_129 = arith.constant 0 : i32
    %dma_start3A_130 = tpu.memref_slice %arg2[%add3A_126, %dma_start3A_129] : memref<8192x1024xf32, #tpu.memory_space<hbm>> -> memref<16x1024xf32, #tpu.memory_space<hbm>>
    tpu.enqueue_dma source(%dma_start3A_130 : memref<16x1024xf32, #tpu.memory_space<hbm>>) target(%arg10 : memref<16x1024xf32, #tpu.memory_space<vmem>>) target_semaphore(%arg17 : memref<!tpu.dma_semaphore, #tpu.memory_space<semaphore_mem>>)
    %scan3A = arith.constant 0 : i32
    %scan3A_131 = arith.constant 0 : i32
    %scan3A_132 = arith.constant 16 : i32
    %scan3A_133 = arith.addi %scan3A_131, %scan3A_132 : i32
    %scan3A_134 = arith.constant 1 : i32
    %scan3A_135 = scf.for %scan3A_672 = %scan3A_131 to %scan3A_133 step %scan3A_134 iter_args(%scan3A_673 = %scan3A) -> (i32)  : i32 {
      %parallel_loop3A = arith.constant 0 : i32
      %parallel_loop3A_674 = arith.constant 64 : i32
      %parallel_loop3A_675 = arith.constant 1 : i32
      scf.for %parallel_loop3A_677 = %parallel_loop3A to %parallel_loop3A_674 step %parallel_loop3A_675  : i32 {
        %parallel_loop3A_678 = arith.constant 16 : i32
        %parallel_loop3A_679 = arith.muli %parallel_loop3A_677, %parallel_loop3A_678 : i32
        %parallel_loop3A_680 = arith.constant 16 : i32
        %parallel_loop3A_681 = arith.muli %parallel_loop3A_677, %parallel_loop3A_680 : i32
        %parallel_loop3A_682 = arith.index_cast %scan3A_672 : i32 to index
        %parallel_loop3A_683 = arith.index_cast %parallel_loop3A_681 : i32 to index
        %parallel_loop3A_684 = tpu.vector_load %arg11[%parallel_loop3A_682, %parallel_loop3A_683] {strides = array<i32>} : memref<16x1024xf32, #tpu.memory_space<vmem>>, vector<16xf32>,
        %parallel_loop3A_685 = arith.index_cast %scan3A_672 : i32 to index
        %parallel_loop3A_686 = arith.index_cast %parallel_loop3A_679 : i32 to index
        %parallel_loop3A_687 = tpu.vector_load %arg8[%parallel_loop3A_685, %parallel_loop3A_686] {strides = array<i32>} : memref<16x1024xf32, #tpu.memory_space<vmem>>, vector<16xf32>,
        tpu.vector_store %arg8[%parallel_loop3A_685, %parallel_loop3A_686], %parallel_loop3A_684 {add = true, strides = array<i32>} : memref<16x1024xf32, #tpu.memory_space<vmem>>, vector<16xf32>,
      } {sc.loop_unroll_factor = 8 : i64, sc.parallel_access}
      %scan3A_676 = arith.constant 0 : i32
      scf.yield %scan3A_676 : i32
    }
    %scan3A_136 = arith.constant 16 : i32
    %add3A_137 = arith.constant 0 : i32
    %add3A_138 = arith.addi %mul3A_32, %add3A_137 : i32
    %dma_start3A_139 = arith.constant 0 : i32
    %dma_start3A_140 = tpu.memref_slice %arg5[%add3A_138, %dma_start3A_139] : memref<8192x1024xf32, #tpu.memory_space<hbm>> -> memref<16x1024xf32, #tpu.memory_space<hbm>>
    %dma_start3A_141 = arith.constant 0 : i32
    %dma_start3A_142 = tpu.memref_slice %arg5[%add3A_138, %dma_start3A_141] : memref<8192x1024xf32, #tpu.memory_space<hbm>> -> memref<16x1024xf32, #tpu.memory_space<hbm>>
    tpu.enqueue_dma source(%arg8 : memref<16x1024xf32, #tpu.memory_space<vmem>>) target(%dma_start3A_142 : memref<16x1024xf32, #tpu.memory_space<hbm>>) target_semaphore(%arg22 : memref<!tpu.dma_semaphore, #tpu.memory_space<semaphore_mem>>)
    %dma_wait3A_143 = arith.constant 0 : i32
    %dma_wait3A_144 = tpu.memref_slice %arg2[%add3A_47, %dma_wait3A_143] : memref<8192x1024xf32, #tpu.memory_space<hbm>> -> memref<16x1024xf32, #tpu.memory_space<hbm>>
    %dma_wait3A_145 = arith.constant 0 : i32
    %dma_wait3A_146 = tpu.memref_slice %arg2[%add3A_47, %dma_wait3A_145] : memref<8192x1024xf32, #tpu.memory_space<hbm>> -> memref<16x1024xf32, #tpu.memory_space<hbm>>
    tpu.wait_dma2 semaphore(%arg16 : memref<!tpu.dma_semaphore, #tpu.memory_space<semaphore_mem>>) src(%dma_wait3A_146 : memref<16x1024xf32, #tpu.memory_space<hbm>>) dst(%arg9 : memref<16x1024xf32, #tpu.memory_space<vmem>>)
    %dma_wait3A_147 = tpu.memref_slice %arg7[%add3A_100] : memref<2048xi32, #tpu.memory_space<vmem>> -> memref<16xi32, #tpu.memory_space<vmem>>
    %dma_wait3A_148 = arith.constant 0 : i32
    %dma_wait3A_149 = arith.constant 0 : i32
    %dma_wait3A_150 = tpu.memref_slice %arg4[%dma_wait3A_148, %dma_wait3A_149] : memref<2049x1024xf32, #tpu.memory_space<hbm>> -> memref<2049x1024xf32, #tpu.memory_space<hbm>>
    tpu.wait_indirect_dma semaphore(%arg19 : memref<!tpu.dma_semaphore, #tpu.memory_space<semaphore_mem>>) src(%dma_wait3A_150 : memref<2049x1024xf32, #tpu.memory_space<hbm>>) dst(%arg12 : memref<16x1024xf32, #tpu.memory_space<vmem>>)
    %add3A_151 = arith.constant 64 : i32
    %add3A_152 = arith.addi %mul3A_34, %add3A_151 : i32
    %dma_start3A_153 = tpu.memref_slice %arg7[%add3A_152] : memref<2048xi32, #tpu.memory_space<vmem>> -> memref<16xi32, #tpu.memory_space<vmem>>
    %dma_start3A_154 = arith.constant 0 : i32
    %dma_start3A_155 = arith.constant 0 : i32
    %dma_start3A_156 = tpu.memref_slice %arg4[%dma_start3A_154, %dma_start3A_155] : memref<2049x1024xf32, #tpu.memory_space<hbm>> -> memref<2049x1024xf32, #tpu.memory_space<hbm>>
    tpu.enqueue_indirect_dma source(%dma_start3A_156 : memref<2049x1024xf32, #tpu.memory_space<hbm>>) target(%arg11 : memref<16x1024xf32, #tpu.memory_space<vmem>>) offsets(%dma_start3A_153 : memref<16xi32, #tpu.memory_space<vmem>>) semaphore(%arg18 : memref<!tpu.dma_semaphore, #tpu.memory_space<semaphore_mem>>)
    %dma_wait3A_157 = arith.constant 0 : i32
    %dma_wait3A_158 = tpu.memref_slice %arg5[%add3A_138, %dma_wait3A_157] : memref<8192x1024xf32, #tpu.memory_space<hbm>> -> memref<16x1024xf32, #tpu.memory_space<hbm>>
    %dma_wait3A_159 = arith.constant 0 : i32
    %dma_wait3A_160 = tpu.memref_slice %arg5[%add3A_138, %dma_wait3A_159] : memref<8192x1024xf32, #tpu.memory_space<hbm>> -> memref<16x1024xf32, #tpu.memory_space<hbm>>
    tpu.wait_dma2 semaphore(%arg22 : memref<!tpu.dma_semaphore, #tpu.memory_space<semaphore_mem>>) src(%arg8 : memref<16x1024xf32, #tpu.memory_space<vmem>>) dst(%dma_wait3A_160 : memref<16x1024xf32, #tpu.memory_space<hbm>>)
    %add3A_161 = arith.constant 48 : i32
    %add3A_162 = arith.addi %mul3A_32, %add3A_161 : i32
    %dma_start3A_163 = arith.constant 0 : i32
    %dma_start3A_164 = tpu.memref_slice %arg2[%add3A_162, %dma_start3A_163] : memref<8192x1024xf32, #tpu.memory_space<hbm>> -> memref<16x1024xf32, #tpu.memory_space<hbm>>
    %dma_start3A_165 = arith.constant 0 : i32
    %dma_start3A_166 = tpu.memref_slice %arg2[%add3A_162, %dma_start3A_165] : memref<8192x1024xf32, #tpu.memory_space<hbm>> -> memref<16x1024xf32, #tpu.memory_space<hbm>>
    tpu.enqueue_dma source(%dma_start3A_166 : memref<16x1024xf32, #tpu.memory_space<hbm>>) target(%arg8 : memref<16x1024xf32, #tpu.memory_space<vmem>>) target_semaphore(%arg15 : memref<!tpu.dma_semaphore, #tpu.memory_space<semaphore_mem>>)
    %scan3A_167 = arith.constant 0 : i32
    %scan3A_168 = arith.constant 0 : i32
    %scan3A_169 = arith.constant 16 : i32
    %scan3A_170 = arith.addi %scan3A_168, %scan3A_169 : i32
    %scan3A_171 = arith.constant 1 : i32
    %scan3A_172 = scf.for %scan3A_672 = %scan3A_168 to %scan3A_170 step %scan3A_171 iter_args(%scan3A_673 = %scan3A_167) -> (i32)  : i32 {
      %parallel_loop3A = arith.constant 0 : i32
      %parallel_loop3A_674 = arith.constant 64 : i32
      %parallel_loop3A_675 = arith.constant 1 : i32
      scf.for %parallel_loop3A_677 = %parallel_loop3A to %parallel_loop3A_674 step %parallel_loop3A_675  : i32 {
        %parallel_loop3A_678 = arith.constant 16 : i32
        %parallel_loop3A_679 = arith.muli %parallel_loop3A_677, %parallel_loop3A_678 : i32
        %parallel_loop3A_680 = arith.constant 16 : i32
        %parallel_loop3A_681 = arith.muli %parallel_loop3A_677, %parallel_loop3A_680 : i32
        %parallel_loop3A_682 = arith.index_cast %scan3A_672 : i32 to index
        %parallel_loop3A_683 = arith.index_cast %parallel_loop3A_681 : i32 to index
        %parallel_loop3A_684 = tpu.vector_load %arg12[%parallel_loop3A_682, %parallel_loop3A_683] {strides = array<i32>} : memref<16x1024xf32, #tpu.memory_space<vmem>>, vector<16xf32>,
        %parallel_loop3A_685 = arith.index_cast %scan3A_672 : i32 to index
        %parallel_loop3A_686 = arith.index_cast %parallel_loop3A_679 : i32 to index
        %parallel_loop3A_687 = tpu.vector_load %arg9[%parallel_loop3A_685, %parallel_loop3A_686] {strides = array<i32>} : memref<16x1024xf32, #tpu.memory_space<vmem>>, vector<16xf32>,
        tpu.vector_store %arg9[%parallel_loop3A_685, %parallel_loop3A_686], %parallel_loop3A_684 {add = true, strides = array<i32>} : memref<16x1024xf32, #tpu.memory_space<vmem>>, vector<16xf32>,
      } {sc.loop_unroll_factor = 8 : i64, sc.parallel_access}
      %scan3A_676 = arith.constant 0 : i32
      scf.yield %scan3A_676 : i32
    }
    %scan3A_173 = arith.constant 16 : i32
    %add3A_174 = arith.constant 16 : i32
    %add3A_175 = arith.addi %mul3A_32, %add3A_174 : i32
    %dma_start3A_176 = arith.constant 0 : i32
    %dma_start3A_177 = tpu.memref_slice %arg5[%add3A_175, %dma_start3A_176] : memref<8192x1024xf32, #tpu.memory_space<hbm>> -> memref<16x1024xf32, #tpu.memory_space<hbm>>
    %dma_start3A_178 = arith.constant 0 : i32
    %dma_start3A_179 = tpu.memref_slice %arg5[%add3A_175, %dma_start3A_178] : memref<8192x1024xf32, #tpu.memory_space<hbm>> -> memref<16x1024xf32, #tpu.memory_space<hbm>>
    tpu.enqueue_dma source(%arg9 : memref<16x1024xf32, #tpu.memory_space<vmem>>) target(%dma_start3A_179 : memref<16x1024xf32, #tpu.memory_space<hbm>>) target_semaphore(%arg23 : memref<!tpu.dma_semaphore, #tpu.memory_space<semaphore_mem>>)
    %dma_wait3A_180 = arith.constant 0 : i32
    %dma_wait3A_181 = tpu.memref_slice %arg2[%add3A_126, %dma_wait3A_180] : memref<8192x1024xf32, #tpu.memory_space<hbm>> -> memref<16x1024xf32, #tpu.memory_space<hbm>>
    %dma_wait3A_182 = arith.constant 0 : i32
    %dma_wait3A_183 = tpu.memref_slice %arg2[%add3A_126, %dma_wait3A_182] : memref<8192x1024xf32, #tpu.memory_space<hbm>> -> memref<16x1024xf32, #tpu.memory_space<hbm>>
    tpu.wait_dma2 semaphore(%arg17 : memref<!tpu.dma_semaphore, #tpu.memory_space<semaphore_mem>>) src(%dma_wait3A_183 : memref<16x1024xf32, #tpu.memory_space<hbm>>) dst(%arg10 : memref<16x1024xf32, #tpu.memory_space<vmem>>)
    %dma_wait3A_184 = tpu.memref_slice %arg7[%add3A_106] : memref<2048xi32, #tpu.memory_space<vmem>> -> memref<16xi32, #tpu.memory_space<vmem>>
    %dma_wait3A_185 = arith.constant 0 : i32
    %dma_wait3A_186 = arith.constant 0 : i32
    %dma_wait3A_187 = tpu.memref_slice %arg4[%dma_wait3A_185, %dma_wait3A_186] : memref<2049x1024xf32, #tpu.memory_space<hbm>> -> memref<2049x1024xf32, #tpu.memory_space<hbm>>
    tpu.wait_indirect_dma semaphore(%arg20 : memref<!tpu.dma_semaphore, #tpu.memory_space<semaphore_mem>>) src(%dma_wait3A_187 : memref<2049x1024xf32, #tpu.memory_space<hbm>>) dst(%arg13 : memref<16x1024xf32, #tpu.memory_space<vmem>>)
    %add3A_188 = arith.constant 80 : i32
    %add3A_189 = arith.addi %mul3A_34, %add3A_188 : i32
    %dma_start3A_190 = tpu.memref_slice %arg7[%add3A_189] : memref<2048xi32, #tpu.memory_space<vmem>> -> memref<16xi32, #tpu.memory_space<vmem>>
    %dma_start3A_191 = arith.constant 0 : i32
    %dma_start3A_192 = arith.constant 0 : i32
    %dma_start3A_193 = tpu.memref_slice %arg4[%dma_start3A_191, %dma_start3A_192] : memref<2049x1024xf32, #tpu.memory_space<hbm>> -> memref<2049x1024xf32, #tpu.memory_space<hbm>>
    tpu.enqueue_indirect_dma source(%dma_start3A_193 : memref<2049x1024xf32, #tpu.memory_space<hbm>>) target(%arg12 : memref<16x1024xf32, #tpu.memory_space<vmem>>) offsets(%dma_start3A_190 : memref<16xi32, #tpu.memory_space<vmem>>) semaphore(%arg19 : memref<!tpu.dma_semaphore, #tpu.memory_space<semaphore_mem>>)
    %dma_wait3A_194 = arith.constant 0 : i32
    %dma_wait3A_195 = tpu.memref_slice %arg5[%add3A_175, %dma_wait3A_194] : memref<8192x1024xf32, #tpu.memory_space<hbm>> -> memref<16x1024xf32, #tpu.memory_space<hbm>>
    %dma_wait3A_196 = arith.constant 0 : i32
    %dma_wait3A_197 = tpu.memref_slice %arg5[%add3A_175, %dma_wait3A_196] : memref<8192x1024xf32, #tpu.memory_space<hbm>> -> memref<16x1024xf32, #tpu.memory_space<hbm>>
    tpu.wait_dma2 semaphore(%arg23 : memref<!tpu.dma_semaphore, #tpu.memory_space<semaphore_mem>>) src(%arg9 : memref<16x1024xf32, #tpu.memory_space<vmem>>) dst(%dma_wait3A_197 : memref<16x1024xf32, #tpu.memory_space<hbm>>)
    %add3A_198 = arith.constant 64 : i32
    %add3A_199 = arith.addi %mul3A_32, %add3A_198 : i32
    %dma_start3A_200 = arith.constant 0 : i32
    %dma_start3A_201 = tpu.memref_slice %arg2[%add3A_199, %dma_start3A_200] : memref<8192x1024xf32, #tpu.memory_space<hbm>> -> memref<16x1024xf32, #tpu.memory_space<hbm>>
    %dma_start3A_202 = arith.constant 0 : i32
    %dma_start3A_203 = tpu.memref_slice %arg2[%add3A_199, %dma_start3A_202] : memref<8192x1024xf32, #tpu.memory_space<hbm>> -> memref<16x1024xf32, #tpu.memory_space<hbm>>
    tpu.enqueue_dma source(%dma_start3A_203 : memref<16x1024xf32, #tpu.memory_space<hbm>>) target(%arg9 : memref<16x1024xf32, #tpu.memory_space<vmem>>) target_semaphore(%arg16 : memref<!tpu.dma_semaphore, #tpu.memory_space<semaphore_mem>>)
    %scan3A_204 = arith.constant 0 : i32
    %scan3A_205 = arith.constant 0 : i32
    %scan3A_206 = arith.constant 16 : i32
    %scan3A_207 = arith.addi %scan3A_205, %scan3A_206 : i32
    %scan3A_208 = arith.constant 1 : i32
    %scan3A_209 = scf.for %scan3A_672 = %scan3A_205 to %scan3A_207 step %scan3A_208 iter_args(%scan3A_673 = %scan3A_204) -> (i32)  : i32 {
      %parallel_loop3A = arith.constant 0 : i32
      %parallel_loop3A_674 = arith.constant 64 : i32
      %parallel_loop3A_675 = arith.constant 1 : i32
      scf.for %parallel_loop3A_677 = %parallel_loop3A to %parallel_loop3A_674 step %parallel_loop3A_675  : i32 {
        %parallel_loop3A_678 = arith.constant 16 : i32
        %parallel_loop3A_679 = arith.muli %parallel_loop3A_677, %parallel_loop3A_678 : i32
        %parallel_loop3A_680 = arith.constant 16 : i32
        %parallel_loop3A_681 = arith.muli %parallel_loop3A_677, %parallel_loop3A_680 : i32
        %parallel_loop3A_682 = arith.index_cast %scan3A_672 : i32 to index
        %parallel_loop3A_683 = arith.index_cast %parallel_loop3A_681 : i32 to index
        %parallel_loop3A_684 = tpu.vector_load %arg13[%parallel_loop3A_682, %parallel_loop3A_683] {strides = array<i32>} : memref<16x1024xf32, #tpu.memory_space<vmem>>, vector<16xf32>,
        %parallel_loop3A_685 = arith.index_cast %scan3A_672 : i32 to index
        %parallel_loop3A_686 = arith.index_cast %parallel_loop3A_679 : i32 to index
        %parallel_loop3A_687 = tpu.vector_load %arg10[%parallel_loop3A_685, %parallel_loop3A_686] {strides = array<i32>} : memref<16x1024xf32, #tpu.memory_space<vmem>>, vector<16xf32>,
        tpu.vector_store %arg10[%parallel_loop3A_685, %parallel_loop3A_686], %parallel_loop3A_684 {add = true, strides = array<i32>} : memref<16x1024xf32, #tpu.memory_space<vmem>>, vector<16xf32>,
      } {sc.loop_unroll_factor = 8 : i64, sc.parallel_access}
      %scan3A_676 = arith.constant 0 : i32
      scf.yield %scan3A_676 : i32
    }
    %scan3A_210 = arith.constant 16 : i32
    %add3A_211 = arith.constant 32 : i32
    %add3A_212 = arith.addi %mul3A_32, %add3A_211 : i32
    %dma_start3A_213 = arith.constant 0 : i32
    %dma_start3A_214 = tpu.memref_slice %arg5[%add3A_212, %dma_start3A_213] : memref<8192x1024xf32, #tpu.memory_space<hbm>> -> memref<16x1024xf32, #tpu.memory_space<hbm>>
    %dma_start3A_215 = arith.constant 0 : i32
    %dma_start3A_216 = tpu.memref_slice %arg5[%add3A_212, %dma_start3A_215] : memref<8192x1024xf32, #tpu.memory_space<hbm>> -> memref<16x1024xf32, #tpu.memory_space<hbm>>
    tpu.enqueue_dma source(%arg10 : memref<16x1024xf32, #tpu.memory_space<vmem>>) target(%dma_start3A_216 : memref<16x1024xf32, #tpu.memory_space<hbm>>) target_semaphore(%arg24 : memref<!tpu.dma_semaphore, #tpu.memory_space<semaphore_mem>>)
    %dma_wait3A_217 = arith.constant 0 : i32
    %dma_wait3A_218 = tpu.memref_slice %arg2[%add3A_162, %dma_wait3A_217] : memref<8192x1024xf32, #tpu.memory_space<hbm>> -> memref<16x1024xf32, #tpu.memory_space<hbm>>
    %dma_wait3A_219 = arith.constant 0 : i32
    %dma_wait3A_220 = tpu.memref_slice %arg2[%add3A_162, %dma_wait3A_219] : memref<8192x1024xf32, #tpu.memory_space<hbm>> -> memref<16x1024xf32, #tpu.memory_space<hbm>>
    tpu.wait_dma2 semaphore(%arg15 : memref<!tpu.dma_semaphore, #tpu.memory_space<semaphore_mem>>) src(%dma_wait3A_220 : memref<16x1024xf32, #tpu.memory_space<hbm>>) dst(%arg8 : memref<16x1024xf32, #tpu.memory_space<vmem>>)
    %dma_wait3A_221 = tpu.memref_slice %arg7[%add3A_120] : memref<2048xi32, #tpu.memory_space<vmem>> -> memref<16xi32, #tpu.memory_space<vmem>>
    %dma_wait3A_222 = arith.constant 0 : i32
    %dma_wait3A_223 = arith.constant 0 : i32
    %dma_wait3A_224 = tpu.memref_slice %arg4[%dma_wait3A_222, %dma_wait3A_223] : memref<2049x1024xf32, #tpu.memory_space<hbm>> -> memref<2049x1024xf32, #tpu.memory_space<hbm>>
    tpu.wait_indirect_dma semaphore(%arg21 : memref<!tpu.dma_semaphore, #tpu.memory_space<semaphore_mem>>) src(%dma_wait3A_224 : memref<2049x1024xf32, #tpu.memory_space<hbm>>) dst(%arg14 : memref<16x1024xf32, #tpu.memory_space<vmem>>)
    %add3A_225 = arith.constant 96 : i32
    %add3A_226 = arith.addi %mul3A_34, %add3A_225 : i32
    %dma_start3A_227 = tpu.memref_slice %arg7[%add3A_226] : memref<2048xi32, #tpu.memory_space<vmem>> -> memref<16xi32, #tpu.memory_space<vmem>>
    %dma_start3A_228 = arith.constant 0 : i32
    %dma_start3A_229 = arith.constant 0 : i32
    %dma_start3A_230 = tpu.memref_slice %arg4[%dma_start3A_228, %dma_start3A_229] : memref<2049x1024xf32, #tpu.memory_space<hbm>> -> memref<2049x1024xf32, #tpu.memory_space<hbm>>
    tpu.enqueue_indirect_dma source(%dma_start3A_230 : memref<2049x1024xf32, #tpu.memory_space<hbm>>) target(%arg13 : memref<16x1024xf32, #tpu.memory_space<vmem>>) offsets(%dma_start3A_227 : memref<16xi32, #tpu.memory_space<vmem>>) semaphore(%arg20 : memref<!tpu.dma_semaphore, #tpu.memory_space<semaphore_mem>>)
    %dma_wait3A_231 = arith.constant 0 : i32
    %dma_wait3A_232 = tpu.memref_slice %arg5[%add3A_212, %dma_wait3A_231] : memref<8192x1024xf32, #tpu.memory_space<hbm>> -> memref<16x1024xf32, #tpu.memory_space<hbm>>
    %dma_wait3A_233 = arith.constant 0 : i32
    %dma_wait3A_234 = tpu.memref_slice %arg5[%add3A_212, %dma_wait3A_233] : memref<8192x1024xf32, #tpu.memory_space<hbm>> -> memref<16x1024xf32, #tpu.memory_space<hbm>>
    tpu.wait_dma2 semaphore(%arg24 : memref<!tpu.dma_semaphore, #tpu.memory_space<semaphore_mem>>) src(%arg10 : memref<16x1024xf32, #tpu.memory_space<vmem>>) dst(%dma_wait3A_234 : memref<16x1024xf32, #tpu.memory_space<hbm>>)
    %add3A_235 = arith.constant 80 : i32
    %add3A_236 = arith.addi %mul3A_32, %add3A_235 : i32
    %dma_start3A_237 = arith.constant 0 : i32
    %dma_start3A_238 = tpu.memref_slice %arg2[%add3A_236, %dma_start3A_237] : memref<8192x1024xf32, #tpu.memory_space<hbm>> -> memref<16x1024xf32, #tpu.memory_space<hbm>>
    %dma_start3A_239 = arith.constant 0 : i32
    %dma_start3A_240 = tpu.memref_slice %arg2[%add3A_236, %dma_start3A_239] : memref<8192x1024xf32, #tpu.memory_space<hbm>> -> memref<16x1024xf32, #tpu.memory_space<hbm>>
    tpu.enqueue_dma source(%dma_start3A_240 : memref<16x1024xf32, #tpu.memory_space<hbm>>) target(%arg10 : memref<16x1024xf32, #tpu.memory_space<vmem>>) target_semaphore(%arg17 : memref<!tpu.dma_semaphore, #tpu.memory_space<semaphore_mem>>)
    %scan3A_241 = arith.constant 0 : i32
    %scan3A_242 = arith.constant 0 : i32
    %scan3A_243 = arith.constant 16 : i32
    %scan3A_244 = arith.addi %scan3A_242, %scan3A_243 : i32
    %scan3A_245 = arith.constant 1 : i32
    %scan3A_246 = scf.for %scan3A_672 = %scan3A_242 to %scan3A_244 step %scan3A_245 iter_args(%scan3A_673 = %scan3A_241) -> (i32)  : i32 {
      %parallel_loop3A = arith.constant 0 : i32
      %parallel_loop3A_674 = arith.constant 64 : i32
      %parallel_loop3A_675 = arith.constant 1 : i32
      scf.for %parallel_loop3A_677 = %parallel_loop3A to %parallel_loop3A_674 step %parallel_loop3A_675  : i32 {
        %parallel_loop3A_678 = arith.constant 16 : i32
        %parallel_loop3A_679 = arith.muli %parallel_loop3A_677, %parallel_loop3A_678 : i32
        %parallel_loop3A_680 = arith.constant 16 : i32
        %parallel_loop3A_681 = arith.muli %parallel_loop3A_677, %parallel_loop3A_680 : i32
        %parallel_loop3A_682 = arith.index_cast %scan3A_672 : i32 to index
        %parallel_loop3A_683 = arith.index_cast %parallel_loop3A_681 : i32 to index
        %parallel_loop3A_684 = tpu.vector_load %arg14[%parallel_loop3A_682, %parallel_loop3A_683] {strides = array<i32>} : memref<16x1024xf32, #tpu.memory_space<vmem>>, vector<16xf32>,
        %parallel_loop3A_685 = arith.index_cast %scan3A_672 : i32 to index
        %parallel_loop3A_686 = arith.index_cast %parallel_loop3A_679 : i32 to index
        %parallel_loop3A_687 = tpu.vector_load %arg8[%parallel_loop3A_685, %parallel_loop3A_686] {strides = array<i32>} : memref<16x1024xf32, #tpu.memory_space<vmem>>, vector<16xf32>,
        tpu.vector_store %arg8[%parallel_loop3A_685, %parallel_loop3A_686], %parallel_loop3A_684 {add = true, strides = array<i32>} : memref<16x1024xf32, #tpu.memory_space<vmem>>, vector<16xf32>,
      } {sc.loop_unroll_factor = 8 : i64, sc.parallel_access}
      %scan3A_676 = arith.constant 0 : i32
      scf.yield %scan3A_676 : i32
    }
    %scan3A_247 = arith.constant 16 : i32
    %add3A_248 = arith.constant 48 : i32
    %add3A_249 = arith.addi %mul3A_32, %add3A_248 : i32
    %dma_start3A_250 = arith.constant 0 : i32
    %dma_start3A_251 = tpu.memref_slice %arg5[%add3A_249, %dma_start3A_250] : memref<8192x1024xf32, #tpu.memory_space<hbm>> -> memref<16x1024xf32, #tpu.memory_space<hbm>>
    %dma_start3A_252 = arith.constant 0 : i32
    %dma_start3A_253 = tpu.memref_slice %arg5[%add3A_249, %dma_start3A_252] : memref<8192x1024xf32, #tpu.memory_space<hbm>> -> memref<16x1024xf32, #tpu.memory_space<hbm>>
    tpu.enqueue_dma source(%arg8 : memref<16x1024xf32, #tpu.memory_space<vmem>>) target(%dma_start3A_253 : memref<16x1024xf32, #tpu.memory_space<hbm>>) target_semaphore(%arg22 : memref<!tpu.dma_semaphore, #tpu.memory_space<semaphore_mem>>)
    %dma_wait3A_254 = arith.constant 0 : i32
    %dma_wait3A_255 = tpu.memref_slice %arg2[%add3A_199, %dma_wait3A_254] : memref<8192x1024xf32, #tpu.memory_space<hbm>> -> memref<16x1024xf32, #tpu.memory_space<hbm>>
    %dma_wait3A_256 = arith.constant 0 : i32
    %dma_wait3A_257 = tpu.memref_slice %arg2[%add3A_199, %dma_wait3A_256] : memref<8192x1024xf32, #tpu.memory_space<hbm>> -> memref<16x1024xf32, #tpu.memory_space<hbm>>
    tpu.wait_dma2 semaphore(%arg16 : memref<!tpu.dma_semaphore, #tpu.memory_space<semaphore_mem>>) src(%dma_wait3A_257 : memref<16x1024xf32, #tpu.memory_space<hbm>>) dst(%arg9 : memref<16x1024xf32, #tpu.memory_space<vmem>>)
    %dma_wait3A_258 = tpu.memref_slice %arg7[%add3A_152] : memref<2048xi32, #tpu.memory_space<vmem>> -> memref<16xi32, #tpu.memory_space<vmem>>
    %dma_wait3A_259 = arith.constant 0 : i32
    %dma_wait3A_260 = arith.constant 0 : i32
    %dma_wait3A_261 = tpu.memref_slice %arg4[%dma_wait3A_259, %dma_wait3A_260] : memref<2049x1024xf32, #tpu.memory_space<hbm>> -> memref<2049x1024xf32, #tpu.memory_space<hbm>>
    tpu.wait_indirect_dma semaphore(%arg18 : memref<!tpu.dma_semaphore, #tpu.memory_space<semaphore_mem>>) src(%dma_wait3A_261 : memref<2049x1024xf32, #tpu.memory_space<hbm>>) dst(%arg11 : memref<16x1024xf32, #tpu.memory_space<vmem>>)
    %add3A_262 = arith.constant 112 : i32
    %add3A_263 = arith.addi %mul3A_34, %add3A_262 : i32
    %dma_start3A_264 = tpu.memref_slice %arg7[%add3A_263] : memref<2048xi32, #tpu.memory_space<vmem>> -> memref<16xi32, #tpu.memory_space<vmem>>
    %dma_start3A_265 = arith.constant 0 : i32
    %dma_start3A_266 = arith.constant 0 : i32
    %dma_start3A_267 = tpu.memref_slice %arg4[%dma_start3A_265, %dma_start3A_266] : memref<2049x1024xf32, #tpu.memory_space<hbm>> -> memref<2049x1024xf32, #tpu.memory_space<hbm>>
    tpu.enqueue_indirect_dma source(%dma_start3A_267 : memref<2049x1024xf32, #tpu.memory_space<hbm>>) target(%arg14 : memref<16x1024xf32, #tpu.memory_space<vmem>>) offsets(%dma_start3A_264 : memref<16xi32, #tpu.memory_space<vmem>>) semaphore(%arg21 : memref<!tpu.dma_semaphore, #tpu.memory_space<semaphore_mem>>)
    %dma_wait3A_268 = arith.constant 0 : i32
    %dma_wait3A_269 = tpu.memref_slice %arg5[%add3A_249, %dma_wait3A_268] : memref<8192x1024xf32, #tpu.memory_space<hbm>> -> memref<16x1024xf32, #tpu.memory_space<hbm>>
    %dma_wait3A_270 = arith.constant 0 : i32
    %dma_wait3A_271 = tpu.memref_slice %arg5[%add3A_249, %dma_wait3A_270] : memref<8192x1024xf32, #tpu.memory_space<hbm>> -> memref<16x1024xf32, #tpu.memory_space<hbm>>
    tpu.wait_dma2 semaphore(%arg22 : memref<!tpu.dma_semaphore, #tpu.memory_space<semaphore_mem>>) src(%arg8 : memref<16x1024xf32, #tpu.memory_space<vmem>>) dst(%dma_wait3A_271 : memref<16x1024xf32, #tpu.memory_space<hbm>>)
    %add3A_272 = arith.constant 96 : i32
    %add3A_273 = arith.addi %mul3A_32, %add3A_272 : i32
    %dma_start3A_274 = arith.constant 0 : i32
    %dma_start3A_275 = tpu.memref_slice %arg2[%add3A_273, %dma_start3A_274] : memref<8192x1024xf32, #tpu.memory_space<hbm>> -> memref<16x1024xf32, #tpu.memory_space<hbm>>
    %dma_start3A_276 = arith.constant 0 : i32
    %dma_start3A_277 = tpu.memref_slice %arg2[%add3A_273, %dma_start3A_276] : memref<8192x1024xf32, #tpu.memory_space<hbm>> -> memref<16x1024xf32, #tpu.memory_space<hbm>>
    tpu.enqueue_dma source(%dma_start3A_277 : memref<16x1024xf32, #tpu.memory_space<hbm>>) target(%arg8 : memref<16x1024xf32, #tpu.memory_space<vmem>>) target_semaphore(%arg15 : memref<!tpu.dma_semaphore, #tpu.memory_space<semaphore_mem>>)
    %scan3A_278 = arith.constant 0 : i32
    %scan3A_279 = arith.constant 0 : i32
    %scan3A_280 = arith.constant 16 : i32
    %scan3A_281 = arith.addi %scan3A_279, %scan3A_280 : i32
    %scan3A_282 = arith.constant 1 : i32
    %scan3A_283 = scf.for %scan3A_672 = %scan3A_279 to %scan3A_281 step %scan3A_282 iter_args(%scan3A_673 = %scan3A_278) -> (i32)  : i32 {
      %parallel_loop3A = arith.constant 0 : i32
      %parallel_loop3A_674 = arith.constant 64 : i32
      %parallel_loop3A_675 = arith.constant 1 : i32
      scf.for %parallel_loop3A_677 = %parallel_loop3A to %parallel_loop3A_674 step %parallel_loop3A_675  : i32 {
        %parallel_loop3A_678 = arith.constant 16 : i32
        %parallel_loop3A_679 = arith.muli %parallel_loop3A_677, %parallel_loop3A_678 : i32
        %parallel_loop3A_680 = arith.constant 16 : i32
        %parallel_loop3A_681 = arith.muli %parallel_loop3A_677, %parallel_loop3A_680 : i32
        %parallel_loop3A_682 = arith.index_cast %scan3A_672 : i32 to index
        %parallel_loop3A_683 = arith.index_cast %parallel_loop3A_681 : i32 to index
        %parallel_loop3A_684 = tpu.vector_load %arg11[%parallel_loop3A_682, %parallel_loop3A_683] {strides = array<i32>} : memref<16x1024xf32, #tpu.memory_space<vmem>>, vector<16xf32>,
        %parallel_loop3A_685 = arith.index_cast %scan3A_672 : i32 to index
        %parallel_loop3A_686 = arith.index_cast %parallel_loop3A_679 : i32 to index
        %parallel_loop3A_687 = tpu.vector_load %arg9[%parallel_loop3A_685, %parallel_loop3A_686] {strides = array<i32>} : memref<16x1024xf32, #tpu.memory_space<vmem>>, vector<16xf32>,
        tpu.vector_store %arg9[%parallel_loop3A_685, %parallel_loop3A_686], %parallel_loop3A_684 {add = true, strides = array<i32>} : memref<16x1024xf32, #tpu.memory_space<vmem>>, vector<16xf32>,
      } {sc.loop_unroll_factor = 8 : i64, sc.parallel_access}
      %scan3A_676 = arith.constant 0 : i32
      scf.yield %scan3A_676 : i32
    }
    %scan3A_284 = arith.constant 16 : i32
    %add3A_285 = arith.constant 64 : i32
    %add3A_286 = arith.addi %mul3A_32, %add3A_285 : i32
    %dma_start3A_287 = arith.constant 0 : i32
    %dma_start3A_288 = tpu.memref_slice %arg5[%add3A_286, %dma_start3A_287] : memref<8192x1024xf32, #tpu.memory_space<hbm>> -> memref<16x1024xf32, #tpu.memory_space<hbm>>
    %dma_start3A_289 = arith.constant 0 : i32
    %dma_start3A_290 = tpu.memref_slice %arg5[%add3A_286, %dma_start3A_289] : memref<8192x1024xf32, #tpu.memory_space<hbm>> -> memref<16x1024xf32, #tpu.memory_space<hbm>>
    tpu.enqueue_dma source(%arg9 : memref<16x1024xf32, #tpu.memory_space<vmem>>) target(%dma_start3A_290 : memref<16x1024xf32, #tpu.memory_space<hbm>>) target_semaphore(%arg23 : memref<!tpu.dma_semaphore, #tpu.memory_space<semaphore_mem>>)
    %dma_wait3A_291 = arith.constant 0 : i32
    %dma_wait3A_292 = tpu.memref_slice %arg2[%add3A_236, %dma_wait3A_291] : memref<8192x1024xf32, #tpu.memory_space<hbm>> -> memref<16x1024xf32, #tpu.memory_space<hbm>>
    %dma_wait3A_293 = arith.constant 0 : i32
    %dma_wait3A_294 = tpu.memref_slice %arg2[%add3A_236, %dma_wait3A_293] : memref<8192x1024xf32, #tpu.memory_space<hbm>> -> memref<16x1024xf32, #tpu.memory_space<hbm>>
    tpu.wait_dma2 semaphore(%arg17 : memref<!tpu.dma_semaphore, #tpu.memory_space<semaphore_mem>>) src(%dma_wait3A_294 : memref<16x1024xf32, #tpu.memory_space<hbm>>) dst(%arg10 : memref<16x1024xf32, #tpu.memory_space<vmem>>)
    %dma_wait3A_295 = tpu.memref_slice %arg7[%add3A_189] : memref<2048xi32, #tpu.memory_space<vmem>> -> memref<16xi32, #tpu.memory_space<vmem>>
    %dma_wait3A_296 = arith.constant 0 : i32
    %dma_wait3A_297 = arith.constant 0 : i32
    %dma_wait3A_298 = tpu.memref_slice %arg4[%dma_wait3A_296, %dma_wait3A_297] : memref<2049x1024xf32, #tpu.memory_space<hbm>> -> memref<2049x1024xf32, #tpu.memory_space<hbm>>
    tpu.wait_indirect_dma semaphore(%arg19 : memref<!tpu.dma_semaphore, #tpu.memory_space<semaphore_mem>>) src(%dma_wait3A_298 : memref<2049x1024xf32, #tpu.memory_space<hbm>>) dst(%arg12 : memref<16x1024xf32, #tpu.memory_space<vmem>>)
    %add3A_299 = arith.constant 128 : i32
    %add3A_300 = arith.addi %mul3A_34, %add3A_299 : i32
    %dma_start3A_301 = tpu.memref_slice %arg7[%add3A_300] : memref<2048xi32, #tpu.memory_space<vmem>> -> memref<16xi32, #tpu.memory_space<vmem>>
    %dma_start3A_302 = arith.constant 0 : i32
    %dma_start3A_303 = arith.constant 0 : i32
    %dma_start3A_304 = tpu.memref_slice %arg4[%dma_start3A_302, %dma_start3A_303] : memref<2049x1024xf32, #tpu.memory_space<hbm>> -> memref<2049x1024xf32, #tpu.memory_space<hbm>>
    tpu.enqueue_indirect_dma source(%dma_start3A_304 : memref<2049x1024xf32, #tpu.memory_space<hbm>>) target(%arg11 : memref<16x1024xf32, #tpu.memory_space<vmem>>) offsets(%dma_start3A_301 : memref<16xi32, #tpu.memory_space<vmem>>) semaphore(%arg18 : memref<!tpu.dma_semaphore, #tpu.memory_space<semaphore_mem>>)
    %dma_wait3A_305 = arith.constant 0 : i32
    %dma_wait3A_306 = tpu.memref_slice %arg5[%add3A_286, %dma_wait3A_305] : memref<8192x1024xf32, #tpu.memory_space<hbm>> -> memref<16x1024xf32, #tpu.memory_space<hbm>>
    %dma_wait3A_307 = arith.constant 0 : i32
    %dma_wait3A_308 = tpu.memref_slice %arg5[%add3A_286, %dma_wait3A_307] : memref<8192x1024xf32, #tpu.memory_space<hbm>> -> memref<16x1024xf32, #tpu.memory_space<hbm>>
    tpu.wait_dma2 semaphore(%arg23 : memref<!tpu.dma_semaphore, #tpu.memory_space<semaphore_mem>>) src(%arg9 : memref<16x1024xf32, #tpu.memory_space<vmem>>) dst(%dma_wait3A_308 : memref<16x1024xf32, #tpu.memory_space<hbm>>)
    %add3A_309 = arith.constant 112 : i32
    %add3A_310 = arith.addi %mul3A_32, %add3A_309 : i32
    %dma_start3A_311 = arith.constant 0 : i32
    %dma_start3A_312 = tpu.memref_slice %arg2[%add3A_310, %dma_start3A_311] : memref<8192x1024xf32, #tpu.memory_space<hbm>> -> memref<16x1024xf32, #tpu.memory_space<hbm>>
    %dma_start3A_313 = arith.constant 0 : i32
    %dma_start3A_314 = tpu.memref_slice %arg2[%add3A_310, %dma_start3A_313] : memref<8192x1024xf32, #tpu.memory_space<hbm>> -> memref<16x1024xf32, #tpu.memory_space<hbm>>
    tpu.enqueue_dma source(%dma_start3A_314 : memref<16x1024xf32, #tpu.memory_space<hbm>>) target(%arg9 : memref<16x1024xf32, #tpu.memory_space<vmem>>) target_semaphore(%arg16 : memref<!tpu.dma_semaphore, #tpu.memory_space<semaphore_mem>>)
    %scan3A_315 = arith.constant 0 : i32
    %scan3A_316 = arith.constant 0 : i32
    %scan3A_317 = arith.constant 16 : i32
    %scan3A_318 = arith.addi %scan3A_316, %scan3A_317 : i32
    %scan3A_319 = arith.constant 1 : i32
    %scan3A_320 = scf.for %scan3A_672 = %scan3A_316 to %scan3A_318 step %scan3A_319 iter_args(%scan3A_673 = %scan3A_315) -> (i32)  : i32 {
      %parallel_loop3A = arith.constant 0 : i32
      %parallel_loop3A_674 = arith.constant 64 : i32
      %parallel_loop3A_675 = arith.constant 1 : i32
      scf.for %parallel_loop3A_677 = %parallel_loop3A to %parallel_loop3A_674 step %parallel_loop3A_675  : i32 {
        %parallel_loop3A_678 = arith.constant 16 : i32
        %parallel_loop3A_679 = arith.muli %parallel_loop3A_677, %parallel_loop3A_678 : i32
        %parallel_loop3A_680 = arith.constant 16 : i32
        %parallel_loop3A_681 = arith.muli %parallel_loop3A_677, %parallel_loop3A_680 : i32
        %parallel_loop3A_682 = arith.index_cast %scan3A_672 : i32 to index
        %parallel_loop3A_683 = arith.index_cast %parallel_loop3A_681 : i32 to index
        %parallel_loop3A_684 = tpu.vector_load %arg12[%parallel_loop3A_682, %parallel_loop3A_683] {strides = array<i32>} : memref<16x1024xf32, #tpu.memory_space<vmem>>, vector<16xf32>,
        %parallel_loop3A_685 = arith.index_cast %scan3A_672 : i32 to index
        %parallel_loop3A_686 = arith.index_cast %parallel_loop3A_679 : i32 to index
        %parallel_loop3A_687 = tpu.vector_load %arg10[%parallel_loop3A_685, %parallel_loop3A_686] {strides = array<i32>} : memref<16x1024xf32, #tpu.memory_space<vmem>>, vector<16xf32>,
        tpu.vector_store %arg10[%parallel_loop3A_685, %parallel_loop3A_686], %parallel_loop3A_684 {add = true, strides = array<i32>} : memref<16x1024xf32, #tpu.memory_space<vmem>>, vector<16xf32>,
      } {sc.loop_unroll_factor = 8 : i64, sc.parallel_access}
      %scan3A_676 = arith.constant 0 : i32
      scf.yield %scan3A_676 : i32
    }
    %scan3A_321 = arith.constant 16 : i32
    %add3A_322 = arith.constant 80 : i32
    %add3A_323 = arith.addi %mul3A_32, %add3A_322 : i32
    %dma_start3A_324 = arith.constant 0 : i32
    %dma_start3A_325 = tpu.memref_slice %arg5[%add3A_323, %dma_start3A_324] : memref<8192x1024xf32, #tpu.memory_space<hbm>> -> memref<16x1024xf32, #tpu.memory_space<hbm>>
    %dma_start3A_326 = arith.constant 0 : i32
    %dma_start3A_327 = tpu.memref_slice %arg5[%add3A_323, %dma_start3A_326] : memref<8192x1024xf32, #tpu.memory_space<hbm>> -> memref<16x1024xf32, #tpu.memory_space<hbm>>
    tpu.enqueue_dma source(%arg10 : memref<16x1024xf32, #tpu.memory_space<vmem>>) target(%dma_start3A_327 : memref<16x1024xf32, #tpu.memory_space<hbm>>) target_semaphore(%arg24 : memref<!tpu.dma_semaphore, #tpu.memory_space<semaphore_mem>>)
    %dma_wait3A_328 = arith.constant 0 : i32
    %dma_wait3A_329 = tpu.memref_slice %arg2[%add3A_273, %dma_wait3A_328] : memref<8192x1024xf32, #tpu.memory_space<hbm>> -> memref<16x1024xf32, #tpu.memory_space<hbm>>
    %dma_wait3A_330 = arith.constant 0 : i32
    %dma_wait3A_331 = tpu.memref_slice %arg2[%add3A_273, %dma_wait3A_330] : memref<8192x1024xf32, #tpu.memory_space<hbm>> -> memref<16x1024xf32, #tpu.memory_space<hbm>>
    tpu.wait_dma2 semaphore(%arg15 : memref<!tpu.dma_semaphore, #tpu.memory_space<semaphore_mem>>) src(%dma_wait3A_331 : memref<16x1024xf32, #tpu.memory_space<hbm>>) dst(%arg8 : memref<16x1024xf32, #tpu.memory_space<vmem>>)
    %dma_wait3A_332 = tpu.memref_slice %arg7[%add3A_226] : memref<2048xi32, #tpu.memory_space<vmem>> -> memref<16xi32, #tpu.memory_space<vmem>>
    %dma_wait3A_333 = arith.constant 0 : i32
    %dma_wait3A_334 = arith.constant 0 : i32
    %dma_wait3A_335 = tpu.memref_slice %arg4[%dma_wait3A_333, %dma_wait3A_334] : memref<2049x1024xf32, #tpu.memory_space<hbm>> -> memref<2049x1024xf32, #tpu.memory_space<hbm>>
    tpu.wait_indirect_dma semaphore(%arg20 : memref<!tpu.dma_semaphore, #tpu.memory_space<semaphore_mem>>) src(%dma_wait3A_335 : memref<2049x1024xf32, #tpu.memory_space<hbm>>) dst(%arg13 : memref<16x1024xf32, #tpu.memory_space<vmem>>)
    %add3A_336 = arith.constant 144 : i32
    %add3A_337 = arith.addi %mul3A_34, %add3A_336 : i32
    %dma_start3A_338 = tpu.memref_slice %arg7[%add3A_337] : memref<2048xi32, #tpu.memory_space<vmem>> -> memref<16xi32, #tpu.memory_space<vmem>>
    %dma_start3A_339 = arith.constant 0 : i32
    %dma_start3A_340 = arith.constant 0 : i32
    %dma_start3A_341 = tpu.memref_slice %arg4[%dma_start3A_339, %dma_start3A_340] : memref<2049x1024xf32, #tpu.memory_space<hbm>> -> memref<2049x1024xf32, #tpu.memory_space<hbm>>
    tpu.enqueue_indirect_dma source(%dma_start3A_341 : memref<2049x1024xf32, #tpu.memory_space<hbm>>) target(%arg12 : memref<16x1024xf32, #tpu.memory_space<vmem>>) offsets(%dma_start3A_338 : memref<16xi32, #tpu.memory_space<vmem>>) semaphore(%arg19 : memref<!tpu.dma_semaphore, #tpu.memory_space<semaphore_mem>>)
    %dma_wait3A_342 = arith.constant 0 : i32
    %dma_wait3A_343 = tpu.memref_slice %arg5[%add3A_323, %dma_wait3A_342] : memref<8192x1024xf32, #tpu.memory_space<hbm>> -> memref<16x1024xf32, #tpu.memory_space<hbm>>
    %dma_wait3A_344 = arith.constant 0 : i32
    %dma_wait3A_345 = tpu.memref_slice %arg5[%add3A_323, %dma_wait3A_344] : memref<8192x1024xf32, #tpu.memory_space<hbm>> -> memref<16x1024xf32, #tpu.memory_space<hbm>>
    tpu.wait_dma2 semaphore(%arg24 : memref<!tpu.dma_semaphore, #tpu.memory_space<semaphore_mem>>) src(%arg10 : memref<16x1024xf32, #tpu.memory_space<vmem>>) dst(%dma_wait3A_345 : memref<16x1024xf32, #tpu.memory_space<hbm>>)
    %add3A_346 = arith.constant 128 : i32
    %add3A_347 = arith.addi %mul3A_32, %add3A_346 : i32
    %dma_start3A_348 = arith.constant 0 : i32
    %dma_start3A_349 = tpu.memref_slice %arg2[%add3A_347, %dma_start3A_348] : memref<8192x1024xf32, #tpu.memory_space<hbm>> -> memref<16x1024xf32, #tpu.memory_space<hbm>>
    %dma_start3A_350 = arith.constant 0 : i32
    %dma_start3A_351 = tpu.memref_slice %arg2[%add3A_347, %dma_start3A_350] : memref<8192x1024xf32, #tpu.memory_space<hbm>> -> memref<16x1024xf32, #tpu.memory_space<hbm>>
    tpu.enqueue_dma source(%dma_start3A_351 : memref<16x1024xf32, #tpu.memory_space<hbm>>) target(%arg10 : memref<16x1024xf32, #tpu.memory_space<vmem>>) target_semaphore(%arg17 : memref<!tpu.dma_semaphore, #tpu.memory_space<semaphore_mem>>)
    %scan3A_352 = arith.constant 0 : i32
    %scan3A_353 = arith.constant 0 : i32
    %scan3A_354 = arith.constant 16 : i32
    %scan3A_355 = arith.addi %scan3A_353, %scan3A_354 : i32
    %scan3A_356 = arith.constant 1 : i32
    %scan3A_357 = scf.for %scan3A_672 = %scan3A_353 to %scan3A_355 step %scan3A_356 iter_args(%scan3A_673 = %scan3A_352) -> (i32)  : i32 {
      %parallel_loop3A = arith.constant 0 : i32
      %parallel_loop3A_674 = arith.constant 64 : i32
      %parallel_loop3A_675 = arith.constant 1 : i32
      scf.for %parallel_loop3A_677 = %parallel_loop3A to %parallel_loop3A_674 step %parallel_loop3A_675  : i32 {
        %parallel_loop3A_678 = arith.constant 16 : i32
        %parallel_loop3A_679 = arith.muli %parallel_loop3A_677, %parallel_loop3A_678 : i32
        %parallel_loop3A_680 = arith.constant 16 : i32
        %parallel_loop3A_681 = arith.muli %parallel_loop3A_677, %parallel_loop3A_680 : i32
        %parallel_loop3A_682 = arith.index_cast %scan3A_672 : i32 to index
        %parallel_loop3A_683 = arith.index_cast %parallel_loop3A_681 : i32 to index
        %parallel_loop3A_684 = tpu.vector_load %arg13[%parallel_loop3A_682, %parallel_loop3A_683] {strides = array<i32>} : memref<16x1024xf32, #tpu.memory_space<vmem>>, vector<16xf32>,
        %parallel_loop3A_685 = arith.index_cast %scan3A_672 : i32 to index
        %parallel_loop3A_686 = arith.index_cast %parallel_loop3A_679 : i32 to index
        %parallel_loop3A_687 = tpu.vector_load %arg8[%parallel_loop3A_685, %parallel_loop3A_686] {strides = array<i32>} : memref<16x1024xf32, #tpu.memory_space<vmem>>, vector<16xf32>,
        tpu.vector_store %arg8[%parallel_loop3A_685, %parallel_loop3A_686], %parallel_loop3A_684 {add = true, strides = array<i32>} : memref<16x1024xf32, #tpu.memory_space<vmem>>, vector<16xf32>,
      } {sc.loop_unroll_factor = 8 : i64, sc.parallel_access}
      %scan3A_676 = arith.constant 0 : i32
      scf.yield %scan3A_676 : i32
    }
    %scan3A_358 = arith.constant 16 : i32
    %add3A_359 = arith.constant 96 : i32
    %add3A_360 = arith.addi %mul3A_32, %add3A_359 : i32
    %dma_start3A_361 = arith.constant 0 : i32
    %dma_start3A_362 = tpu.memref_slice %arg5[%add3A_360, %dma_start3A_361] : memref<8192x1024xf32, #tpu.memory_space<hbm>> -> memref<16x1024xf32, #tpu.memory_space<hbm>>
    %dma_start3A_363 = arith.constant 0 : i32
    %dma_start3A_364 = tpu.memref_slice %arg5[%add3A_360, %dma_start3A_363] : memref<8192x1024xf32, #tpu.memory_space<hbm>> -> memref<16x1024xf32, #tpu.memory_space<hbm>>
    tpu.enqueue_dma source(%arg8 : memref<16x1024xf32, #tpu.memory_space<vmem>>) target(%dma_start3A_364 : memref<16x1024xf32, #tpu.memory_space<hbm>>) target_semaphore(%arg22 : memref<!tpu.dma_semaphore, #tpu.memory_space<semaphore_mem>>)
    %dma_wait3A_365 = arith.constant 0 : i32
    %dma_wait3A_366 = tpu.memref_slice %arg2[%add3A_310, %dma_wait3A_365] : memref<8192x1024xf32, #tpu.memory_space<hbm>> -> memref<16x1024xf32, #tpu.memory_space<hbm>>
    %dma_wait3A_367 = arith.constant 0 : i32
    %dma_wait3A_368 = tpu.memref_slice %arg2[%add3A_310, %dma_wait3A_367] : memref<8192x1024xf32, #tpu.memory_space<hbm>> -> memref<16x1024xf32, #tpu.memory_space<hbm>>
    tpu.wait_dma2 semaphore(%arg16 : memref<!tpu.dma_semaphore, #tpu.memory_space<semaphore_mem>>) src(%dma_wait3A_368 : memref<16x1024xf32, #tpu.memory_space<hbm>>) dst(%arg9 : memref<16x1024xf32, #tpu.memory_space<vmem>>)
    %dma_wait3A_369 = tpu.memref_slice %arg7[%add3A_263] : memref<2048xi32, #tpu.memory_space<vmem>> -> memref<16xi32, #tpu.memory_space<vmem>>
    %dma_wait3A_370 = arith.constant 0 : i32
    %dma_wait3A_371 = arith.constant 0 : i32
    %dma_wait3A_372 = tpu.memref_slice %arg4[%dma_wait3A_370, %dma_wait3A_371] : memref<2049x1024xf32, #tpu.memory_space<hbm>> -> memref<2049x1024xf32, #tpu.memory_space<hbm>>
    tpu.wait_indirect_dma semaphore(%arg21 : memref<!tpu.dma_semaphore, #tpu.memory_space<semaphore_mem>>) src(%dma_wait3A_372 : memref<2049x1024xf32, #tpu.memory_space<hbm>>) dst(%arg14 : memref<16x1024xf32, #tpu.memory_space<vmem>>)
    %add3A_373 = arith.constant 160 : i32
    %add3A_374 = arith.addi %mul3A_34, %add3A_373 : i32
    %dma_start3A_375 = tpu.memref_slice %arg7[%add3A_374] : memref<2048xi32, #tpu.memory_space<vmem>> -> memref<16xi32, #tpu.memory_space<vmem>>
    %dma_start3A_376 = arith.constant 0 : i32
    %dma_start3A_377 = arith.constant 0 : i32
    %dma_start3A_378 = tpu.memref_slice %arg4[%dma_start3A_376, %dma_start3A_377] : memref<2049x1024xf32, #tpu.memory_space<hbm>> -> memref<2049x1024xf32, #tpu.memory_space<hbm>>
    tpu.enqueue_indirect_dma source(%dma_start3A_378 : memref<2049x1024xf32, #tpu.memory_space<hbm>>) target(%arg13 : memref<16x1024xf32, #tpu.memory_space<vmem>>) offsets(%dma_start3A_375 : memref<16xi32, #tpu.memory_space<vmem>>) semaphore(%arg20 : memref<!tpu.dma_semaphore, #tpu.memory_space<semaphore_mem>>)
    %dma_wait3A_379 = arith.constant 0 : i32
    %dma_wait3A_380 = tpu.memref_slice %arg5[%add3A_360, %dma_wait3A_379] : memref<8192x1024xf32, #tpu.memory_space<hbm>> -> memref<16x1024xf32, #tpu.memory_space<hbm>>
    %dma_wait3A_381 = arith.constant 0 : i32
    %dma_wait3A_382 = tpu.memref_slice %arg5[%add3A_360, %dma_wait3A_381] : memref<8192x1024xf32, #tpu.memory_space<hbm>> -> memref<16x1024xf32, #tpu.memory_space<hbm>>
    tpu.wait_dma2 semaphore(%arg22 : memref<!tpu.dma_semaphore, #tpu.memory_space<semaphore_mem>>) src(%arg8 : memref<16x1024xf32, #tpu.memory_space<vmem>>) dst(%dma_wait3A_382 : memref<16x1024xf32, #tpu.memory_space<hbm>>)
    %add3A_383 = arith.constant 144 : i32
    %add3A_384 = arith.addi %mul3A_32, %add3A_383 : i32
    %dma_start3A_385 = arith.constant 0 : i32
    %dma_start3A_386 = tpu.memref_slice %arg2[%add3A_384, %dma_start3A_385] : memref<8192x1024xf32, #tpu.memory_space<hbm>> -> memref<16x1024xf32, #tpu.memory_space<hbm>>
    %dma_start3A_387 = arith.constant 0 : i32
    %dma_start3A_388 = tpu.memref_slice %arg2[%add3A_384, %dma_start3A_387] : memref<8192x1024xf32, #tpu.memory_space<hbm>> -> memref<16x1024xf32, #tpu.memory_space<hbm>>
    tpu.enqueue_dma source(%dma_start3A_388 : memref<16x1024xf32, #tpu.memory_space<hbm>>) target(%arg8 : memref<16x1024xf32, #tpu.memory_space<vmem>>) target_semaphore(%arg15 : memref<!tpu.dma_semaphore, #tpu.memory_space<semaphore_mem>>)
    %scan3A_389 = arith.constant 0 : i32
    %scan3A_390 = arith.constant 0 : i32
    %scan3A_391 = arith.constant 16 : i32
    %scan3A_392 = arith.addi %scan3A_390, %scan3A_391 : i32
    %scan3A_393 = arith.constant 1 : i32
    %scan3A_394 = scf.for %scan3A_672 = %scan3A_390 to %scan3A_392 step %scan3A_393 iter_args(%scan3A_673 = %scan3A_389) -> (i32)  : i32 {
      %parallel_loop3A = arith.constant 0 : i32
      %parallel_loop3A_674 = arith.constant 64 : i32
      %parallel_loop3A_675 = arith.constant 1 : i32
      scf.for %parallel_loop3A_677 = %parallel_loop3A to %parallel_loop3A_674 step %parallel_loop3A_675  : i32 {
        %parallel_loop3A_678 = arith.constant 16 : i32
        %parallel_loop3A_679 = arith.muli %parallel_loop3A_677, %parallel_loop3A_678 : i32
        %parallel_loop3A_680 = arith.constant 16 : i32
        %parallel_loop3A_681 = arith.muli %parallel_loop3A_677, %parallel_loop3A_680 : i32
        %parallel_loop3A_682 = arith.index_cast %scan3A_672 : i32 to index
        %parallel_loop3A_683 = arith.index_cast %parallel_loop3A_681 : i32 to index
        %parallel_loop3A_684 = tpu.vector_load %arg14[%parallel_loop3A_682, %parallel_loop3A_683] {strides = array<i32>} : memref<16x1024xf32, #tpu.memory_space<vmem>>, vector<16xf32>,
        %parallel_loop3A_685 = arith.index_cast %scan3A_672 : i32 to index
        %parallel_loop3A_686 = arith.index_cast %parallel_loop3A_679 : i32 to index
        %parallel_loop3A_687 = tpu.vector_load %arg9[%parallel_loop3A_685, %parallel_loop3A_686] {strides = array<i32>} : memref<16x1024xf32, #tpu.memory_space<vmem>>, vector<16xf32>,
        tpu.vector_store %arg9[%parallel_loop3A_685, %parallel_loop3A_686], %parallel_loop3A_684 {add = true, strides = array<i32>} : memref<16x1024xf32, #tpu.memory_space<vmem>>, vector<16xf32>,
      } {sc.loop_unroll_factor = 8 : i64, sc.parallel_access}
      %scan3A_676 = arith.constant 0 : i32
      scf.yield %scan3A_676 : i32
    }
    %scan3A_395 = arith.constant 16 : i32
    %add3A_396 = arith.constant 112 : i32
    %add3A_397 = arith.addi %mul3A_32, %add3A_396 : i32
    %dma_start3A_398 = arith.constant 0 : i32
    %dma_start3A_399 = tpu.memref_slice %arg5[%add3A_397, %dma_start3A_398] : memref<8192x1024xf32, #tpu.memory_space<hbm>> -> memref<16x1024xf32, #tpu.memory_space<hbm>>
    %dma_start3A_400 = arith.constant 0 : i32
    %dma_start3A_401 = tpu.memref_slice %arg5[%add3A_397, %dma_start3A_400] : memref<8192x1024xf32, #tpu.memory_space<hbm>> -> memref<16x1024xf32, #tpu.memory_space<hbm>>
    tpu.enqueue_dma source(%arg9 : memref<16x1024xf32, #tpu.memory_space<vmem>>) target(%dma_start3A_401 : memref<16x1024xf32, #tpu.memory_space<hbm>>) target_semaphore(%arg23 : memref<!tpu.dma_semaphore, #tpu.memory_space<semaphore_mem>>)
    %dma_wait3A_402 = arith.constant 0 : i32
    %dma_wait3A_403 = tpu.memref_slice %arg2[%add3A_347, %dma_wait3A_402] : memref<8192x1024xf32, #tpu.memory_space<hbm>> -> memref<16x1024xf32, #tpu.memory_space<hbm>>
    %dma_wait3A_404 = arith.constant 0 : i32
    %dma_wait3A_405 = tpu.memref_slice %arg2[%add3A_347, %dma_wait3A_404] : memref<8192x1024xf32, #tpu.memory_space<hbm>> -> memref<16x1024xf32, #tpu.memory_space<hbm>>
    tpu.wait_dma2 semaphore(%arg17 : memref<!tpu.dma_semaphore, #tpu.memory_space<semaphore_mem>>) src(%dma_wait3A_405 : memref<16x1024xf32, #tpu.memory_space<hbm>>) dst(%arg10 : memref<16x1024xf32, #tpu.memory_space<vmem>>)
    %dma_wait3A_406 = tpu.memref_slice %arg7[%add3A_300] : memref<2048xi32, #tpu.memory_space<vmem>> -> memref<16xi32, #tpu.memory_space<vmem>>
    %dma_wait3A_407 = arith.constant 0 : i32
    %dma_wait3A_408 = arith.constant 0 : i32
    %dma_wait3A_409 = tpu.memref_slice %arg4[%dma_wait3A_407, %dma_wait3A_408] : memref<2049x1024xf32, #tpu.memory_space<hbm>> -> memref<2049x1024xf32, #tpu.memory_space<hbm>>
    tpu.wait_indirect_dma semaphore(%arg18 : memref<!tpu.dma_semaphore, #tpu.memory_space<semaphore_mem>>) src(%dma_wait3A_409 : memref<2049x1024xf32, #tpu.memory_space<hbm>>) dst(%arg11 : memref<16x1024xf32, #tpu.memory_space<vmem>>)
    %add3A_410 = arith.constant 176 : i32
    %add3A_411 = arith.addi %mul3A_34, %add3A_410 : i32
    %dma_start3A_412 = tpu.memref_slice %arg7[%add3A_411] : memref<2048xi32, #tpu.memory_space<vmem>> -> memref<16xi32, #tpu.memory_space<vmem>>
    %dma_start3A_413 = arith.constant 0 : i32
    %dma_start3A_414 = arith.constant 0 : i32
    %dma_start3A_415 = tpu.memref_slice %arg4[%dma_start3A_413, %dma_start3A_414] : memref<2049x1024xf32, #tpu.memory_space<hbm>> -> memref<2049x1024xf32, #tpu.memory_space<hbm>>
    tpu.enqueue_indirect_dma source(%dma_start3A_415 : memref<2049x1024xf32, #tpu.memory_space<hbm>>) target(%arg14 : memref<16x1024xf32, #tpu.memory_space<vmem>>) offsets(%dma_start3A_412 : memref<16xi32, #tpu.memory_space<vmem>>) semaphore(%arg21 : memref<!tpu.dma_semaphore, #tpu.memory_space<semaphore_mem>>)
    %dma_wait3A_416 = arith.constant 0 : i32
    %dma_wait3A_417 = tpu.memref_slice %arg5[%add3A_397, %dma_wait3A_416] : memref<8192x1024xf32, #tpu.memory_space<hbm>> -> memref<16x1024xf32, #tpu.memory_space<hbm>>
    %dma_wait3A_418 = arith.constant 0 : i32
    %dma_wait3A_419 = tpu.memref_slice %arg5[%add3A_397, %dma_wait3A_418] : memref<8192x1024xf32, #tpu.memory_space<hbm>> -> memref<16x1024xf32, #tpu.memory_space<hbm>>
    tpu.wait_dma2 semaphore(%arg23 : memref<!tpu.dma_semaphore, #tpu.memory_space<semaphore_mem>>) src(%arg9 : memref<16x1024xf32, #tpu.memory_space<vmem>>) dst(%dma_wait3A_419 : memref<16x1024xf32, #tpu.memory_space<hbm>>)
    %add3A_420 = arith.constant 160 : i32
    %add3A_421 = arith.addi %mul3A_32, %add3A_420 : i32
    %dma_start3A_422 = arith.constant 0 : i32
    %dma_start3A_423 = tpu.memref_slice %arg2[%add3A_421, %dma_start3A_422] : memref<8192x1024xf32, #tpu.memory_space<hbm>> -> memref<16x1024xf32, #tpu.memory_space<hbm>>
    %dma_start3A_424 = arith.constant 0 : i32
    %dma_start3A_425 = tpu.memref_slice %arg2[%add3A_421, %dma_start3A_424] : memref<8192x1024xf32, #tpu.memory_space<hbm>> -> memref<16x1024xf32, #tpu.memory_space<hbm>>
    tpu.enqueue_dma source(%dma_start3A_425 : memref<16x1024xf32, #tpu.memory_space<hbm>>) target(%arg9 : memref<16x1024xf32, #tpu.memory_space<vmem>>) target_semaphore(%arg16 : memref<!tpu.dma_semaphore, #tpu.memory_space<semaphore_mem>>)
    %scan3A_426 = arith.constant 0 : i32
    %scan3A_427 = arith.constant 0 : i32
    %scan3A_428 = arith.constant 16 : i32
    %scan3A_429 = arith.addi %scan3A_427, %scan3A_428 : i32
    %scan3A_430 = arith.constant 1 : i32
    %scan3A_431 = scf.for %scan3A_672 = %scan3A_427 to %scan3A_429 step %scan3A_430 iter_args(%scan3A_673 = %scan3A_426) -> (i32)  : i32 {
      %parallel_loop3A = arith.constant 0 : i32
      %parallel_loop3A_674 = arith.constant 64 : i32
      %parallel_loop3A_675 = arith.constant 1 : i32
      scf.for %parallel_loop3A_677 = %parallel_loop3A to %parallel_loop3A_674 step %parallel_loop3A_675  : i32 {
        %parallel_loop3A_678 = arith.constant 16 : i32
        %parallel_loop3A_679 = arith.muli %parallel_loop3A_677, %parallel_loop3A_678 : i32
        %parallel_loop3A_680 = arith.constant 16 : i32
        %parallel_loop3A_681 = arith.muli %parallel_loop3A_677, %parallel_loop3A_680 : i32
        %parallel_loop3A_682 = arith.index_cast %scan3A_672 : i32 to index
        %parallel_loop3A_683 = arith.index_cast %parallel_loop3A_681 : i32 to index
        %parallel_loop3A_684 = tpu.vector_load %arg11[%parallel_loop3A_682, %parallel_loop3A_683] {strides = array<i32>} : memref<16x1024xf32, #tpu.memory_space<vmem>>, vector<16xf32>,
        %parallel_loop3A_685 = arith.index_cast %scan3A_672 : i32 to index
        %parallel_loop3A_686 = arith.index_cast %parallel_loop3A_679 : i32 to index
        %parallel_loop3A_687 = tpu.vector_load %arg10[%parallel_loop3A_685, %parallel_loop3A_686] {strides = array<i32>} : memref<16x1024xf32, #tpu.memory_space<vmem>>, vector<16xf32>,
        tpu.vector_store %arg10[%parallel_loop3A_685, %parallel_loop3A_686], %parallel_loop3A_684 {add = true, strides = array<i32>} : memref<16x1024xf32, #tpu.memory_space<vmem>>, vector<16xf32>,
      } {sc.loop_unroll_factor = 8 : i64, sc.parallel_access}
      %scan3A_676 = arith.constant 0 : i32
      scf.yield %scan3A_676 : i32
    }
    %scan3A_432 = arith.constant 16 : i32
    %add3A_433 = arith.constant 128 : i32
    %add3A_434 = arith.addi %mul3A_32, %add3A_433 : i32
    %dma_start3A_435 = arith.constant 0 : i32
    %dma_start3A_436 = tpu.memref_slice %arg5[%add3A_434, %dma_start3A_435] : memref<8192x1024xf32, #tpu.memory_space<hbm>> -> memref<16x1024xf32, #tpu.memory_space<hbm>>
    %dma_start3A_437 = arith.constant 0 : i32
    %dma_start3A_438 = tpu.memref_slice %arg5[%add3A_434, %dma_start3A_437] : memref<8192x1024xf32, #tpu.memory_space<hbm>> -> memref<16x1024xf32, #tpu.memory_space<hbm>>
    tpu.enqueue_dma source(%arg10 : memref<16x1024xf32, #tpu.memory_space<vmem>>) target(%dma_start3A_438 : memref<16x1024xf32, #tpu.memory_space<hbm>>) target_semaphore(%arg24 : memref<!tpu.dma_semaphore, #tpu.memory_space<semaphore_mem>>)
    %dma_wait3A_439 = arith.constant 0 : i32
    %dma_wait3A_440 = tpu.memref_slice %arg2[%add3A_384, %dma_wait3A_439] : memref<8192x1024xf32, #tpu.memory_space<hbm>> -> memref<16x1024xf32, #tpu.memory_space<hbm>>
    %dma_wait3A_441 = arith.constant 0 : i32
    %dma_wait3A_442 = tpu.memref_slice %arg2[%add3A_384, %dma_wait3A_441] : memref<8192x1024xf32, #tpu.memory_space<hbm>> -> memref<16x1024xf32, #tpu.memory_space<hbm>>
    tpu.wait_dma2 semaphore(%arg15 : memref<!tpu.dma_semaphore, #tpu.memory_space<semaphore_mem>>) src(%dma_wait3A_442 : memref<16x1024xf32, #tpu.memory_space<hbm>>) dst(%arg8 : memref<16x1024xf32, #tpu.memory_space<vmem>>)
    %dma_wait3A_443 = tpu.memref_slice %arg7[%add3A_337] : memref<2048xi32, #tpu.memory_space<vmem>> -> memref<16xi32, #tpu.memory_space<vmem>>
    %dma_wait3A_444 = arith.constant 0 : i32
    %dma_wait3A_445 = arith.constant 0 : i32
    %dma_wait3A_446 = tpu.memref_slice %arg4[%dma_wait3A_444, %dma_wait3A_445] : memref<2049x1024xf32, #tpu.memory_space<hbm>> -> memref<2049x1024xf32, #tpu.memory_space<hbm>>
    tpu.wait_indirect_dma semaphore(%arg19 : memref<!tpu.dma_semaphore, #tpu.memory_space<semaphore_mem>>) src(%dma_wait3A_446 : memref<2049x1024xf32, #tpu.memory_space<hbm>>) dst(%arg12 : memref<16x1024xf32, #tpu.memory_space<vmem>>)
    %add3A_447 = arith.constant 192 : i32
    %add3A_448 = arith.addi %mul3A_34, %add3A_447 : i32
    %dma_start3A_449 = tpu.memref_slice %arg7[%add3A_448] : memref<2048xi32, #tpu.memory_space<vmem>> -> memref<16xi32, #tpu.memory_space<vmem>>
    %dma_start3A_450 = arith.constant 0 : i32
    %dma_start3A_451 = arith.constant 0 : i32
    %dma_start3A_452 = tpu.memref_slice %arg4[%dma_start3A_450, %dma_start3A_451] : memref<2049x1024xf32, #tpu.memory_space<hbm>> -> memref<2049x1024xf32, #tpu.memory_space<hbm>>
    tpu.enqueue_indirect_dma source(%dma_start3A_452 : memref<2049x1024xf32, #tpu.memory_space<hbm>>) target(%arg11 : memref<16x1024xf32, #tpu.memory_space<vmem>>) offsets(%dma_start3A_449 : memref<16xi32, #tpu.memory_space<vmem>>) semaphore(%arg18 : memref<!tpu.dma_semaphore, #tpu.memory_space<semaphore_mem>>)
    %dma_wait3A_453 = arith.constant 0 : i32
    %dma_wait3A_454 = tpu.memref_slice %arg5[%add3A_434, %dma_wait3A_453] : memref<8192x1024xf32, #tpu.memory_space<hbm>> -> memref<16x1024xf32, #tpu.memory_space<hbm>>
    %dma_wait3A_455 = arith.constant 0 : i32
    %dma_wait3A_456 = tpu.memref_slice %arg5[%add3A_434, %dma_wait3A_455] : memref<8192x1024xf32, #tpu.memory_space<hbm>> -> memref<16x1024xf32, #tpu.memory_space<hbm>>
    tpu.wait_dma2 semaphore(%arg24 : memref<!tpu.dma_semaphore, #tpu.memory_space<semaphore_mem>>) src(%arg10 : memref<16x1024xf32, #tpu.memory_space<vmem>>) dst(%dma_wait3A_456 : memref<16x1024xf32, #tpu.memory_space<hbm>>)
    %add3A_457 = arith.constant 176 : i32
    %add3A_458 = arith.addi %mul3A_32, %add3A_457 : i32
    %dma_start3A_459 = arith.constant 0 : i32
    %dma_start3A_460 = tpu.memref_slice %arg2[%add3A_458, %dma_start3A_459] : memref<8192x1024xf32, #tpu.memory_space<hbm>> -> memref<16x1024xf32, #tpu.memory_space<hbm>>
    %dma_start3A_461 = arith.constant 0 : i32
    %dma_start3A_462 = tpu.memref_slice %arg2[%add3A_458, %dma_start3A_461] : memref<8192x1024xf32, #tpu.memory_space<hbm>> -> memref<16x1024xf32, #tpu.memory_space<hbm>>
    tpu.enqueue_dma source(%dma_start3A_462 : memref<16x1024xf32, #tpu.memory_space<hbm>>) target(%arg10 : memref<16x1024xf32, #tpu.memory_space<vmem>>) target_semaphore(%arg17 : memref<!tpu.dma_semaphore, #tpu.memory_space<semaphore_mem>>)
    %scan3A_463 = arith.constant 0 : i32
    %scan3A_464 = arith.constant 0 : i32
    %scan3A_465 = arith.constant 16 : i32
    %scan3A_466 = arith.addi %scan3A_464, %scan3A_465 : i32
    %scan3A_467 = arith.constant 1 : i32
    %scan3A_468 = scf.for %scan3A_672 = %scan3A_464 to %scan3A_466 step %scan3A_467 iter_args(%scan3A_673 = %scan3A_463) -> (i32)  : i32 {
      %parallel_loop3A = arith.constant 0 : i32
      %parallel_loop3A_674 = arith.constant 64 : i32
      %parallel_loop3A_675 = arith.constant 1 : i32
      scf.for %parallel_loop3A_677 = %parallel_loop3A to %parallel_loop3A_674 step %parallel_loop3A_675  : i32 {
        %parallel_loop3A_678 = arith.constant 16 : i32
        %parallel_loop3A_679 = arith.muli %parallel_loop3A_677, %parallel_loop3A_678 : i32
        %parallel_loop3A_680 = arith.constant 16 : i32
        %parallel_loop3A_681 = arith.muli %parallel_loop3A_677, %parallel_loop3A_680 : i32
        %parallel_loop3A_682 = arith.index_cast %scan3A_672 : i32 to index
        %parallel_loop3A_683 = arith.index_cast %parallel_loop3A_681 : i32 to index
        %parallel_loop3A_684 = tpu.vector_load %arg12[%parallel_loop3A_682, %parallel_loop3A_683] {strides = array<i32>} : memref<16x1024xf32, #tpu.memory_space<vmem>>, vector<16xf32>,
        %parallel_loop3A_685 = arith.index_cast %scan3A_672 : i32 to index
        %parallel_loop3A_686 = arith.index_cast %parallel_loop3A_679 : i32 to index
        %parallel_loop3A_687 = tpu.vector_load %arg8[%parallel_loop3A_685, %parallel_loop3A_686] {strides = array<i32>} : memref<16x1024xf32, #tpu.memory_space<vmem>>, vector<16xf32>,
        tpu.vector_store %arg8[%parallel_loop3A_685, %parallel_loop3A_686], %parallel_loop3A_684 {add = true, strides = array<i32>} : memref<16x1024xf32, #tpu.memory_space<vmem>>, vector<16xf32>,
      } {sc.loop_unroll_factor = 8 : i64, sc.parallel_access}
      %scan3A_676 = arith.constant 0 : i32
      scf.yield %scan3A_676 : i32
    }
    %scan3A_469 = arith.constant 16 : i32
    %add3A_470 = arith.constant 144 : i32
    %add3A_471 = arith.addi %mul3A_32, %add3A_470 : i32
    %dma_start3A_472 = arith.constant 0 : i32
    %dma_start3A_473 = tpu.memref_slice %arg5[%add3A_471, %dma_start3A_472] : memref<8192x1024xf32, #tpu.memory_space<hbm>> -> memref<16x1024xf32, #tpu.memory_space<hbm>>
    %dma_start3A_474 = arith.constant 0 : i32
    %dma_start3A_475 = tpu.memref_slice %arg5[%add3A_471, %dma_start3A_474] : memref<8192x1024xf32, #tpu.memory_space<hbm>> -> memref<16x1024xf32, #tpu.memory_space<hbm>>
    tpu.enqueue_dma source(%arg8 : memref<16x1024xf32, #tpu.memory_space<vmem>>) target(%dma_start3A_475 : memref<16x1024xf32, #tpu.memory_space<hbm>>) target_semaphore(%arg22 : memref<!tpu.dma_semaphore, #tpu.memory_space<semaphore_mem>>)
    %dma_wait3A_476 = arith.constant 0 : i32
    %dma_wait3A_477 = tpu.memref_slice %arg2[%add3A_421, %dma_wait3A_476] : memref<8192x1024xf32, #tpu.memory_space<hbm>> -> memref<16x1024xf32, #tpu.memory_space<hbm>>
    %dma_wait3A_478 = arith.constant 0 : i32
    %dma_wait3A_479 = tpu.memref_slice %arg2[%add3A_421, %dma_wait3A_478] : memref<8192x1024xf32, #tpu.memory_space<hbm>> -> memref<16x1024xf32, #tpu.memory_space<hbm>>
    tpu.wait_dma2 semaphore(%arg16 : memref<!tpu.dma_semaphore, #tpu.memory_space<semaphore_mem>>) src(%dma_wait3A_479 : memref<16x1024xf32, #tpu.memory_space<hbm>>) dst(%arg9 : memref<16x1024xf32, #tpu.memory_space<vmem>>)
    %dma_wait3A_480 = tpu.memref_slice %arg7[%add3A_374] : memref<2048xi32, #tpu.memory_space<vmem>> -> memref<16xi32, #tpu.memory_space<vmem>>
    %dma_wait3A_481 = arith.constant 0 : i32
    %dma_wait3A_482 = arith.constant 0 : i32
    %dma_wait3A_483 = tpu.memref_slice %arg4[%dma_wait3A_481, %dma_wait3A_482] : memref<2049x1024xf32, #tpu.memory_space<hbm>> -> memref<2049x1024xf32, #tpu.memory_space<hbm>>
    tpu.wait_indirect_dma semaphore(%arg20 : memref<!tpu.dma_semaphore, #tpu.memory_space<semaphore_mem>>) src(%dma_wait3A_483 : memref<2049x1024xf32, #tpu.memory_space<hbm>>) dst(%arg13 : memref<16x1024xf32, #tpu.memory_space<vmem>>)
    %add3A_484 = arith.constant 208 : i32
    %add3A_485 = arith.addi %mul3A_34, %add3A_484 : i32
    %dma_start3A_486 = tpu.memref_slice %arg7[%add3A_485] : memref<2048xi32, #tpu.memory_space<vmem>> -> memref<16xi32, #tpu.memory_space<vmem>>
    %dma_start3A_487 = arith.constant 0 : i32
    %dma_start3A_488 = arith.constant 0 : i32
    %dma_start3A_489 = tpu.memref_slice %arg4[%dma_start3A_487, %dma_start3A_488] : memref<2049x1024xf32, #tpu.memory_space<hbm>> -> memref<2049x1024xf32, #tpu.memory_space<hbm>>
    tpu.enqueue_indirect_dma source(%dma_start3A_489 : memref<2049x1024xf32, #tpu.memory_space<hbm>>) target(%arg12 : memref<16x1024xf32, #tpu.memory_space<vmem>>) offsets(%dma_start3A_486 : memref<16xi32, #tpu.memory_space<vmem>>) semaphore(%arg19 : memref<!tpu.dma_semaphore, #tpu.memory_space<semaphore_mem>>)
    %dma_wait3A_490 = arith.constant 0 : i32
    %dma_wait3A_491 = tpu.memref_slice %arg5[%add3A_471, %dma_wait3A_490] : memref<8192x1024xf32, #tpu.memory_space<hbm>> -> memref<16x1024xf32, #tpu.memory_space<hbm>>
    %dma_wait3A_492 = arith.constant 0 : i32
    %dma_wait3A_493 = tpu.memref_slice %arg5[%add3A_471, %dma_wait3A_492] : memref<8192x1024xf32, #tpu.memory_space<hbm>> -> memref<16x1024xf32, #tpu.memory_space<hbm>>
    tpu.wait_dma2 semaphore(%arg22 : memref<!tpu.dma_semaphore, #tpu.memory_space<semaphore_mem>>) src(%arg8 : memref<16x1024xf32, #tpu.memory_space<vmem>>) dst(%dma_wait3A_493 : memref<16x1024xf32, #tpu.memory_space<hbm>>)
    %add3A_494 = arith.constant 192 : i32
    %add3A_495 = arith.addi %mul3A_32, %add3A_494 : i32
    %dma_start3A_496 = arith.constant 0 : i32
    %dma_start3A_497 = tpu.memref_slice %arg2[%add3A_495, %dma_start3A_496] : memref<8192x1024xf32, #tpu.memory_space<hbm>> -> memref<16x1024xf32, #tpu.memory_space<hbm>>
    %dma_start3A_498 = arith.constant 0 : i32
    %dma_start3A_499 = tpu.memref_slice %arg2[%add3A_495, %dma_start3A_498] : memref<8192x1024xf32, #tpu.memory_space<hbm>> -> memref<16x1024xf32, #tpu.memory_space<hbm>>
    tpu.enqueue_dma source(%dma_start3A_499 : memref<16x1024xf32, #tpu.memory_space<hbm>>) target(%arg8 : memref<16x1024xf32, #tpu.memory_space<vmem>>) target_semaphore(%arg15 : memref<!tpu.dma_semaphore, #tpu.memory_space<semaphore_mem>>)
    %scan3A_500 = arith.constant 0 : i32
    %scan3A_501 = arith.constant 0 : i32
    %scan3A_502 = arith.constant 16 : i32
    %scan3A_503 = arith.addi %scan3A_501, %scan3A_502 : i32
    %scan3A_504 = arith.constant 1 : i32
    %scan3A_505 = scf.for %scan3A_672 = %scan3A_501 to %scan3A_503 step %scan3A_504 iter_args(%scan3A_673 = %scan3A_500) -> (i32)  : i32 {
      %parallel_loop3A = arith.constant 0 : i32
      %parallel_loop3A_674 = arith.constant 64 : i32
      %parallel_loop3A_675 = arith.constant 1 : i32
      scf.for %parallel_loop3A_677 = %parallel_loop3A to %parallel_loop3A_674 step %parallel_loop3A_675  : i32 {
        %parallel_loop3A_678 = arith.constant 16 : i32
        %parallel_loop3A_679 = arith.muli %parallel_loop3A_677, %parallel_loop3A_678 : i32
        %parallel_loop3A_680 = arith.constant 16 : i32
        %parallel_loop3A_681 = arith.muli %parallel_loop3A_677, %parallel_loop3A_680 : i32
        %parallel_loop3A_682 = arith.index_cast %scan3A_672 : i32 to index
        %parallel_loop3A_683 = arith.index_cast %parallel_loop3A_681 : i32 to index
        %parallel_loop3A_684 = tpu.vector_load %arg13[%parallel_loop3A_682, %parallel_loop3A_683] {strides = array<i32>} : memref<16x1024xf32, #tpu.memory_space<vmem>>, vector<16xf32>,
        %parallel_loop3A_685 = arith.index_cast %scan3A_672 : i32 to index
        %parallel_loop3A_686 = arith.index_cast %parallel_loop3A_679 : i32 to index
        %parallel_loop3A_687 = tpu.vector_load %arg9[%parallel_loop3A_685, %parallel_loop3A_686] {strides = array<i32>} : memref<16x1024xf32, #tpu.memory_space<vmem>>, vector<16xf32>,
        tpu.vector_store %arg9[%parallel_loop3A_685, %parallel_loop3A_686], %parallel_loop3A_684 {add = true, strides = array<i32>} : memref<16x1024xf32, #tpu.memory_space<vmem>>, vector<16xf32>,
      } {sc.loop_unroll_factor = 8 : i64, sc.parallel_access}
      %scan3A_676 = arith.constant 0 : i32
      scf.yield %scan3A_676 : i32
    }
    %scan3A_506 = arith.constant 16 : i32
    %add3A_507 = arith.constant 160 : i32
    %add3A_508 = arith.addi %mul3A_32, %add3A_507 : i32
    %dma_start3A_509 = arith.constant 0 : i32
    %dma_start3A_510 = tpu.memref_slice %arg5[%add3A_508, %dma_start3A_509] : memref<8192x1024xf32, #tpu.memory_space<hbm>> -> memref<16x1024xf32, #tpu.memory_space<hbm>>
    %dma_start3A_511 = arith.constant 0 : i32
    %dma_start3A_512 = tpu.memref_slice %arg5[%add3A_508, %dma_start3A_511] : memref<8192x1024xf32, #tpu.memory_space<hbm>> -> memref<16x1024xf32, #tpu.memory_space<hbm>>
    tpu.enqueue_dma source(%arg9 : memref<16x1024xf32, #tpu.memory_space<vmem>>) target(%dma_start3A_512 : memref<16x1024xf32, #tpu.memory_space<hbm>>) target_semaphore(%arg23 : memref<!tpu.dma_semaphore, #tpu.memory_space<semaphore_mem>>)
    %dma_wait3A_513 = arith.constant 0 : i32
    %dma_wait3A_514 = tpu.memref_slice %arg2[%add3A_458, %dma_wait3A_513] : memref<8192x1024xf32, #tpu.memory_space<hbm>> -> memref<16x1024xf32, #tpu.memory_space<hbm>>
    %dma_wait3A_515 = arith.constant 0 : i32
    %dma_wait3A_516 = tpu.memref_slice %arg2[%add3A_458, %dma_wait3A_515] : memref<8192x1024xf32, #tpu.memory_space<hbm>> -> memref<16x1024xf32, #tpu.memory_space<hbm>>
    tpu.wait_dma2 semaphore(%arg17 : memref<!tpu.dma_semaphore, #tpu.memory_space<semaphore_mem>>) src(%dma_wait3A_516 : memref<16x1024xf32, #tpu.memory_space<hbm>>) dst(%arg10 : memref<16x1024xf32, #tpu.memory_space<vmem>>)
    %dma_wait3A_517 = tpu.memref_slice %arg7[%add3A_411] : memref<2048xi32, #tpu.memory_space<vmem>> -> memref<16xi32, #tpu.memory_space<vmem>>
    %dma_wait3A_518 = arith.constant 0 : i32
    %dma_wait3A_519 = arith.constant 0 : i32
    %dma_wait3A_520 = tpu.memref_slice %arg4[%dma_wait3A_518, %dma_wait3A_519] : memref<2049x1024xf32, #tpu.memory_space<hbm>> -> memref<2049x1024xf32, #tpu.memory_space<hbm>>
    tpu.wait_indirect_dma semaphore(%arg21 : memref<!tpu.dma_semaphore, #tpu.memory_space<semaphore_mem>>) src(%dma_wait3A_520 : memref<2049x1024xf32, #tpu.memory_space<hbm>>) dst(%arg14 : memref<16x1024xf32, #tpu.memory_space<vmem>>)
    %add3A_521 = arith.constant 224 : i32
    %add3A_522 = arith.addi %mul3A_34, %add3A_521 : i32
    %dma_start3A_523 = tpu.memref_slice %arg7[%add3A_522] : memref<2048xi32, #tpu.memory_space<vmem>> -> memref<16xi32, #tpu.memory_space<vmem>>
    %dma_start3A_524 = arith.constant 0 : i32
    %dma_start3A_525 = arith.constant 0 : i32
    %dma_start3A_526 = tpu.memref_slice %arg4[%dma_start3A_524, %dma_start3A_525] : memref<2049x1024xf32, #tpu.memory_space<hbm>> -> memref<2049x1024xf32, #tpu.memory_space<hbm>>
    tpu.enqueue_indirect_dma source(%dma_start3A_526 : memref<2049x1024xf32, #tpu.memory_space<hbm>>) target(%arg13 : memref<16x1024xf32, #tpu.memory_space<vmem>>) offsets(%dma_start3A_523 : memref<16xi32, #tpu.memory_space<vmem>>) semaphore(%arg20 : memref<!tpu.dma_semaphore, #tpu.memory_space<semaphore_mem>>)
    %dma_wait3A_527 = arith.constant 0 : i32
    %dma_wait3A_528 = tpu.memref_slice %arg5[%add3A_508, %dma_wait3A_527] : memref<8192x1024xf32, #tpu.memory_space<hbm>> -> memref<16x1024xf32, #tpu.memory_space<hbm>>
    %dma_wait3A_529 = arith.constant 0 : i32
    %dma_wait3A_530 = tpu.memref_slice %arg5[%add3A_508, %dma_wait3A_529] : memref<8192x1024xf32, #tpu.memory_space<hbm>> -> memref<16x1024xf32, #tpu.memory_space<hbm>>
    tpu.wait_dma2 semaphore(%arg23 : memref<!tpu.dma_semaphore, #tpu.memory_space<semaphore_mem>>) src(%arg9 : memref<16x1024xf32, #tpu.memory_space<vmem>>) dst(%dma_wait3A_530 : memref<16x1024xf32, #tpu.memory_space<hbm>>)
    %add3A_531 = arith.constant 208 : i32
    %add3A_532 = arith.addi %mul3A_32, %add3A_531 : i32
    %dma_start3A_533 = arith.constant 0 : i32
    %dma_start3A_534 = tpu.memref_slice %arg2[%add3A_532, %dma_start3A_533] : memref<8192x1024xf32, #tpu.memory_space<hbm>> -> memref<16x1024xf32, #tpu.memory_space<hbm>>
    %dma_start3A_535 = arith.constant 0 : i32
    %dma_start3A_536 = tpu.memref_slice %arg2[%add3A_532, %dma_start3A_535] : memref<8192x1024xf32, #tpu.memory_space<hbm>> -> memref<16x1024xf32, #tpu.memory_space<hbm>>
    tpu.enqueue_dma source(%dma_start3A_536 : memref<16x1024xf32, #tpu.memory_space<hbm>>) target(%arg9 : memref<16x1024xf32, #tpu.memory_space<vmem>>) target_semaphore(%arg16 : memref<!tpu.dma_semaphore, #tpu.memory_space<semaphore_mem>>)
    %scan3A_537 = arith.constant 0 : i32
    %scan3A_538 = arith.constant 0 : i32
    %scan3A_539 = arith.constant 16 : i32
    %scan3A_540 = arith.addi %scan3A_538, %scan3A_539 : i32
    %scan3A_541 = arith.constant 1 : i32
    %scan3A_542 = scf.for %scan3A_672 = %scan3A_538 to %scan3A_540 step %scan3A_541 iter_args(%scan3A_673 = %scan3A_537) -> (i32)  : i32 {
      %parallel_loop3A = arith.constant 0 : i32
      %parallel_loop3A_674 = arith.constant 64 : i32
      %parallel_loop3A_675 = arith.constant 1 : i32
      scf.for %parallel_loop3A_677 = %parallel_loop3A to %parallel_loop3A_674 step %parallel_loop3A_675  : i32 {
        %parallel_loop3A_678 = arith.constant 16 : i32
        %parallel_loop3A_679 = arith.muli %parallel_loop3A_677, %parallel_loop3A_678 : i32
        %parallel_loop3A_680 = arith.constant 16 : i32
        %parallel_loop3A_681 = arith.muli %parallel_loop3A_677, %parallel_loop3A_680 : i32
        %parallel_loop3A_682 = arith.index_cast %scan3A_672 : i32 to index
        %parallel_loop3A_683 = arith.index_cast %parallel_loop3A_681 : i32 to index
        %parallel_loop3A_684 = tpu.vector_load %arg14[%parallel_loop3A_682, %parallel_loop3A_683] {strides = array<i32>} : memref<16x1024xf32, #tpu.memory_space<vmem>>, vector<16xf32>,
        %parallel_loop3A_685 = arith.index_cast %scan3A_672 : i32 to index
        %parallel_loop3A_686 = arith.index_cast %parallel_loop3A_679 : i32 to index
        %parallel_loop3A_687 = tpu.vector_load %arg10[%parallel_loop3A_685, %parallel_loop3A_686] {strides = array<i32>} : memref<16x1024xf32, #tpu.memory_space<vmem>>, vector<16xf32>,
        tpu.vector_store %arg10[%parallel_loop3A_685, %parallel_loop3A_686], %parallel_loop3A_684 {add = true, strides = array<i32>} : memref<16x1024xf32, #tpu.memory_space<vmem>>, vector<16xf32>,
      } {sc.loop_unroll_factor = 8 : i64, sc.parallel_access}
      %scan3A_676 = arith.constant 0 : i32
      scf.yield %scan3A_676 : i32
    }
    %scan3A_543 = arith.constant 16 : i32
    %add3A_544 = arith.constant 176 : i32
    %add3A_545 = arith.addi %mul3A_32, %add3A_544 : i32
    %dma_start3A_546 = arith.constant 0 : i32
    %dma_start3A_547 = tpu.memref_slice %arg5[%add3A_545, %dma_start3A_546] : memref<8192x1024xf32, #tpu.memory_space<hbm>> -> memref<16x1024xf32, #tpu.memory_space<hbm>>
    %dma_start3A_548 = arith.constant 0 : i32
    %dma_start3A_549 = tpu.memref_slice %arg5[%add3A_545, %dma_start3A_548] : memref<8192x1024xf32, #tpu.memory_space<hbm>> -> memref<16x1024xf32, #tpu.memory_space<hbm>>
    tpu.enqueue_dma source(%arg10 : memref<16x1024xf32, #tpu.memory_space<vmem>>) target(%dma_start3A_549 : memref<16x1024xf32, #tpu.memory_space<hbm>>) target_semaphore(%arg24 : memref<!tpu.dma_semaphore, #tpu.memory_space<semaphore_mem>>)
    %dma_wait3A_550 = arith.constant 0 : i32
    %dma_wait3A_551 = tpu.memref_slice %arg2[%add3A_495, %dma_wait3A_550] : memref<8192x1024xf32, #tpu.memory_space<hbm>> -> memref<16x1024xf32, #tpu.memory_space<hbm>>
    %dma_wait3A_552 = arith.constant 0 : i32
    %dma_wait3A_553 = tpu.memref_slice %arg2[%add3A_495, %dma_wait3A_552] : memref<8192x1024xf32, #tpu.memory_space<hbm>> -> memref<16x1024xf32, #tpu.memory_space<hbm>>
    tpu.wait_dma2 semaphore(%arg15 : memref<!tpu.dma_semaphore, #tpu.memory_space<semaphore_mem>>) src(%dma_wait3A_553 : memref<16x1024xf32, #tpu.memory_space<hbm>>) dst(%arg8 : memref<16x1024xf32, #tpu.memory_space<vmem>>)
    %dma_wait3A_554 = tpu.memref_slice %arg7[%add3A_448] : memref<2048xi32, #tpu.memory_space<vmem>> -> memref<16xi32, #tpu.memory_space<vmem>>
    %dma_wait3A_555 = arith.constant 0 : i32
    %dma_wait3A_556 = arith.constant 0 : i32
    %dma_wait3A_557 = tpu.memref_slice %arg4[%dma_wait3A_555, %dma_wait3A_556] : memref<2049x1024xf32, #tpu.memory_space<hbm>> -> memref<2049x1024xf32, #tpu.memory_space<hbm>>
    tpu.wait_indirect_dma semaphore(%arg18 : memref<!tpu.dma_semaphore, #tpu.memory_space<semaphore_mem>>) src(%dma_wait3A_557 : memref<2049x1024xf32, #tpu.memory_space<hbm>>) dst(%arg11 : memref<16x1024xf32, #tpu.memory_space<vmem>>)
    %add3A_558 = arith.constant 240 : i32
    %add3A_559 = arith.addi %mul3A_34, %add3A_558 : i32
    %dma_start3A_560 = tpu.memref_slice %arg7[%add3A_559] : memref<2048xi32, #tpu.memory_space<vmem>> -> memref<16xi32, #tpu.memory_space<vmem>>
    %dma_start3A_561 = arith.constant 0 : i32
    %dma_start3A_562 = arith.constant 0 : i32
    %dma_start3A_563 = tpu.memref_slice %arg4[%dma_start3A_561, %dma_start3A_562] : memref<2049x1024xf32, #tpu.memory_space<hbm>> -> memref<2049x1024xf32, #tpu.memory_space<hbm>>
    tpu.enqueue_indirect_dma source(%dma_start3A_563 : memref<2049x1024xf32, #tpu.memory_space<hbm>>) target(%arg14 : memref<16x1024xf32, #tpu.memory_space<vmem>>) offsets(%dma_start3A_560 : memref<16xi32, #tpu.memory_space<vmem>>) semaphore(%arg21 : memref<!tpu.dma_semaphore, #tpu.memory_space<semaphore_mem>>)
    %dma_wait3A_564 = arith.constant 0 : i32
    %dma_wait3A_565 = tpu.memref_slice %arg5[%add3A_545, %dma_wait3A_564] : memref<8192x1024xf32, #tpu.memory_space<hbm>> -> memref<16x1024xf32, #tpu.memory_space<hbm>>
    %dma_wait3A_566 = arith.constant 0 : i32
    %dma_wait3A_567 = tpu.memref_slice %arg5[%add3A_545, %dma_wait3A_566] : memref<8192x1024xf32, #tpu.memory_space<hbm>> -> memref<16x1024xf32, #tpu.memory_space<hbm>>
    tpu.wait_dma2 semaphore(%arg24 : memref<!tpu.dma_semaphore, #tpu.memory_space<semaphore_mem>>) src(%arg10 : memref<16x1024xf32, #tpu.memory_space<vmem>>) dst(%dma_wait3A_567 : memref<16x1024xf32, #tpu.memory_space<hbm>>)
    %add3A_568 = arith.constant 224 : i32
    %add3A_569 = arith.addi %mul3A_32, %add3A_568 : i32
    %dma_start3A_570 = arith.constant 0 : i32
    %dma_start3A_571 = tpu.memref_slice %arg2[%add3A_569, %dma_start3A_570] : memref<8192x1024xf32, #tpu.memory_space<hbm>> -> memref<16x1024xf32, #tpu.memory_space<hbm>>
    %dma_start3A_572 = arith.constant 0 : i32
    %dma_start3A_573 = tpu.memref_slice %arg2[%add3A_569, %dma_start3A_572] : memref<8192x1024xf32, #tpu.memory_space<hbm>> -> memref<16x1024xf32, #tpu.memory_space<hbm>>
    tpu.enqueue_dma source(%dma_start3A_573 : memref<16x1024xf32, #tpu.memory_space<hbm>>) target(%arg10 : memref<16x1024xf32, #tpu.memory_space<vmem>>) target_semaphore(%arg17 : memref<!tpu.dma_semaphore, #tpu.memory_space<semaphore_mem>>)
    %scan3A_574 = arith.constant 0 : i32
    %scan3A_575 = arith.constant 0 : i32
    %scan3A_576 = arith.constant 16 : i32
    %scan3A_577 = arith.addi %scan3A_575, %scan3A_576 : i32
    %scan3A_578 = arith.constant 1 : i32
    %scan3A_579 = scf.for %scan3A_672 = %scan3A_575 to %scan3A_577 step %scan3A_578 iter_args(%scan3A_673 = %scan3A_574) -> (i32)  : i32 {
      %parallel_loop3A = arith.constant 0 : i32
      %parallel_loop3A_674 = arith.constant 64 : i32
      %parallel_loop3A_675 = arith.constant 1 : i32
      scf.for %parallel_loop3A_677 = %parallel_loop3A to %parallel_loop3A_674 step %parallel_loop3A_675  : i32 {
        %parallel_loop3A_678 = arith.constant 16 : i32
        %parallel_loop3A_679 = arith.muli %parallel_loop3A_677, %parallel_loop3A_678 : i32
        %parallel_loop3A_680 = arith.constant 16 : i32
        %parallel_loop3A_681 = arith.muli %parallel_loop3A_677, %parallel_loop3A_680 : i32
        %parallel_loop3A_682 = arith.index_cast %scan3A_672 : i32 to index
        %parallel_loop3A_683 = arith.index_cast %parallel_loop3A_681 : i32 to index
        %parallel_loop3A_684 = tpu.vector_load %arg11[%parallel_loop3A_682, %parallel_loop3A_683] {strides = array<i32>} : memref<16x1024xf32, #tpu.memory_space<vmem>>, vector<16xf32>,
        %parallel_loop3A_685 = arith.index_cast %scan3A_672 : i32 to index
        %parallel_loop3A_686 = arith.index_cast %parallel_loop3A_679 : i32 to index
        %parallel_loop3A_687 = tpu.vector_load %arg8[%parallel_loop3A_685, %parallel_loop3A_686] {strides = array<i32>} : memref<16x1024xf32, #tpu.memory_space<vmem>>, vector<16xf32>,
        tpu.vector_store %arg8[%parallel_loop3A_685, %parallel_loop3A_686], %parallel_loop3A_684 {add = true, strides = array<i32>} : memref<16x1024xf32, #tpu.memory_space<vmem>>, vector<16xf32>,
      } {sc.loop_unroll_factor = 8 : i64, sc.parallel_access}
      %scan3A_676 = arith.constant 0 : i32
      scf.yield %scan3A_676 : i32
    }
    %scan3A_580 = arith.constant 16 : i32
    %add3A_581 = arith.constant 192 : i32
    %add3A_582 = arith.addi %mul3A_32, %add3A_581 : i32
    %dma_start3A_583 = arith.constant 0 : i32
    %dma_start3A_584 = tpu.memref_slice %arg5[%add3A_582, %dma_start3A_583] : memref<8192x1024xf32, #tpu.memory_space<hbm>> -> memref<16x1024xf32, #tpu.memory_space<hbm>>
    %dma_start3A_585 = arith.constant 0 : i32
    %dma_start3A_586 = tpu.memref_slice %arg5[%add3A_582, %dma_start3A_585] : memref<8192x1024xf32, #tpu.memory_space<hbm>> -> memref<16x1024xf32, #tpu.memory_space<hbm>>
    tpu.enqueue_dma source(%arg8 : memref<16x1024xf32, #tpu.memory_space<vmem>>) target(%dma_start3A_586 : memref<16x1024xf32, #tpu.memory_space<hbm>>) target_semaphore(%arg22 : memref<!tpu.dma_semaphore, #tpu.memory_space<semaphore_mem>>)
    %dma_wait3A_587 = arith.constant 0 : i32
    %dma_wait3A_588 = tpu.memref_slice %arg2[%add3A_532, %dma_wait3A_587] : memref<8192x1024xf32, #tpu.memory_space<hbm>> -> memref<16x1024xf32, #tpu.memory_space<hbm>>
    %dma_wait3A_589 = arith.constant 0 : i32
    %dma_wait3A_590 = tpu.memref_slice %arg2[%add3A_532, %dma_wait3A_589] : memref<8192x1024xf32, #tpu.memory_space<hbm>> -> memref<16x1024xf32, #tpu.memory_space<hbm>>
    tpu.wait_dma2 semaphore(%arg16 : memref<!tpu.dma_semaphore, #tpu.memory_space<semaphore_mem>>) src(%dma_wait3A_590 : memref<16x1024xf32, #tpu.memory_space<hbm>>) dst(%arg9 : memref<16x1024xf32, #tpu.memory_space<vmem>>)
    %dma_wait3A_591 = tpu.memref_slice %arg7[%add3A_485] : memref<2048xi32, #tpu.memory_space<vmem>> -> memref<16xi32, #tpu.memory_space<vmem>>
    %dma_wait3A_592 = arith.constant 0 : i32
    %dma_wait3A_593 = arith.constant 0 : i32
    %dma_wait3A_594 = tpu.memref_slice %arg4[%dma_wait3A_592, %dma_wait3A_593] : memref<2049x1024xf32, #tpu.memory_space<hbm>> -> memref<2049x1024xf32, #tpu.memory_space<hbm>>
    tpu.wait_indirect_dma semaphore(%arg19 : memref<!tpu.dma_semaphore, #tpu.memory_space<semaphore_mem>>) src(%dma_wait3A_594 : memref<2049x1024xf32, #tpu.memory_space<hbm>>) dst(%arg12 : memref<16x1024xf32, #tpu.memory_space<vmem>>)
    %dma_wait3A_595 = arith.constant 0 : i32
    %dma_wait3A_596 = tpu.memref_slice %arg5[%add3A_582, %dma_wait3A_595] : memref<8192x1024xf32, #tpu.memory_space<hbm>> -> memref<16x1024xf32, #tpu.memory_space<hbm>>
    %dma_wait3A_597 = arith.constant 0 : i32
    %dma_wait3A_598 = tpu.memref_slice %arg5[%add3A_582, %dma_wait3A_597] : memref<8192x1024xf32, #tpu.memory_space<hbm>> -> memref<16x1024xf32, #tpu.memory_space<hbm>>
    tpu.wait_dma2 semaphore(%arg22 : memref<!tpu.dma_semaphore, #tpu.memory_space<semaphore_mem>>) src(%arg8 : memref<16x1024xf32, #tpu.memory_space<vmem>>) dst(%dma_wait3A_598 : memref<16x1024xf32, #tpu.memory_space<hbm>>)
    %add3A_599 = arith.constant 240 : i32
    %add3A_600 = arith.addi %mul3A_32, %add3A_599 : i32
    %dma_start3A_601 = arith.constant 0 : i32
    %dma_start3A_602 = tpu.memref_slice %arg2[%add3A_600, %dma_start3A_601] : memref<8192x1024xf32, #tpu.memory_space<hbm>> -> memref<16x1024xf32, #tpu.memory_space<hbm>>
    %dma_start3A_603 = arith.constant 0 : i32
    %dma_start3A_604 = tpu.memref_slice %arg2[%add3A_600, %dma_start3A_603] : memref<8192x1024xf32, #tpu.memory_space<hbm>> -> memref<16x1024xf32, #tpu.memory_space<hbm>>
    tpu.enqueue_dma source(%dma_start3A_604 : memref<16x1024xf32, #tpu.memory_space<hbm>>) target(%arg8 : memref<16x1024xf32, #tpu.memory_space<vmem>>) target_semaphore(%arg15 : memref<!tpu.dma_semaphore, #tpu.memory_space<semaphore_mem>>)
    %scan3A_605 = arith.constant 0 : i32
    %scan3A_606 = arith.constant 0 : i32
    %scan3A_607 = arith.constant 16 : i32
    %scan3A_608 = arith.addi %scan3A_606, %scan3A_607 : i32
    %scan3A_609 = arith.constant 1 : i32
    %scan3A_610 = scf.for %scan3A_672 = %scan3A_606 to %scan3A_608 step %scan3A_609 iter_args(%scan3A_673 = %scan3A_605) -> (i32)  : i32 {
      %parallel_loop3A = arith.constant 0 : i32
      %parallel_loop3A_674 = arith.constant 64 : i32
      %parallel_loop3A_675 = arith.constant 1 : i32
      scf.for %parallel_loop3A_677 = %parallel_loop3A to %parallel_loop3A_674 step %parallel_loop3A_675  : i32 {
        %parallel_loop3A_678 = arith.constant 16 : i32
        %parallel_loop3A_679 = arith.muli %parallel_loop3A_677, %parallel_loop3A_678 : i32
        %parallel_loop3A_680 = arith.constant 16 : i32
        %parallel_loop3A_681 = arith.muli %parallel_loop3A_677, %parallel_loop3A_680 : i32
        %parallel_loop3A_682 = arith.index_cast %scan3A_672 : i32 to index
        %parallel_loop3A_683 = arith.index_cast %parallel_loop3A_681 : i32 to index
        %parallel_loop3A_684 = tpu.vector_load %arg12[%parallel_loop3A_682, %parallel_loop3A_683] {strides = array<i32>} : memref<16x1024xf32, #tpu.memory_space<vmem>>, vector<16xf32>,
        %parallel_loop3A_685 = arith.index_cast %scan3A_672 : i32 to index
        %parallel_loop3A_686 = arith.index_cast %parallel_loop3A_679 : i32 to index
        %parallel_loop3A_687 = tpu.vector_load %arg9[%parallel_loop3A_685, %parallel_loop3A_686] {strides = array<i32>} : memref<16x1024xf32, #tpu.memory_space<vmem>>, vector<16xf32>,
        tpu.vector_store %arg9[%parallel_loop3A_685, %parallel_loop3A_686], %parallel_loop3A_684 {add = true, strides = array<i32>} : memref<16x1024xf32, #tpu.memory_space<vmem>>, vector<16xf32>,
      } {sc.loop_unroll_factor = 8 : i64, sc.parallel_access}
      %scan3A_676 = arith.constant 0 : i32
      scf.yield %scan3A_676 : i32
    }
    %scan3A_611 = arith.constant 16 : i32
    %add3A_612 = arith.constant 208 : i32
    %add3A_613 = arith.addi %mul3A_32, %add3A_612 : i32
    %dma_start3A_614 = arith.constant 0 : i32
    %dma_start3A_615 = tpu.memref_slice %arg5[%add3A_613, %dma_start3A_614] : memref<8192x1024xf32, #tpu.memory_space<hbm>> -> memref<16x1024xf32, #tpu.memory_space<hbm>>
    %dma_start3A_616 = arith.constant 0 : i32
    %dma_start3A_617 = tpu.memref_slice %arg5[%add3A_613, %dma_start3A_616] : memref<8192x1024xf32, #tpu.memory_space<hbm>> -> memref<16x1024xf32, #tpu.memory_space<hbm>>
    tpu.enqueue_dma source(%arg9 : memref<16x1024xf32, #tpu.memory_space<vmem>>) target(%dma_start3A_617 : memref<16x1024xf32, #tpu.memory_space<hbm>>) target_semaphore(%arg23 : memref<!tpu.dma_semaphore, #tpu.memory_space<semaphore_mem>>)
    %dma_wait3A_618 = arith.constant 0 : i32
    %dma_wait3A_619 = tpu.memref_slice %arg2[%add3A_569, %dma_wait3A_618] : memref<8192x1024xf32, #tpu.memory_space<hbm>> -> memref<16x1024xf32, #tpu.memory_space<hbm>>
    %dma_wait3A_620 = arith.constant 0 : i32
    %dma_wait3A_621 = tpu.memref_slice %arg2[%add3A_569, %dma_wait3A_620] : memref<8192x1024xf32, #tpu.memory_space<hbm>> -> memref<16x1024xf32, #tpu.memory_space<hbm>>
    tpu.wait_dma2 semaphore(%arg17 : memref<!tpu.dma_semaphore, #tpu.memory_space<semaphore_mem>>) src(%dma_wait3A_621 : memref<16x1024xf32, #tpu.memory_space<hbm>>) dst(%arg10 : memref<16x1024xf32, #tpu.memory_space<vmem>>)
    %dma_wait3A_622 = tpu.memref_slice %arg7[%add3A_522] : memref<2048xi32, #tpu.memory_space<vmem>> -> memref<16xi32, #tpu.memory_space<vmem>>
    %dma_wait3A_623 = arith.constant 0 : i32
    %dma_wait3A_624 = arith.constant 0 : i32
    %dma_wait3A_625 = tpu.memref_slice %arg4[%dma_wait3A_623, %dma_wait3A_624] : memref<2049x1024xf32, #tpu.memory_space<hbm>> -> memref<2049x1024xf32, #tpu.memory_space<hbm>>
    tpu.wait_indirect_dma semaphore(%arg20 : memref<!tpu.dma_semaphore, #tpu.memory_space<semaphore_mem>>) src(%dma_wait3A_625 : memref<2049x1024xf32, #tpu.memory_space<hbm>>) dst(%arg13 : memref<16x1024xf32, #tpu.memory_space<vmem>>)
    %scan3A_626 = arith.constant 0 : i32
    %scan3A_627 = arith.constant 0 : i32
    %scan3A_628 = arith.constant 16 : i32
    %scan3A_629 = arith.addi %scan3A_627, %scan3A_628 : i32
    %scan3A_630 = arith.constant 1 : i32
    %scan3A_631 = scf.for %scan3A_672 = %scan3A_627 to %scan3A_629 step %scan3A_630 iter_args(%scan3A_673 = %scan3A_626) -> (i32)  : i32 {
      %parallel_loop3A = arith.constant 0 : i32
      %parallel_loop3A_674 = arith.constant 64 : i32
      %parallel_loop3A_675 = arith.constant 1 : i32
      scf.for %parallel_loop3A_677 = %parallel_loop3A to %parallel_loop3A_674 step %parallel_loop3A_675  : i32 {
        %parallel_loop3A_678 = arith.constant 16 : i32
        %parallel_loop3A_679 = arith.muli %parallel_loop3A_677, %parallel_loop3A_678 : i32
        %parallel_loop3A_680 = arith.constant 16 : i32
        %parallel_loop3A_681 = arith.muli %parallel_loop3A_677, %parallel_loop3A_680 : i32
        %parallel_loop3A_682 = arith.index_cast %scan3A_672 : i32 to index
        %parallel_loop3A_683 = arith.index_cast %parallel_loop3A_681 : i32 to index
        %parallel_loop3A_684 = tpu.vector_load %arg13[%parallel_loop3A_682, %parallel_loop3A_683] {strides = array<i32>} : memref<16x1024xf32, #tpu.memory_space<vmem>>, vector<16xf32>,
        %parallel_loop3A_685 = arith.index_cast %scan3A_672 : i32 to index
        %parallel_loop3A_686 = arith.index_cast %parallel_loop3A_679 : i32 to index
        %parallel_loop3A_687 = tpu.vector_load %arg10[%parallel_loop3A_685, %parallel_loop3A_686] {strides = array<i32>} : memref<16x1024xf32, #tpu.memory_space<vmem>>, vector<16xf32>,
        tpu.vector_store %arg10[%parallel_loop3A_685, %parallel_loop3A_686], %parallel_loop3A_684 {add = true, strides = array<i32>} : memref<16x1024xf32, #tpu.memory_space<vmem>>, vector<16xf32>,
      } {sc.loop_unroll_factor = 8 : i64, sc.parallel_access}
      %scan3A_676 = arith.constant 0 : i32
      scf.yield %scan3A_676 : i32
    }
    %scan3A_632 = arith.constant 16 : i32
    %add3A_633 = arith.constant 224 : i32
    %add3A_634 = arith.addi %mul3A_32, %add3A_633 : i32
    %dma_start3A_635 = arith.constant 0 : i32
    %dma_start3A_636 = tpu.memref_slice %arg5[%add3A_634, %dma_start3A_635] : memref<8192x1024xf32, #tpu.memory_space<hbm>> -> memref<16x1024xf32, #tpu.memory_space<hbm>>
    %dma_start3A_637 = arith.constant 0 : i32
    %dma_start3A_638 = tpu.memref_slice %arg5[%add3A_634, %dma_start3A_637] : memref<8192x1024xf32, #tpu.memory_space<hbm>> -> memref<16x1024xf32, #tpu.memory_space<hbm>>
    tpu.enqueue_dma source(%arg10 : memref<16x1024xf32, #tpu.memory_space<vmem>>) target(%dma_start3A_638 : memref<16x1024xf32, #tpu.memory_space<hbm>>) target_semaphore(%arg24 : memref<!tpu.dma_semaphore, #tpu.memory_space<semaphore_mem>>)
    %dma_wait3A_639 = arith.constant 0 : i32
    %dma_wait3A_640 = tpu.memref_slice %arg2[%add3A_600, %dma_wait3A_639] : memref<8192x1024xf32, #tpu.memory_space<hbm>> -> memref<16x1024xf32, #tpu.memory_space<hbm>>
    %dma_wait3A_641 = arith.constant 0 : i32
    %dma_wait3A_642 = tpu.memref_slice %arg2[%add3A_600, %dma_wait3A_641] : memref<8192x1024xf32, #tpu.memory_space<hbm>> -> memref<16x1024xf32, #tpu.memory_space<hbm>>
    tpu.wait_dma2 semaphore(%arg15 : memref<!tpu.dma_semaphore, #tpu.memory_space<semaphore_mem>>) src(%dma_wait3A_642 : memref<16x1024xf32, #tpu.memory_space<hbm>>) dst(%arg8 : memref<16x1024xf32, #tpu.memory_space<vmem>>)
    %dma_wait3A_643 = tpu.memref_slice %arg7[%add3A_559] : memref<2048xi32, #tpu.memory_space<vmem>> -> memref<16xi32, #tpu.memory_space<vmem>>
    %dma_wait3A_644 = arith.constant 0 : i32
    %dma_wait3A_645 = arith.constant 0 : i32
    %dma_wait3A_646 = tpu.memref_slice %arg4[%dma_wait3A_644, %dma_wait3A_645] : memref<2049x1024xf32, #tpu.memory_space<hbm>> -> memref<2049x1024xf32, #tpu.memory_space<hbm>>
    tpu.wait_indirect_dma semaphore(%arg21 : memref<!tpu.dma_semaphore, #tpu.memory_space<semaphore_mem>>) src(%dma_wait3A_646 : memref<2049x1024xf32, #tpu.memory_space<hbm>>) dst(%arg14 : memref<16x1024xf32, #tpu.memory_space<vmem>>)
    %scan3A_647 = arith.constant 0 : i32
    %scan3A_648 = arith.constant 0 : i32
    %scan3A_649 = arith.constant 16 : i32
    %scan3A_650 = arith.addi %scan3A_648, %scan3A_649 : i32
    %scan3A_651 = arith.constant 1 : i32
    %scan3A_652 = scf.for %scan3A_672 = %scan3A_648 to %scan3A_650 step %scan3A_651 iter_args(%scan3A_673 = %scan3A_647) -> (i32)  : i32 {
      %parallel_loop3A = arith.constant 0 : i32
      %parallel_loop3A_674 = arith.constant 64 : i32
      %parallel_loop3A_675 = arith.constant 1 : i32
      scf.for %parallel_loop3A_677 = %parallel_loop3A to %parallel_loop3A_674 step %parallel_loop3A_675  : i32 {
        %parallel_loop3A_678 = arith.constant 16 : i32
        %parallel_loop3A_679 = arith.muli %parallel_loop3A_677, %parallel_loop3A_678 : i32
        %parallel_loop3A_680 = arith.constant 16 : i32
        %parallel_loop3A_681 = arith.muli %parallel_loop3A_677, %parallel_loop3A_680 : i32
        %parallel_loop3A_682 = arith.index_cast %scan3A_672 : i32 to index
        %parallel_loop3A_683 = arith.index_cast %parallel_loop3A_681 : i32 to index
        %parallel_loop3A_684 = tpu.vector_load %arg14[%parallel_loop3A_682, %parallel_loop3A_683] {strides = array<i32>} : memref<16x1024xf32, #tpu.memory_space<vmem>>, vector<16xf32>,
        %parallel_loop3A_685 = arith.index_cast %scan3A_672 : i32 to index
        %parallel_loop3A_686 = arith.index_cast %parallel_loop3A_679 : i32 to index
        %parallel_loop3A_687 = tpu.vector_load %arg8[%parallel_loop3A_685, %parallel_loop3A_686] {strides = array<i32>} : memref<16x1024xf32, #tpu.memory_space<vmem>>, vector<16xf32>,
        tpu.vector_store %arg8[%parallel_loop3A_685, %parallel_loop3A_686], %parallel_loop3A_684 {add = true, strides = array<i32>} : memref<16x1024xf32, #tpu.memory_space<vmem>>, vector<16xf32>,
      } {sc.loop_unroll_factor = 8 : i64, sc.parallel_access}
      %scan3A_676 = arith.constant 0 : i32
      scf.yield %scan3A_676 : i32
    }
    %scan3A_653 = arith.constant 16 : i32
    %add3A_654 = arith.constant 240 : i32
    %add3A_655 = arith.addi %mul3A_32, %add3A_654 : i32
    %dma_start3A_656 = arith.constant 0 : i32
    %dma_start3A_657 = tpu.memref_slice %arg5[%add3A_655, %dma_start3A_656] : memref<8192x1024xf32, #tpu.memory_space<hbm>> -> memref<16x1024xf32, #tpu.memory_space<hbm>>
    %dma_start3A_658 = arith.constant 0 : i32
    %dma_start3A_659 = tpu.memref_slice %arg5[%add3A_655, %dma_start3A_658] : memref<8192x1024xf32, #tpu.memory_space<hbm>> -> memref<16x1024xf32, #tpu.memory_space<hbm>>
    tpu.enqueue_dma source(%arg8 : memref<16x1024xf32, #tpu.memory_space<vmem>>) target(%dma_start3A_659 : memref<16x1024xf32, #tpu.memory_space<hbm>>) target_semaphore(%arg22 : memref<!tpu.dma_semaphore, #tpu.memory_space<semaphore_mem>>)
    %dma_wait3A_660 = arith.constant 0 : i32
    %dma_wait3A_661 = tpu.memref_slice %arg5[%add3A_655, %dma_wait3A_660] : memref<8192x1024xf32, #tpu.memory_space<hbm>> -> memref<16x1024xf32, #tpu.memory_space<hbm>>
    %dma_wait3A_662 = arith.constant 0 : i32
    %dma_wait3A_663 = tpu.memref_slice %arg5[%add3A_655, %dma_wait3A_662] : memref<8192x1024xf32, #tpu.memory_space<hbm>> -> memref<16x1024xf32, #tpu.memory_space<hbm>>
    tpu.wait_dma2 semaphore(%arg22 : memref<!tpu.dma_semaphore, #tpu.memory_space<semaphore_mem>>) src(%arg8 : memref<16x1024xf32, #tpu.memory_space<vmem>>) dst(%dma_wait3A_663 : memref<16x1024xf32, #tpu.memory_space<hbm>>)
    %dma_wait3A_664 = arith.constant 0 : i32
    %dma_wait3A_665 = tpu.memref_slice %arg5[%add3A_613, %dma_wait3A_664] : memref<8192x1024xf32, #tpu.memory_space<hbm>> -> memref<16x1024xf32, #tpu.memory_space<hbm>>
    %dma_wait3A_666 = arith.constant 0 : i32
    %dma_wait3A_667 = tpu.memref_slice %arg5[%add3A_613, %dma_wait3A_666] : memref<8192x1024xf32, #tpu.memory_space<hbm>> -> memref<16x1024xf32, #tpu.memory_space<hbm>>
    tpu.wait_dma2 semaphore(%arg23 : memref<!tpu.dma_semaphore, #tpu.memory_space<semaphore_mem>>) src(%arg9 : memref<16x1024xf32, #tpu.memory_space<vmem>>) dst(%dma_wait3A_667 : memref<16x1024xf32, #tpu.memory_space<hbm>>)
    %dma_wait3A_668 = arith.constant 0 : i32
    %dma_wait3A_669 = tpu.memref_slice %arg5[%add3A_634, %dma_wait3A_668] : memref<8192x1024xf32, #tpu.memory_space<hbm>> -> memref<16x1024xf32, #tpu.memory_space<hbm>>
    %dma_wait3A_670 = arith.constant 0 : i32
    %dma_wait3A_671 = tpu.memref_slice %arg5[%add3A_634, %dma_wait3A_670] : memref<8192x1024xf32, #tpu.memory_space<hbm>> -> memref<16x1024xf32, #tpu.memory_space<hbm>>
    tpu.wait_dma2 semaphore(%arg24 : memref<!tpu.dma_semaphore, #tpu.memory_space<semaphore_mem>>) src(%arg10 : memref<16x1024xf32, #tpu.memory_space<vmem>>) dst(%dma_wait3A_671 : memref<16x1024xf32, #tpu.memory_space<hbm>>)
    return
  }
}

</mosaic_0001>

<sc_bundles>
// kernel: kernel.3.cloned.1.call-start
scs
__scs_entry_jumppad:
0x0: {  	(pc) =	sbr.rel $0x88, $3  }
0x1: {  	(tag) =	ssettag $0x0;
	lr =	simm.s32 $0x1  }
0x2: {  	[smem:$0x3F9E] =	sst lr;
	_ =	strace $0xD0000000  }
0x3: {  	_ = 	snop  }
0x4: {  	_ = 	snop  }
0x5: {  	_ = 	snop  }
0x6: {  	_ = 	snop  }
0x7: {  	_ = 	snop  }
__scs_overlays_trampoline_lowered:
0x8: {  	[smem:$0x3FAD] =	sst s0  }
0x9: {  	[smem:$0x3FAE] =	sst s1  }
0xa: {  	[smem:$0x3FAF] =	sst s2  }
0xb: {  	[smem:$0x3FB0] =	sst s3  }
0xc: {  	[smem:$0x3FB1] =	sst s4  }
0xd: {  	[smem:$0x3FB2] =	sst s5  }
0xe: {  	[smem:$0x3FB3] =	sst s6  }
0xf: {  	[smem:$0x3FB4] =	sst s7  }
0x10: {  	[smem:$0x3FB5] =	sst s8  }
0x11: {  	[smem:$0x3FB6] =	sst s9;
	s0 =	simm.s32 @!p0 $0x0  }
0x12: {  	s1 =	sld [smem:$0x3F9C];
	s0 =	simm.s32 @p0 $0x1  }
0x13: {  	[smem:$0x3FB7] =	sst s0;
	s0 =	simm.s32 @!p1 $0x0  }
0x14: {  	s2 =	sld [smem:$0x3F9B];
	s0 =	simm.s32 @p1 $0x1  }
0x15: {  	[smem:$0x3FB8] =	sst s0;
	s0 =	simm.s32 @!p2 $0x0  }
0x16: {  	s3 =	sld [smem:$0x3FDB];
	s0 =	simm.s32 @p2 $0x1  }
0x17: {  	s4 =	simm.s32 $0x1BF5;
	[smem:$0x3FBA] =	sst s0  }
0x18: {  	s0 =	sld [smem:$0x3F9D];
	_ =	swait.ge [sflag:s4], $0x0  }
0x19: {  	s7 =	sld [smem:$0x3F9E]  }
0x1a: {  	s8 =	sadd.s32 $0xFFFFE003, lr  }
0x1b: {  	s9 =	sadd.s32 $0xFFFFFEF7, lr;
	s5 =	simm.s32 $0xFFFFFFFF;
	p2 =	slt.u32 s8, $0xFFFFF086  }
0x1c: {  	p1 =	slt.u32 s9, $0xF7A;
	s5 =	simm.s32 @!p2 $0x0  }
0x1d: {  	s5 =	simm.s32 @p1 $0x1;
	p0 =	seq.s32 s7, s2  }
0x1e: {  	s7 =	smul.u32 @!p0 $0xF7A, s2;
	p2 =	seq.s32 @!p0 s5, $0x0  }
0x1f: {  	s9 =	smul.u32 $0xF7A, s1;
	s8 =	simm.s32 @!p0 $0x1BF5;
	p2 =	por !p2, p0  }
0x20: {  	[sflag:s8] =	ssyncset.s32 @!p0 $0xFFFFF086;
	s6 =	sadd.s32 @!p0 s3, s7;
	s7 =	simm.s32 @!p0 $0x108  }
0x21: {  	s3 =	sadd.s32 s3, s9;
	s6 =	sadd.s32 @!p0 $0x88, s6;
	s7 =	simm.s32 @p2 $0x1082  }
0x22: {  	[simem:s7], [sflag:s8] =	dma.local @!p0 [hbm:s6], $0xF7A  }
0x23: {  	s9 =	sor.u32 $0xD0000000, s2;
	s6 =	simm.s32 $0x108;
	_ =	swait.ge @!p0 [sflag:s8], $0x0  }
0x24: {  	s3 =	sadd.s32 $0x88, s3;
	s6 =	simm.s32 @!p1 $0x1082;
	[sflag:s4] =	ssyncset.s32 $0xFFFFF086  }
0x25: {  	[simem:s6], [sflag:s4] =	dma.local [hbm:s3], $0xF7A  }
0x26: {  	[smem:$0x3F9E] =	sst s1;
	(tag) =	ssettag s2;
	_ =	strace s9  }
0x27: {  	s1 =	sld [smem:$0x3FAE]  }
0x28: {  	s2 =	sld [smem:$0x3FAF]  }
0x29: {  	s4 =	sld [smem:$0x3FB1]  }
0x2a: {  	p0 =	seq.s32 s5, $0x0;
	s5 =	sld [smem:$0x3FB2]  }
0x2b: {  	s6 =	sld [smem:$0x3FB3]  }
0x2c: {  	s7 =	sld [smem:$0x3FB4]  }
0x2d: {  	s3 =	simm.s32 $0x108;
	s8 =	sld [smem:$0x3FB5]  }
0x2e: {  	s3 =	simm.s32 @!p0 $0x1082;
	s9 =	sld [smem:$0x3FB6]  }
0x2f: {  	lr =	sadd.s32 s0, s3;
	s0 =	sld [smem:$0x3FAD]  }
0x30: {  	s3 =	sld [smem:$0x3FB0]  }
0x31: {  	[smem:$0x3FB9] =	sst s10  }
0x32: {  	s10 =	sld [smem:$0x3FB7];
	_ =	sdelay $0x3  }
0x33: {  	p0 =	seq.s32 s10, $0x1;
	s10 =	sld [smem:$0x3FB9];
	_ =	sdelay $0x3  }
0x34: {  	[smem:$0x3FB9] =	sst s10  }
0x35: {  	s10 =	sld [smem:$0x3FB8];
	_ =	sdelay $0x3  }
0x36: {  	p1 =	seq.s32 s10, $0x1;
	s10 =	sld [smem:$0x3FB9];
	_ =	sdelay $0x3  }
0x37: {  	[smem:$0x3FB9] =	sst s10  }
0x38: {  	s10 =	sld [smem:$0x3FBA]  }
0x39: {  	_ = 	snop;
	(pc) =	sbr.ind lr, $3  }
0x3a: {  	_ = 	snop  }
0x3b: {  	_ = 	snop  }
0x3c: {  	p2 =	seq.s32 s10, $0x1;
	s10 =	sld [smem:$0x3FB9]  }
0x3d: {  	_ =	shalt  }
0x3e: {  	_ =	shalt  }
0x3f: {  	_ =	shalt  }
0x40: {  	_ =	shalt  }
0x41: {  	_ =	shalt  }
0x42: {  	_ =	shalt  }
0x43: {  	_ =	shalt  }
0x44: {  	_ =	shalt  }
0x45: {  	_ =	shalt  }
0x46: {  	_ =	shalt  }
0x47: {  	_ =	shalt  }
0x48: {  	_ =	shalt  }
0x49: {  	_ =	shalt  }
0x4a: {  	_ =	shalt  }
0x4b: {  	_ =	shalt  }
0x4c: {  	_ =	shalt  }
0x4d: {  	_ =	shalt  }
0x4e: {  	_ =	shalt  }
0x4f: {  	_ =	shalt  }
0x50: {  	_ =	shalt  }
0x51: {  	_ =	shalt  }
0x52: {  	_ =	shalt  }
0x53: {  	_ =	shalt  }
0x54: {  	_ =	shalt  }
0x55: {  	_ =	shalt  }
0x56: {  	_ =	shalt  }
0x57: {  	_ =	shalt  }
0x58: {  	_ =	shalt  }
0x59: {  	_ =	shalt  }
0x5a: {  	_ =	shalt  }
0x5b: {  	_ =	shalt  }
0x5c: {  	_ =	shalt  }
0x5d: {  	_ =	shalt  }
0x5e: {  	_ =	shalt  }
0x5f: {  	_ =	shalt  }
0x60: {  	_ =	shalt  }
0x61: {  	_ =	shalt  }
0x62: {  	_ =	shalt  }
0x63: {  	_ =	shalt  }
0x64: {  	_ =	shalt  }
0x65: {  	_ =	shalt  }
0x66: {  	_ =	shalt  }
0x67: {  	_ =	shalt  }
0x68: {  	_ =	shalt  }
0x69: {  	_ =	shalt  }
0x6a: {  	_ =	shalt  }
0x6b: {  	_ =	shalt  }
0x6c: {  	_ =	shalt  }
0x6d: {  	_ =	shalt  }
0x6e: {  	_ =	shalt  }
0x6f: {  	_ =	shalt  }
0x70: {  	_ =	shalt  }
0x71: {  	_ =	shalt  }
0x72: {  	_ =	shalt  }
0x73: {  	_ =	shalt  }
0x74: {  	_ =	shalt  }
0x75: {  	_ =	shalt  }
0x76: {  	_ =	shalt  }
0x77: {  	_ =	shalt  }
0x78: {  	_ =	shalt  }
0x79: {  	_ =	shalt  }
0x7a: {  	_ =	shalt  }
0x7b: {  	_ =	shalt  }
0x7c: {  	_ =	shalt  }
0x7d: {  	_ =	shalt  }
0x7e: {  	_ =	shalt  }
0x7f: {  	_ =	shalt  }
0x80: {  	_ =	shalt  }
0x81: {  	_ =	shalt  }
0x82: {  	_ =	shalt  }
0x83: {  	_ =	shalt  }
0x84: {  	_ =	shalt  }
0x85: {  	_ =	shalt  }
0x86: {  	_ =	shalt  }
0x87: {  	_ =	shalt  }
.Lfunc_end0:
.L_simem_size_0:
called_computation_lowered:
.L_overlay_start_0:
0x88: {  	s2 =	sld [smem:$0x3FD9]  }
0x89: {  	s3 =	sld [smem:$0x3FFE];
	_ =	sdelay $0x1  }
0x8a: {  	s1 =	srdreg.scid  }
0x8b: {  	s0 =	sand.u32 $0x1, s1  }
0x8c: {  	s18 =	sshll.u32 s0, $0xA;
	s2 =	sadd.s32 s3, s2  }
0x8d: {  	s2 =	sadd.s32 s2, s18  }
0x8e: {  	[smem:$0x3FC5] =	sst s2  }
0x8f: {  	_ = 	snop  }
0x90: {  	s2 =	sld [smem:$0x3FC9]  }
0x91: {  	s19 =	sld [smem:$0x3FC8]  }
0x92: {  	s4 =	sld [smem:$0x3FC7]  }
0x93: {  	s5 =	sld [smem:$0x3FD0];
	(tm) =	ssettm $0x1  }
0x94: {  	s6 =	sld [smem:$0x3FFB];
	_ =	sdelay $0x3  }
0x95: {  	_ =	strace s6  }
0x96: {  	s6 =	sld [smem:$0x3FFC];
	_ =	sdelay $0x3  }
0x97: {  	_ =	strace s6  }
0x98: {  	s6 =	sld [smem:$0x3FFD];
	_ =	sdelay $0x3  }
0x99: {  	_ =	strace s6  }
0x9a: {  	_ =	strace $0x8FFFFFFF  }
0x9b: {  	s20 =	sld [smem:$0x3FDB];
	_ =	sdelay $0x1  }
0x9c: {  	s7 =	simm.s32 $_scs_section_size  }
0x9d: {  	s8 =	simm.s32 $_size__tile_overlayer_lowered;
	s9 =	simm.s32 $_tile_overlayer_lowered  }
0x9e: {  	s23 =	simm.s32 $0x1BFF;
	s22 =	sshll.u32 s9, $0x1;
	s6 =	sadd.s32 s7, s20  }
0x9f: {  	s10 =	simm.s32 $0x0;
	s21 =	sshll.u32 s8, $0x1;
	s8 =	sadd.s32 s22, s6  }
0xa0: {  	[timem:s10], [sflag:s23] =	dma.local [hbm:s8], s21  }
0xa1: {  	_ =	swait.ge [sflag:s23], s21  }
0xa2: {  	s7 =	ssub.s32 $0x0, s21;
	[sflag:s23] =	ssyncset.done $0x0  }
0xa3: {  	[sflag:s23] =	ssyncadd.s32 s7;
	_ =	sdelay $0x1  }
0xa4: {  	s24 =	simm.s32 $0x1B8B  }
0xa5: {  	_ =	swait.ge [sflag:s24], $0x1  }
0xa6: {  	[sflag:s24] =	ssyncset.done $0x0  }
0xa7: {  	s25 =	simm.s32 $0x1B8E;
	[sflag:s24] =	ssyncadd.s32 $0xFFFFFFFF  }
0xa8: {  	s26 =	simm.s32 $execute0_lowered;
	[smem:$0x3FD2] =	sst s25  }
0xa9: {  	s7 =	sshll.u32 s26, $0x1;
	_ =	strace $0x80000046;
	[dreg:$0x1] =	wrdreg $0xFFFFFFFF  }
0xaa: {  	s28 =	simm.s32 $_size_execute0_lowered;
	s6 =	sadd.s32 s6, s7;
	[dreg:$0x0] =	wrdreg $0x0  }
0xab: {  	s7 =	sshll.u32 s28, $0x1;
	[dreg:$0x2] =	wrdreg s6  }
0xac: {  	[dreg:$0x3] =	wrdreg s7  }
0xad: {  	[dreg:$0x4] =	wrdreg $0xC0  }
0xae: {  	_ =	task [dreg:s10], $0x5FFFF  }
0xaf: {  	[dreg:$0x1] =	wrdreg $0xFFFFFFFF  }
0xb0: {  	[dreg:$0x0] =	wrdreg $0x60  }
0xb1: {  	[dreg:$0x2] =	wrdreg s2  }
0xb2: {  	[dreg:$0x3] =	wrdreg s19  }
0xb3: {  	[dreg:$0x4] =	wrdreg s4  }
0xb4: {  	[dreg:$0x5] =	wrdreg s5  }
0xb5: {  	[dreg:$0x6] =	wrdreg $0x9  }
0xb6: {  	_ =	task.clear_ibuf [dreg:s10], $0x7FFFF;
	_ =	strace $0x90000046  }
0xb7: {  	s29 =	simm.s32 $0x9;
	_ =	strace $0x80000048  }
0xb8: {  	_ =	swait.ge [sflag:s29], $0x1  }
0xb9: {  	[sflag:s29] =	ssyncadd.s32 $0xFFFFFFFF  }
0xba: {  	_ =	strace $0x90000048  }
0xbb: {  	_ =	sfence  }
0xbc: {  	s30 =	sld [smem:$0x0];
	_ =	sdelay $0x2  }
0xbd: {  	s31 =	sshll.u32 s1, $0xD;
	s1 =	sshrl.u32 s1, $0x2  }
0xbe: {  	s3 =	sand.u32 $0x4000, s31;
	s1 =	sadd.s32 s1, s30  }
0xbf: {  	s0 =	sor.u32 s3, s0;
	s1 =	sshll.u32 s1, $0x11  }
0xc0: {  	s0 =	sor.u32 s1, s0  }
0xc1: {  	s0 =	sadd.s32 $0x8F2B, s0  }
0xc2: {  	[sflag:s0] =	ssyncadd.remote.s32 $0x1  }
0xc3: {  	_ =	sfence.sel $0xFFFF  }
0xc4: {  	[dreg:$0x0] =	wrdreg $0xFFFFFFFF;
	(pc) =	sbr.abs _section_cstart, $3  }
0xc5: {  	[dreg:$0x1] =	wrdreg $0xFFFFFFFF  }
0xc6: {  	_ =	task.clear_ibuf [dreg:s10], $0x2FFFF;
	_ =	strace $0x9FFFFFFF  }
0xc7: {  	(tm) =	ssettm $0x7FFFFFFF  }
tec
execute0_lowered:
.L_overlay_start_1:
0x0: {  	(tag) =	ssettag $0x1  }
0x1: {  	s1 =	rddreg [dreg:$0x0];
	s0 =	srdreg.scid  }
0x2: {  	s2 =	rddreg [dreg:$0x1];
	s9 =	stileid.u32  }
0x3: {  	s4 =	rddreg [dreg:$0x3];
	s3 =	sand.u32 $0x1, s0;
	s5 =	sshll.u32 s9, $0x1  }
0x4: {  	s28 =	simm.s32 $0x1C800;
	s7 =	sshll.u32 s9, $0x2;
	s5 =	sor.u32 s3, s5  }
0x5: {  	s29 =	simm.s32 $0x9000;
	s21 =	sand.u32 $0x30, s7;
	s7 =	sshll.u32 s5, $0xF  }
0x6: {  	s0 =	ssub.s32 $0x2, s3;
	s2 =	sadd.s32 s2, s21;
	s22 =	sor.u32 $0x800, s7  }
0x7: {  	[dreg:$0x5] =	wrdreg s2;
	s23 =	sor.u32 $0x1000, s7;
	s8 =	sadd.s32 s1, s22  }
0x8: {  	s25 =	sor.u32 $0x1800, s7;
	s24 =	sadd.s32 s1, s23;
	[dreg:$0x6] =	wrdreg s8  }
0x9: {  	s6 =	sshrl.u32 s0, $0x1;
	s10 =	sadd.s32 s1, s25;
	[dreg:$0x7] =	wrdreg s24  }
0xa: {  	s26 =	sor.u32 $0x2000, s7;
	s2 =	sadd.s32 s4, s22;
	[dreg:$0x8] =	wrdreg s10  }
0xb: {  	s0 =	ssub.s32 s0, s6;
	s11 =	sadd.s32 s1, s26;
	[dreg:$0x9] =	wrdreg s2  }
0xc: {  	s12 =	sor.u32 $0x2800, s7;
	s6 =	sadd.s32 s4, s23;
	[dreg:$0xa] =	wrdreg s11  }
0xd: {  	s14 =	sor.u32 $0x3000, s7;
	s13 =	sadd.s32 s1, s12;
	[dreg:$0xb] =	wrdreg s6  }
0xe: {  	s16 =	sor.u32 $0x3800, s7;
	s15 =	sadd.s32 s1, s14;
	[dreg:$0xc] =	wrdreg s13  }
0xf: {  	s18 =	sor.u32 $0x4000, s7;
	s17 =	sadd.s32 s1, s16;
	[dreg:$0xe] =	wrdreg s15  }
0x10: {  	s20 =	sor.u32 $0x4800, s7;
	s19 =	sadd.s32 s1, s18;
	[dreg:$0x10] =	wrdreg s17  }
0x11: {  	s30 =	simm.s32 $0x2;
	s22 =	sadd.s32 s1, s20;
	[dreg:$0x12] =	wrdreg s19  }
0x12: {  	s31 =	simm.s32 $0x5;
	s23 =	sadd.s32 s4, s20;
	[dreg:$0x16] =	wrdreg s22  }
0x13: {  	s3 =	sshll.u32 s3, $0x4;
	s8 =	sadd.s32 s4, s25;
	[dreg:$0x17] =	wrdreg s23  }
0x14: {  	s21 =	sor.u32 $0x5000, s7;
	s2 =	sadd.s32 s4, s26;
	[dreg:$0xd] =	wrdreg s8  }
0x15: {  	s0 =	smax.u32 s0, $0x1;
	s6 =	sadd.s32 s4, s12;
	[dreg:$0xf] =	wrdreg s2  }
0x16: {  	s24 =	sadd.s32 s1, s21;
	s25 =	sor.u32 $0x5800, s7;
	[dreg:$0x11] =	wrdreg s6  }
0x17: {  	s26 =	sor.u32 $0x6000, s7;
	s13 =	sadd.s32 s1, s7;
	[dreg:$0x18] =	wrdreg s24  }
0x18: {  	s15 =	sor.u32 $0x6800, s7;
	s8 =	sadd.s32 s4, s14;
	[dreg:$0x1e] =	wrdreg s13  }
0x19: {  	s22 =	sand.u32 $0x3, s9;
	s2 =	sadd.s32 s4, s16;
	[dreg:$0x13] =	wrdreg s8  }
0x1a: {  	s6 =	sadd.s32 s4, s18;
	s10 =	sadd.s32 s1, s25;
	[dreg:$0x14] =	wrdreg s2  }
0x1b: {  	s11 =	sadd.s32 s1, s26;
	s12 =	sadd.s32 s4, s26;
	[dreg:$0x15] =	wrdreg s6  }
0x1c: {  	s14 =	sadd.s32 s4, s7;
	s16 =	sor.u32 $0x7000, s7;
	[dreg:$0x1a] =	wrdreg s10  }
0x1d: {  	s7 =	sor.u32 $0x7800, s7;
	s17 =	sadd.s32 s1, s15;
	[dreg:$0x1c] =	wrdreg s11  }
0x1e: {  	s19 =	sadd.s32 s4, s15;
	s24 =	sand.u32 $0x7, s5;
	[dreg:$0x1d] =	wrdreg s12  }
0x1f: {  	s13 =	simm.s32 $0x1000;
	s5 =	simm.s32 $0x7;
	[dreg:$0x1f] =	wrdreg s14  }
0x20: {  	s15 =	simm.s32 $0xA;
	s2 =	sadd.s32 s4, s21;
	[smem:$0x7F5] =	sst s17  }
0x21: {  	s18 =	sadd.s32 s1, s16;
	s1 =	sadd.s32 s1, s7;
	[smem:$0x7F8] =	sst s19  }
0x22: {  	s20 =	sadd.s32 s4, s16;
	s21 =	sadd.s32 s4, s7;
	[dreg:$0x19] =	wrdreg s2  }
0x23: {  	p0 =	seq.s32 s24, $0x0;
	s6 =	sshll.u32 s24, $0x8;
	[smem:$0x7F6] =	sst s18  }
0x24: {  	s14 =	simm.s32 $0x5000;
	s19 =	simm.s32 $0x1;
	[smem:$0x7F7] =	sst s1  }
0x25: {  	s7 =	simm.s32 $0x9;
	s16 =	simm.s32 $0x0;
	[smem:$0x7F9] =	sst s20  }
0x26: {  	s2 =	sadd.s32 s4, s25;
	[smem:$0x7FA] =	sst s21;
	s1 =	sshll.u32 s22, $0x5  }
0x27: {  	s4 =	rddreg [dreg:$0x2];
	s25 =	sshll.u32 s24, $0x4;
	s12 =	sor.u32 $0x800, s6  }
0x28: {  	s20 =	simm.s32 $0x4;
	[dreg:$0x1b] =	wrdreg s2;
	s2 =	simm.s32 $0x0  }
0x29: {  	s23 =	sor.u32 s3, s1;
	s9 =	sadd.s32 $0x100, s4;
	s10 =	sadd.s32 $0x200, s4  }
0x2a: {  	s11 =	sadd.s32 $0x300, s4;
	s1 =	simm.s32 $0x3;
	[smem:$0x7FF] =	sst s2  }
0x2b: {  	v3 =	vlaneseq.u32;
	s26 =	ssub.s32 s23, s25;
	_ =	strace $0x80000047;
	[smem:$0x7FB] =	sst s0  }
0x2c: {  	v0 =	vimm.s32 $0x0;
	vm0 =	vmmov $0xffff;
	v2 =	vshrl.u32 v3, $0x3;
	s3 =	simm.s32 $0x6;
	[smem:$0x7FC] =	sst s23;
	s0 =	sadd.s32 $0x10, s26  }
0x2d: {  	v1 =	vand.u32 $0x7, v3;
	v3 =	vor.u32 $0x8, v3;
	v2 =	vmul.u32 $0x8, v2;
	s26 =	simm.s32 $0x1C000;
	[smem:$0x7FD] =	sst s0;
	s0 =	simm.s32 $0x8  }
.LBB2_1:
0x2e: {  	s8 =	rddreg [dreg:$0x5];
	s17 =	simm.s32 $0x80;
	s18 =	simm.s32 $0x200  }
0x2f: {  	[tilespmem:s2], [sflag:$0xB] =	stream.strided.gather [hbm4b:s8+s17], $0x800, s18, s17, $0x38;
	[tilespmem:$0x1D000] =	vst v63  }
0x30: {  	s23 =	rddreg [dreg:$0x1e]  }
0x31: {  	[tilespmem:s13], [sflag:$0x1] =	stream.linear.gather [hbm4b:s23+s2], $0x4000, $0x38;
	[tilespmem:$0x1D000] =	vst v63  }
.Ltmp0:
0x32: {  	s24 =	rddreg [dreg:$0x6];
	s25 =	simm.s32 $0xB;
	(pc) =	sbr.rel @p0 .LBB2_2-.Ltmp0, $4  }
0x33: {  	[tilespmem:s14], [sflag:$0x2] =	stream.linear.gather [hbm4b:s24+s2], $0x4000, $0x38;
	[tilespmem:$0x1D000] =	vst v63  }
0x34: {  	_ =	swait.ge [sflag:s25], $0x800  }
0x35: {  	[sflag:s25] =	ssyncset.done $0x0  }
0x36: {  	[sflag:s25] =	ssyncadd.s32 $0xFFFFF800  }
0x37: {  	s8 =	sld [smem:$0x7FC];
	_ =	sdelay $0x2  }
0x38: {  	v4 =	vld [tilespmem:s2+$0x0];
	p1 =	sne.s32 s8, $0x1  }
.Ltmp1:
0x39: {  	_ = 	snop;
	(pc) =	sbr.rel @!p1 .LBB2_5-.Ltmp1, $2  }
0x3a: {  	_ =	sdelay $0x2  }
0x3b: {  	s17 =	sadd.s32 $0x10, s2;
	s8 =	sadd.s32 $0xFFFFFFFF, s8;
	vm1 =	vne.s32 v4, $0x0;
	v4 =	vimm.s32 $0x0  }
.LBB2_4:
0x3c: {  	v5 =	vld [tilespmem:s17+$0x0];
	p1 =	sne.s32 s8, $0x1;
	s8 =	sadd.s32 $0xFFFFFFFF, s8;
	v6 =	vmpcnt.ones.xlane vm1  }
.Ltmp2:
0x3d: {  	(pc) =	sbr.rel @p1 .LBB2_4-.Ltmp2, $2  }
0x3e: {  	v4 =	vadd.s32 v4, v6;
	_ =	sdelay $0x2  }
0x3f: {  	s17 =	sadd.s32 $0x10, s17;
	vm1 =	vne.s32 v5, $0x0  }
.LBB2_5:
.Ltmp3:
0x40: {  	(pc) =	sbr.rel .LBB2_6-.Ltmp3, $3  }
0x41: {  	v5 =	vmpcnt.ones.xlane vm1;
	_ =	sdelay $0x1  }
0x42: {  	v4 =	vadd.s32 v4, v5  }
0x43: {  	v4 =	vxor.u32 $0x80000000, v4  }
.LBB2_2:
0x44: {  	v4 =	vimm.s32 $0x80000000  }
.LBB2_6:
0x45: {  	(xrf0) =	vmax.scan.msk.u32 $0xffff, v4;
	_ =	sdelay $0x5  }
0x46: {  	v4, _, _ =	vpop (xrf0)  }
0x47: {  	(v2sf) =	vpush v4, $0xF;
	_ =	sdelay $0x6  }
0x48: {  	s8 =	sld [smem:$0x7FD];
	_ =	sdelay $0x2  }
0x49: {  	p2 =	sne.s32 s8, $0x1  }
.Ltmp4:
0x4a: {  	_ = 	snop;
	(pc) =	sbr.rel @!p2 .LBB2_10-.Ltmp4, $3  }
0x4b: {  	_ =	sdelay $0x1  }
0x4c: {  	p1 =	por $0x0, $0x0;
	s18 =	smov.u32 s6  }
0x4d: {  	s21 =	sadd.s32 $0xFFFFFFFF, s8;
	s8 =	smov.u32 s12;
	s17 =	spop (v2sf)  }
0x4e: {  	v4 =	vld [tilespmem:s6+$0x0];
	_ =	sdelay $0x4  }
0x4f: {  	vm1 =	vne.s32 v4, $0x0  }
0x50: {  	v4 =	vsel vm1, $0x1, v0  }
0x51: {  	(xrf0) =	vadd.scan.msk.s32 $0xffff, v4;
	_ =	sdelay $0x5  }
0x52: {  	s8 =	sxor.u32 $0x80000000, s17;
	v4, _, _ =	vpop (xrf0)  }
0x53: {  	p2 =	sne.s32 s21, $0x1;
	v4 =	vadd.s32 s8, v4  }
.Ltmp5:
0x54: {  	v5 =	vnsel vm1, $0x0, v4;
	v4 =	vxor.u32 $0x80000000, v4;
	(pc) =	sbr.rel @!p2 .LBB2_8-.Ltmp5, $3  }
0x55: {  	(xrf0) =	vmax.scan.msk.u32 $0xffff, v4;
	_ =	sdelay $0x1  }
0x56: {  	s21 =	sadd.s32 $0xFFFFFFFF, s21  }
0x57: {  	p1 =	por $0x1, $0x1;
	s18 =	smov.u32 s6;
	s8 =	smov.u32 s12;
	[tilespmem:s12+$0x0] =	vst v5  }
.LBB2_9:
0x58: {  	p2 =	sne.s32 s21, $0x1;
	_ =	sdelay $0x1  }
0x59: {  	v4, _, _ =	vpop (xrf0)  }
0x5a: {  	(v2sf) =	vpush v4, $0xF;
	_ =	sdelay $0x1  }
0x5b: {  	s18 =	sadd.s32 $0x10, s18  }
0x5c: {  	v4 =	vld [tilespmem:s18+$0x0];
	_ =	sdelay $0x4  }
0x5d: {  	vm1 =	vne.s32 v4, $0x0  }
0x5e: {  	v4 =	vsel vm1, $0x1, v0  }
0x5f: {  	(xrf0) =	vadd.scan.msk.s32 $0xffff, v4;
	_ =	sdelay $0x4  }
0x60: {  	s22 =	spop (v2sf)  }
0x61: {  	s22 =	sxor.u32 $0x80000000, s22;
	v4, _, _ =	vpop (xrf0)  }
0x62: {  	v4 =	vadd.s32 s22, v4  }
.Ltmp6:
0x63: {  	s8 =	sadd.s32 $0x10, s8;
	v5 =	vnsel vm1, $0x0, v4;
	v4 =	vxor.u32 $0x80000000, v4;
	(pc) =	sbr.rel @p2 .LBB2_9-.Ltmp6, $2  }
0x64: {  	[tilespmem:s8+$0x0] =	vst v5;
	(xrf0) =	vmax.scan.msk.u32 $0xffff, v4;
	_ =	sdelay $0x2  }
0x65: {  	s21 =	sadd.s32 $0xFFFFFFFF, s21  }
.LBB2_10:
0x66: {  	_ =	sdelay $0x1  }
0x67: {  	v4, _, _ =	vpop @p1 (xrf0)  }
0x68: {  	(v2sf) =	vpush @p1 v4, $0xF;
	_ =	sdelay $0x1  }
0x69: {  	s18 =	sadd.s32 @p1 $0x10, s18;
	s21 =	smov.u32 s6  }
0x6a: {  	s21 =	smov.u32 @p1 s18  }
0x6b: {  	v4 =	vld [tilespmem:s21+$0x0];
	_ =	sdelay $0x4  }
0x6c: {  	vm1 =	vne.s32 v4, $0x0  }
0x6d: {  	v4 =	vsel vm1, $0x1, v0  }
0x6e: {  	(xrf0) =	vadd.scan.msk.s32 $0xffff, v4;
	_ =	sdelay $0x3  }
0x6f: {  	s18 =	spop @p1 (v2sf)  }
0x70: {  	s17 =	smov.u32 @p1 s18  }
0x71: {  	v4, _, _ =	vpop (xrf0);
	s17 =	sxor.u32 $0x80000000, s17  }
0x72: {  	s8 =	sadd.s32 @p1 $0x10, s8;
	v4 =	vadd.s32 s17, v4;
	s17 =	smov.u32 s12  }
0x73: {  	v5 =	vnsel vm1, $0x0, v4;
	s17 =	smov.u32 @p1 s8  }
0x74: {  	[tilespmem:s17+$0x0] =	vst v5  }
0x75: {  	v5 =	vld [tilespmem:s6+$0x800];
	_ =	sdelay $0x4  }
0x76: {  	v6 =	vshll.u32 v5, $0x3  }
0x77: {  	v5 =	vand.u32 $0x7, v5;
	v6 =	vand.u32 $0xFFFFFFC0, v6  }
0x78: {  	v5 =	vor.u32 v5, v6  }
0x79: {  	v6 =	vperm.xlane v5, v1;
	_ =	sdelay $0x1  }
0x7a: {  	v6 =	vadd.s32 v2, v6;
	_ =	sdelay $0x3  }
0x7b: {  	s25 =	simm.s32 $0xD000;
	s17 =	simm.s32 $0x0  }
0x7c: {  	[tilespmem:s25], [sflag:$0x4] =	stream.indirect_vreg.gather [hbm4b:s4+s17], $0x80, v6, vm0, $0xb8;
	[tilespmem:$0x1D000] =	vst v63  }
0x7d: {  	s18 =	simm.s32 $0xD800;
	v5 =	vperm.xlane v5, v3  }
0x7e: {  	[tilespmem:s18], [sflag:$0x4] =	stream.indirect_vreg.gather [hbm4b:s9+s17], $0x80, v6, vm0, $0xb8;
	[tilespmem:$0x1D000] =	vst v63  }
0x7f: {  	s21 =	simm.s32 $0xE000;
	v5 =	vadd.s32 v2, v5  }
0x80: {  	[tilespmem:s21], [sflag:$0x4] =	stream.indirect_vreg.gather [hbm4b:s10+s17], $0x80, v6, vm0, $0xb8;
	[tilespmem:$0x1D000] =	vst v63  }
0x81: {  	s22 =	simm.s32 $0xE800  }
0x82: {  	[tilespmem:s22], [sflag:$0x4] =	stream.indirect_vreg.gather [hbm4b:s11+s17], $0x80, v6, vm0, $0xb8;
	[tilespmem:$0x1D000] =	vst v63  }
0x83: {  	s23 =	simm.s32 $0xF000  }
0x84: {  	[tilespmem:s23], [sflag:$0x4] =	stream.indirect_vreg.gather [hbm4b:s4+s17], $0x80, v5, vm0, $0xb8;
	[tilespmem:$0x1D000] =	vst v63  }
0x85: {  	s24 =	simm.s32 $0xF800  }
0x86: {  	[tilespmem:s24], [sflag:$0x4] =	stream.indirect_vreg.gather [hbm4b:s9+s17], $0x80, v5, vm0, $0xb8;
	[tilespmem:$0x1D000] =	vst v63  }
0x87: {  	s25 =	simm.s32 $0x10000  }
0x88: {  	[tilespmem:s25], [sflag:$0x4] =	stream.indirect_vreg.gather [hbm4b:s10+s17], $0x80, v5, vm0, $0xb8;
	[tilespmem:$0x1D000] =	vst v63  }
0x89: {  	s18 =	simm.s32 $0x10800  }
0x8a: {  	[tilespmem:s18], [sflag:$0x4] =	stream.indirect_vreg.gather [hbm4b:s11+s17], $0x80, v5, vm0, $0xb8;
	[tilespmem:$0x1D000] =	vst v63  }
0x8b: {  	v5 =	vld [tilespmem:s6+$0x810];
	_ =	sdelay $0x4  }
0x8c: {  	v61 =	vshll.u32 v5, $0x3  }
0x8d: {  	v5 =	vand.u32 $0x7, v5;
	v6 =	vand.u32 $0xFFFFFFC0, v61  }
0x8e: {  	v5 =	vor.u32 v5, v6  }
0x8f: {  	v6 =	vperm.xlane v5, v1;
	_ =	sdelay $0x1  }
0x90: {  	v6 =	vadd.s32 v2, v6;
	_ =	sdelay $0x3  }
0x91: {  	s21 =	simm.s32 $0x11000  }
0x92: {  	[tilespmem:s21], [sflag:$0x5] =	stream.indirect_vreg.gather [hbm4b:s4+s17], $0x80, v6, vm0, $0xb8;
	[tilespmem:$0x1D000] =	vst v63  }
0x93: {  	s22 =	simm.s32 $0x11800;
	v5 =	vperm.xlane v5, v3  }
0x94: {  	[tilespmem:s22], [sflag:$0x5] =	stream.indirect_vreg.gather [hbm4b:s9+s17], $0x80, v6, vm0, $0xb8;
	[tilespmem:$0x1D000] =	vst v63  }
0x95: {  	s23 =	simm.s32 $0x12000;
	v5 =	vadd.s32 v2, v5  }
0x96: {  	[tilespmem:s23], [sflag:$0x5] =	stream.indirect_vreg.gather [hbm4b:s10+s17], $0x80, v6, vm0, $0xb8;
	[tilespmem:$0x1D000] =	vst v63  }
0x97: {  	s24 =	simm.s32 $0x12800  }
0x98: {  	[tilespmem:s24], [sflag:$0x5] =	stream.indirect_vreg.gather [hbm4b:s11+s17], $0x80, v6, vm0, $0xb8;
	[tilespmem:$0x1D000] =	vst v63  }
0x99: {  	s25 =	simm.s32 $0x13000  }
0x9a: {  	[tilespmem:s25], [sflag:$0x5] =	stream.indirect_vreg.gather [hbm4b:s4+s17], $0x80, v5, vm0, $0xb8;
	[tilespmem:$0x1D000] =	vst v63  }
0x9b: {  	s18 =	simm.s32 $0x13800  }
0x9c: {  	[tilespmem:s18], [sflag:$0x5] =	stream.indirect_vreg.gather [hbm4b:s9+s17], $0x80, v5, vm0, $0xb8;
	[tilespmem:$0x1D000] =	vst v63  }
0x9d: {  	s21 =	simm.s32 $0x14000  }
0x9e: {  	[tilespmem:s21], [sflag:$0x5] =	stream.indirect_vreg.gather [hbm4b:s10+s17], $0x80, v5, vm0, $0xb8;
	[tilespmem:$0x1D000] =	vst v63  }
0x9f: {  	s22 =	simm.s32 $0x14800  }
0xa0: {  	[tilespmem:s22], [sflag:$0x5] =	stream.indirect_vreg.gather [hbm4b:s11+s17], $0x80, v5, vm0, $0xb8;
	[tilespmem:$0x1D000] =	vst v63  }
0xa1: {  	v5 =	vld [tilespmem:s6+$0x820];
	_ =	sdelay $0x4  }
0xa2: {  	v4 =	vxor.u32 $0x80000000, v4;
	v62 =	vshll.u32 v5, $0x3  }
0xa3: {  	(xrf0) =	vmax.scan.msk.u32 $0xffff, v4;
	v4 =	vand.u32 $0x7, v5;
	v5 =	vand.u32 $0xFFFFFFC0, v62  }
0xa4: {  	v4 =	vor.u32 v4, v5  }
0xa5: {  	v5 =	vperm.xlane v4, v1;
	_ =	sdelay $0x1  }
0xa6: {  	v5 =	vadd.s32 v2, v5;
	_ =	sdelay $0x1  }
0xa7: {  	v63, _, _ =	vpop (xrf0)  }
0xa8: {  	(v2sf) =	vpush v63, $0xF  }
0xa9: {  	s23 =	simm.s32 $0x15000  }
0xaa: {  	[tilespmem:s23], [sflag:$0x6] =	stream.indirect_vreg.gather [hbm4b:s4+s17], $0x80, v5, vm0, $0xb8;
	[tilespmem:$0x1D000] =	vst v63  }
0xab: {  	s24 =	simm.s32 $0x15800;
	v4 =	vperm.xlane v4, v3  }
0xac: {  	[tilespmem:s24], [sflag:$0x6] =	stream.indirect_vreg.gather [hbm4b:s9+s17], $0x80, v5, vm0, $0xb8;
	[tilespmem:$0x1D000] =	vst v63  }
0xad: {  	s25 =	simm.s32 $0x16000;
	v4 =	vadd.s32 v2, v4  }
0xae: {  	[tilespmem:s25], [sflag:$0x6] =	stream.indirect_vreg.gather [hbm4b:s10+s17], $0x80, v5, vm0, $0xb8;
	[tilespmem:$0x1D000] =	vst v63  }
0xaf: {  	s18 =	simm.s32 $0x16800  }
0xb0: {  	[tilespmem:s18], [sflag:$0x6] =	stream.indirect_vreg.gather [hbm4b:s11+s17], $0x80, v5, vm0, $0xb8;
	[tilespmem:$0x1D000] =	vst v63  }
0xb1: {  	s21 =	simm.s32 $0x17000  }
0xb2: {  	[tilespmem:s21], [sflag:$0x6] =	stream.indirect_vreg.gather [hbm4b:s4+s17], $0x80, v4, vm0, $0xb8;
	[tilespmem:$0x1D000] =	vst v63  }
0xb3: {  	s22 =	simm.s32 $0x17800  }
0xb4: {  	[tilespmem:s22], [sflag:$0x6] =	stream.indirect_vreg.gather [hbm4b:s9+s17], $0x80, v4, vm0, $0xb8;
	[tilespmem:$0x1D000] =	vst v63  }
0xb5: {  	s23 =	simm.s32 $0x18000  }
0xb6: {  	[tilespmem:s23], [sflag:$0x6] =	stream.indirect_vreg.gather [hbm4b:s10+s17], $0x80, v4, vm0, $0xb8;
	[tilespmem:$0x1D000] =	vst v63  }
0xb7: {  	s8 =	simm.s32 $0x18800;
	s24 =	spop (v2sf)  }
0xb8: {  	[tilespmem:s8], [sflag:$0x6] =	stream.indirect_vreg.gather [hbm4b:s11+s17], $0x80, v4, vm0, $0xb8;
	[tilespmem:$0x1D000] =	vst v63  }
0xb9: {  	_ =	swait.ge [sflag:s19], $0x4000  }
0xba: {  	[sflag:s19] =	ssyncset.done $0x0  }
0xbb: {  	[sflag:s19] =	ssyncadd.s32 $0xFFFFC000  }
0xbc: {  	_ =	swait.ge [sflag:s20], $0x4000  }
0xbd: {  	[sflag:s20] =	ssyncset.done $0x0  }
0xbe: {  	[sflag:s20] =	ssyncadd.s32 $0xFFFFC000  }
0xbf: {  	v4 =	vld [tilespmem:s6+$0x830];
	_ =	sdelay $0x4  }
0xc0: {  	v5 =	vshll.u32 v4, $0x3  }
0xc1: {  	v4 =	vand.u32 $0x7, v4;
	v5 =	vand.u32 $0xFFFFFFC0, v5  }
0xc2: {  	v4 =	vor.u32 v4, v5  }
0xc3: {  	v5 =	vperm.xlane v4, v1;
	_ =	sdelay $0x1  }
0xc4: {  	v5 =	vadd.s32 v2, v5;
	_ =	sdelay $0x3  }
0xc5: {  	s25 =	simm.s32 $0x19000  }
0xc6: {  	[tilespmem:s25], [sflag:$0x7] =	stream.indirect_vreg.gather [hbm4b:s4+s17], $0x80, v5, vm0, $0xb8;
	[tilespmem:$0x1D000] =	vst v63  }
0xc7: {  	s18 =	simm.s32 $0x19800;
	v4 =	vperm.xlane v4, v3  }
0xc8: {  	[tilespmem:s18], [sflag:$0x7] =	stream.indirect_vreg.gather [hbm4b:s9+s17], $0x80, v5, vm0, $0xb8;
	[tilespmem:$0x1D000] =	vst v63  }
0xc9: {  	s21 =	simm.s32 $0x1A000;
	v4 =	vadd.s32 v2, v4  }
0xca: {  	[tilespmem:s21], [sflag:$0x7] =	stream.indirect_vreg.gather [hbm4b:s10+s17], $0x80, v5, vm0, $0xb8;
	[tilespmem:$0x1D000] =	vst v63  }
0xcb: {  	s22 =	simm.s32 $0x1A800  }
0xcc: {  	[tilespmem:s22], [sflag:$0x7] =	stream.indirect_vreg.gather [hbm4b:s11+s17], $0x80, v5, vm0, $0xb8;
	[tilespmem:$0x1D000] =	vst v63  }
0xcd: {  	s23 =	simm.s32 $0x1B000  }
0xce: {  	[tilespmem:s23], [sflag:$0x7] =	stream.indirect_vreg.gather [hbm4b:s4+s17], $0x80, v4, vm0, $0xb8;
	[tilespmem:$0x1D000] =	vst v63  }
0xcf: {  	s24 =	simm.s32 $0x1B800  }
0xd0: {  	[tilespmem:s24], [sflag:$0x7] =	stream.indirect_vreg.gather [hbm4b:s9+s17], $0x80, v4, vm0, $0xb8;
	[tilespmem:$0x1D000] =	vst v63  }
0xd1: {  	_ = 	snop  }
0xd2: {  	[tilespmem:s26], [sflag:$0x7] =	stream.indirect_vreg.gather [hbm4b:s10+s17], $0x80, v4, vm0, $0xb8;
	[tilespmem:$0x1D000] =	vst v63  }
0xd3: {  	_ = 	snop  }
0xd4: {  	[tilespmem:s28], [sflag:$0x7] =	stream.indirect_vreg.gather [hbm4b:s11+s17], $0x80, v4, vm0, $0xb8;
	[tilespmem:$0x1D000] =	vst v63  }
0xd5: {  	s8 =	simm.s32 $0x0;
	s25 =	rddreg [dreg:$0x7];
	s18 =	simm.s32 $0x0  }
0xd6: {  	[tilespmem:s29], [sflag:$0x3] =	stream.linear.gather [hbm4b:s25+s17], $0x4000, $0x38;
	[tilespmem:$0x1D000] =	vst v63  }
.LBB2_11:
0xd7: {  	s21 =	sand.u32 $0x7, s18  }
0xd8: {  	s21 =	sshll.u32 s21, $0x9  }
0xd9: {  	s21 =	sshrl.u32 s21, $0x2  }
0xda: {  	v4 =	vmov s21;
	_ =	sdelay $0x2  }
0xdb: {  	s22 =	sand.u32 $0x3FFFE000, s17  }
0xdc: {  	s24 =	sadd.s32 $0xD040, s22  }
0xdd: {  	v5 =	vld.idx.msk [tilespmem:v4+s24+$0x30 ss:$0x1], $0xffff  }
0xde: {  	v6 =	vld.idx.msk [tilespmem:v4+s24+$0xFFFFFFD0 ss:$0x1], $0xffff  }
0xdf: {  	v7 =	vld.idx.msk [tilespmem:v4+s24+$0xFFFFFFE0 ss:$0x1], $0xffff  }
0xe0: {  	v8 =	vld.idx.msk [tilespmem:v4+s24+$0xFFFFFFF0 ss:$0x1], $0xffff  }
0xe1: {  	v9 =	vld.idx.msk [tilespmem:v4+s24+$0x0 ss:$0x1], $0xffff  }
0xe2: {  	s22 =	sor.u32 $0x1000, s22;
	v10 =	vld.idx.msk [tilespmem:v4+s24+$0x10 ss:$0x1], $0xffff  }
0xe3: {  	s25 =	sadd.s32 s21, s22;
	v11 =	vld.idx.msk [tilespmem:v4+s24+$0xFFFFFFC0 ss:$0x1], $0xffff  }
0xe4: {  	[tilespmem:s25+$0x70] =	vst.add.f32.msk $0xffff, v5  }
0xe5: {  	v5 =	vld.idx.msk [tilespmem:v4+s24+$0x20 ss:$0x1], $0xffff  }
0xe6: {  	[tilespmem:s25+$0x10] =	vst.add.f32.msk $0xffff, v6  }
0xe7: {  	[tilespmem:s25+$0x20] =	vst.add.f32.msk $0xffff, v7  }
0xe8: {  	[tilespmem:s25+$0x30] =	vst.add.f32.msk $0xffff, v8  }
0xe9: {  	[tilespmem:s25+$0x40] =	vst.add.f32.msk $0xffff, v9  }
0xea: {  	[tilespmem:s25+$0x50] =	vst.add.f32.msk $0xffff, v10  }
0xeb: {  	[tilespmem:s25+$0x0] =	vst.add.f32.msk $0xffff, v11  }
0xec: {  	s23 =	simm.s32 $0x0;
	s24 =	sadd.s32 $0x400, s24;
	[tilespmem:s25+$0x60] =	vst.add.f32.msk $0xffff, v5  }
.LBB2_12:
0xed: {  	v5 =	vld.idx.msk [tilespmem:v4+s24+$0x30 ss:$0x1], $0xffff;
	s23 =	sadd.s32 $0x8, s23  }
0xee: {  	v6 =	vld.idx.msk [tilespmem:v4+s24+$0xFFFFFFD0 ss:$0x1], $0xffff;
	p1 =	slt.u32 s23, $0x38  }
0xef: {  	v7 =	vld.idx.msk [tilespmem:v4+s24+$0xFFFFFFE0 ss:$0x1], $0xffff  }
0xf0: {  	v8 =	vld.idx.msk [tilespmem:v4+s24+$0xFFFFFFF0 ss:$0x1], $0xffff  }
0xf1: {  	s22 =	sadd.s32 $0x400, s22;
	v9 =	vld.idx.msk [tilespmem:v4+s24+$0x0 ss:$0x1], $0xffff  }
0xf2: {  	s25 =	sadd.s32 s21, s22;
	v10 =	vld.idx.msk [tilespmem:v4+s24+$0x10 ss:$0x1], $0xffff  }
0xf3: {  	[tilespmem:s25+$0x70] =	vst.add.f32.msk $0xffff, v5  }
0xf4: {  	v5 =	vld.idx.msk [tilespmem:v4+s24+$0x20 ss:$0x1], $0xffff  }
0xf5: {  	v11 =	vld.idx.msk [tilespmem:v4+s24+$0xFFFFFFC0 ss:$0x1], $0xffff  }
0xf6: {  	[tilespmem:s25+$0x10] =	vst.add.f32.msk $0xffff, v6  }
0xf7: {  	[tilespmem:s25+$0x20] =	vst.add.f32.msk $0xffff, v7  }
.Ltmp7:
0xf8: {  	[tilespmem:s25+$0x30] =	vst.add.f32.msk $0xffff, v8;
	(pc) =	sbr.rel @p1 .LBB2_12-.Ltmp7, $4  }
0xf9: {  	[tilespmem:s25+$0x40] =	vst.add.f32.msk $0xffff, v9  }
0xfa: {  	[tilespmem:s25+$0x50] =	vst.add.f32.msk $0xffff, v10  }
0xfb: {  	[tilespmem:s25+$0x0] =	vst.add.f32.msk $0xffff, v11  }
0xfc: {  	s24 =	sadd.s32 $0x400, s24;
	[tilespmem:s25+$0x60] =	vst.add.f32.msk $0xffff, v5  }
0xfd: {  	s8 =	sadd.s32 $0x1, s8  }
0xfe: {  	p1 =	sne.s32 s8, $0x10  }
.Ltmp8:
0xff: {  	_ = 	snop;
	(pc) =	sbr.rel @p1 .LBB2_11-.Ltmp8, $2  }
0x100: {  	_ =	sdelay $0x2  }
0x101: {  	s18 =	sadd.s32 $0x1, s18;
	s17 =	sadd.s32 $0x400, s17  }
0x102: {  	s17 =	simm.s32 $0x0;
	s8 =	rddreg [dreg:$0x1f]  }
0x103: {  	[hbm4b:s8+s17] =	stream.linear.scatter [tilespmem:s13], [sflag:$0x8], $0x4000, $0x38;
	[tilespmem:$0x1D000] =	vst v63  }
0x104: {  	_ =	swait.ge [sflag:s30], $0x4000  }
0x105: {  	[sflag:s30] =	ssyncset.done $0x0  }
0x106: {  	[sflag:s30] =	ssyncadd.s32 $0xFFFFC000  }
0x107: {  	_ =	swait.ge [sflag:s31], $0x4000  }
0x108: {  	[sflag:s31] =	ssyncset.done $0x0  }
0x109: {  	[sflag:s31] =	ssyncadd.s32 $0xFFFFC000  }
0x10a: {  	v4 =	vld [tilespmem:s6+$0x840];
	_ =	sdelay $0x4  }
0x10b: {  	v5 =	vshll.u32 v4, $0x3  }
0x10c: {  	v4 =	vand.u32 $0x7, v4;
	v5 =	vand.u32 $0xFFFFFFC0, v5  }
0x10d: {  	v4 =	vor.u32 v4, v5  }
0x10e: {  	v5 =	vperm.xlane v4, v1;
	_ =	sdelay $0x1  }
0x10f: {  	v5 =	vadd.s32 v2, v5;
	_ =	sdelay $0x3  }
0x110: {  	s23 =	simm.s32 $0xD000  }
0x111: {  	[tilespmem:s23], [sflag:$0x4] =	stream.indirect_vreg.gather [hbm4b:s4+s17], $0x80, v5, vm0, $0xb8;
	[tilespmem:$0x1D000] =	vst v63  }
0x112: {  	s24 =	simm.s32 $0xD800;
	v4 =	vperm.xlane v4, v3  }
0x113: {  	[tilespmem:s24], [sflag:$0x4] =	stream.indirect_vreg.gather [hbm4b:s9+s17], $0x80, v5, vm0, $0xb8;
	[tilespmem:$0x1D000] =	vst v63  }
0x114: {  	s25 =	simm.s32 $0xE000;
	v4 =	vadd.s32 v2, v4  }
0x115: {  	[tilespmem:s25], [sflag:$0x4] =	stream.indirect_vreg.gather [hbm4b:s10+s17], $0x80, v5, vm0, $0xb8;
	[tilespmem:$0x1D000] =	vst v63  }
0x116: {  	s18 =	simm.s32 $0xE800  }
0x117: {  	[tilespmem:s18], [sflag:$0x4] =	stream.indirect_vreg.gather [hbm4b:s11+s17], $0x80, v5, vm0, $0xb8;
	[tilespmem:$0x1D000] =	vst v63  }
0x118: {  	s21 =	simm.s32 $0xF000  }
0x119: {  	[tilespmem:s21], [sflag:$0x4] =	stream.indirect_vreg.gather [hbm4b:s4+s17], $0x80, v4, vm0, $0xb8;
	[tilespmem:$0x1D000] =	vst v63  }
0x11a: {  	s22 =	simm.s32 $0xF800  }
0x11b: {  	[tilespmem:s22], [sflag:$0x4] =	stream.indirect_vreg.gather [hbm4b:s9+s17], $0x80, v4, vm0, $0xb8;
	[tilespmem:$0x1D000] =	vst v63  }
0x11c: {  	s23 =	simm.s32 $0x10000  }
0x11d: {  	[tilespmem:s23], [sflag:$0x4] =	stream.indirect_vreg.gather [hbm4b:s10+s17], $0x80, v4, vm0, $0xb8;
	[tilespmem:$0x1D000] =	vst v63  }
0x11e: {  	s24 =	simm.s32 $0x10800  }
0x11f: {  	[tilespmem:s24], [sflag:$0x4] =	stream.indirect_vreg.gather [hbm4b:s11+s17], $0x80, v4, vm0, $0xb8;
	[tilespmem:$0x1D000] =	vst v63  }
0x120: {  	_ =	swait.ge [sflag:s0], $0x4000  }
0x121: {  	s8 =	simm.s32 $0x0;
	[sflag:s0] =	ssyncset.done $0x0  }
0x122: {  	s18 =	simm.s32 $0x0;
	s25 =	rddreg [dreg:$0x8];
	[sflag:s0] =	ssyncadd.s32 $0xFFFFC000  }
0x123: {  	[tilespmem:s13], [sflag:$0x1] =	stream.linear.gather [hbm4b:s25+s17], $0x4000, $0x38;
	[tilespmem:$0x1D000] =	vst v63  }
.LBB2_15:
0x124: {  	s21 =	sand.u32 $0x7, s18  }
0x125: {  	s21 =	sshll.u32 s21, $0x9  }
0x126: {  	s21 =	sshrl.u32 s21, $0x2  }
0x127: {  	v4 =	vmov s21;
	_ =	sdelay $0x2  }
0x128: {  	s22 =	sand.u32 $0x3FFFE000, s17  }
0x129: {  	s24 =	sadd.s32 $0x11040, s22  }
0x12a: {  	v5 =	vld.idx.msk [tilespmem:v4+s24+$0x30 ss:$0x1], $0xffff  }
0x12b: {  	v6 =	vld.idx.msk [tilespmem:v4+s24+$0xFFFFFFD0 ss:$0x1], $0xffff  }
0x12c: {  	v7 =	vld.idx.msk [tilespmem:v4+s24+$0xFFFFFFE0 ss:$0x1], $0xffff  }
0x12d: {  	v8 =	vld.idx.msk [tilespmem:v4+s24+$0xFFFFFFF0 ss:$0x1], $0xffff  }
0x12e: {  	v9 =	vld.idx.msk [tilespmem:v4+s24+$0x0 ss:$0x1], $0xffff  }
0x12f: {  	s22 =	sadd.s32 $0x5000, s22;
	v10 =	vld.idx.msk [tilespmem:v4+s24+$0x10 ss:$0x1], $0xffff  }
0x130: {  	s25 =	sadd.s32 s21, s22;
	v11 =	vld.idx.msk [tilespmem:v4+s24+$0xFFFFFFC0 ss:$0x1], $0xffff  }
0x131: {  	[tilespmem:s25+$0x70] =	vst.add.f32.msk $0xffff, v5  }
0x132: {  	v5 =	vld.idx.msk [tilespmem:v4+s24+$0x20 ss:$0x1], $0xffff  }
0x133: {  	[tilespmem:s25+$0x10] =	vst.add.f32.msk $0xffff, v6  }
0x134: {  	[tilespmem:s25+$0x20] =	vst.add.f32.msk $0xffff, v7  }
0x135: {  	[tilespmem:s25+$0x30] =	vst.add.f32.msk $0xffff, v8  }
0x136: {  	[tilespmem:s25+$0x40] =	vst.add.f32.msk $0xffff, v9  }
0x137: {  	[tilespmem:s25+$0x50] =	vst.add.f32.msk $0xffff, v10  }
0x138: {  	[tilespmem:s25+$0x0] =	vst.add.f32.msk $0xffff, v11  }
0x139: {  	s23 =	simm.s32 $0x0;
	s24 =	sadd.s32 $0x400, s24;
	[tilespmem:s25+$0x60] =	vst.add.f32.msk $0xffff, v5  }
.LBB2_16:
0x13a: {  	v5 =	vld.idx.msk [tilespmem:v4+s24+$0x30 ss:$0x1], $0xffff;
	s23 =	sadd.s32 $0x8, s23  }
0x13b: {  	v6 =	vld.idx.msk [tilespmem:v4+s24+$0xFFFFFFD0 ss:$0x1], $0xffff;
	p1 =	slt.u32 s23, $0x38  }
0x13c: {  	v7 =	vld.idx.msk [tilespmem:v4+s24+$0xFFFFFFE0 ss:$0x1], $0xffff  }
0x13d: {  	v8 =	vld.idx.msk [tilespmem:v4+s24+$0xFFFFFFF0 ss:$0x1], $0xffff  }
0x13e: {  	s22 =	sadd.s32 $0x400, s22;
	v9 =	vld.idx.msk [tilespmem:v4+s24+$0x0 ss:$0x1], $0xffff  }
0x13f: {  	s25 =	sadd.s32 s21, s22;
	v10 =	vld.idx.msk [tilespmem:v4+s24+$0x10 ss:$0x1], $0xffff  }
0x140: {  	[tilespmem:s25+$0x70] =	vst.add.f32.msk $0xffff, v5  }
0x141: {  	v5 =	vld.idx.msk [tilespmem:v4+s24+$0x20 ss:$0x1], $0xffff  }
0x142: {  	v11 =	vld.idx.msk [tilespmem:v4+s24+$0xFFFFFFC0 ss:$0x1], $0xffff  }
0x143: {  	[tilespmem:s25+$0x10] =	vst.add.f32.msk $0xffff, v6  }
0x144: {  	[tilespmem:s25+$0x20] =	vst.add.f32.msk $0xffff, v7  }
.Ltmp9:
0x145: {  	[tilespmem:s25+$0x30] =	vst.add.f32.msk $0xffff, v8;
	(pc) =	sbr.rel @p1 .LBB2_16-.Ltmp9, $4  }
0x146: {  	[tilespmem:s25+$0x40] =	vst.add.f32.msk $0xffff, v9  }
0x147: {  	[tilespmem:s25+$0x50] =	vst.add.f32.msk $0xffff, v10  }
0x148: {  	[tilespmem:s25+$0x0] =	vst.add.f32.msk $0xffff, v11  }
0x149: {  	s24 =	sadd.s32 $0x400, s24;
	[tilespmem:s25+$0x60] =	vst.add.f32.msk $0xffff, v5  }
0x14a: {  	s8 =	sadd.s32 $0x1, s8  }
0x14b: {  	p1 =	sne.s32 s8, $0x10  }
.Ltmp10:
0x14c: {  	_ = 	snop;
	(pc) =	sbr.rel @p1 .LBB2_15-.Ltmp10, $2  }
0x14d: {  	_ =	sdelay $0x2  }
0x14e: {  	s18 =	sadd.s32 $0x1, s18;
	s17 =	sadd.s32 $0x400, s17  }
0x14f: {  	s17 =	simm.s32 $0x0;
	s8 =	rddreg [dreg:$0x9]  }
0x150: {  	[hbm4b:s8+s17] =	stream.linear.scatter [tilespmem:s14], [sflag:$0x9], $0x4000, $0x38;
	[tilespmem:$0x1D000] =	vst v63  }
0x151: {  	_ =	swait.ge [sflag:s1], $0x4000  }
0x152: {  	[sflag:s1] =	ssyncset.done $0x0  }
0x153: {  	[sflag:s1] =	ssyncadd.s32 $0xFFFFC000  }
0x154: {  	_ =	swait.ge [sflag:s3], $0x4000  }
0x155: {  	[sflag:s3] =	ssyncset.done $0x0  }
0x156: {  	[sflag:s3] =	ssyncadd.s32 $0xFFFFC000  }
0x157: {  	v4 =	vld [tilespmem:s6+$0x850];
	_ =	sdelay $0x4  }
0x158: {  	v5 =	vshll.u32 v4, $0x3  }
0x159: {  	v4 =	vand.u32 $0x7, v4;
	v5 =	vand.u32 $0xFFFFFFC0, v5  }
0x15a: {  	v4 =	vor.u32 v4, v5  }
0x15b: {  	v5 =	vperm.xlane v4, v1;
	_ =	sdelay $0x1  }
0x15c: {  	v5 =	vadd.s32 v2, v5;
	_ =	sdelay $0x3  }
0x15d: {  	s23 =	simm.s32 $0x11000  }
0x15e: {  	[tilespmem:s23], [sflag:$0x5] =	stream.indirect_vreg.gather [hbm4b:s4+s17], $0x80, v5, vm0, $0xb8;
	[tilespmem:$0x1D000] =	vst v63  }
0x15f: {  	s24 =	simm.s32 $0x11800;
	v4 =	vperm.xlane v4, v3  }
0x160: {  	[tilespmem:s24], [sflag:$0x5] =	stream.indirect_vreg.gather [hbm4b:s9+s17], $0x80, v5, vm0, $0xb8;
	[tilespmem:$0x1D000] =	vst v63  }
0x161: {  	s25 =	simm.s32 $0x12000;
	v4 =	vadd.s32 v2, v4  }
0x162: {  	[tilespmem:s25], [sflag:$0x5] =	stream.indirect_vreg.gather [hbm4b:s10+s17], $0x80, v5, vm0, $0xb8;
	[tilespmem:$0x1D000] =	vst v63  }
0x163: {  	s18 =	simm.s32 $0x12800  }
0x164: {  	[tilespmem:s18], [sflag:$0x5] =	stream.indirect_vreg.gather [hbm4b:s11+s17], $0x80, v5, vm0, $0xb8;
	[tilespmem:$0x1D000] =	vst v63  }
0x165: {  	s21 =	simm.s32 $0x13000  }
0x166: {  	[tilespmem:s21], [sflag:$0x5] =	stream.indirect_vreg.gather [hbm4b:s4+s17], $0x80, v4, vm0, $0xb8;
	[tilespmem:$0x1D000] =	vst v63  }
0x167: {  	s22 =	simm.s32 $0x13800  }
0x168: {  	[tilespmem:s22], [sflag:$0x5] =	stream.indirect_vreg.gather [hbm4b:s9+s17], $0x80, v4, vm0, $0xb8;
	[tilespmem:$0x1D000] =	vst v63  }
0x169: {  	s23 =	simm.s32 $0x14000  }
0x16a: {  	[tilespmem:s23], [sflag:$0x5] =	stream.indirect_vreg.gather [hbm4b:s10+s17], $0x80, v4, vm0, $0xb8;
	[tilespmem:$0x1D000] =	vst v63  }
0x16b: {  	s24 =	simm.s32 $0x14800  }
0x16c: {  	[tilespmem:s24], [sflag:$0x5] =	stream.indirect_vreg.gather [hbm4b:s11+s17], $0x80, v4, vm0, $0xb8;
	[tilespmem:$0x1D000] =	vst v63  }
0x16d: {  	_ =	swait.ge [sflag:s7], $0x4000  }
0x16e: {  	s8 =	simm.s32 $0x0;
	[sflag:s7] =	ssyncset.done $0x0  }
0x16f: {  	s18 =	simm.s32 $0x0;
	s25 =	rddreg [dreg:$0xa];
	[sflag:s7] =	ssyncadd.s32 $0xFFFFC000  }
0x170: {  	[tilespmem:s14], [sflag:$0x2] =	stream.linear.gather [hbm4b:s25+s17], $0x4000, $0x38;
	[tilespmem:$0x1D000] =	vst v63  }
.LBB2_19:
0x171: {  	s21 =	sand.u32 $0x7, s18  }
0x172: {  	s21 =	sshll.u32 s21, $0x9  }
0x173: {  	s21 =	sshrl.u32 s21, $0x2  }
0x174: {  	v4 =	vmov s21;
	_ =	sdelay $0x2  }
0x175: {  	s22 =	sand.u32 $0x3FFFE000, s17  }
0x176: {  	s24 =	sadd.s32 $0x15040, s22  }
0x177: {  	v5 =	vld.idx.msk [tilespmem:v4+s24+$0x30 ss:$0x1], $0xffff  }
0x178: {  	v6 =	vld.idx.msk [tilespmem:v4+s24+$0xFFFFFFD0 ss:$0x1], $0xffff  }
0x179: {  	v7 =	vld.idx.msk [tilespmem:v4+s24+$0xFFFFFFE0 ss:$0x1], $0xffff  }
0x17a: {  	v8 =	vld.idx.msk [tilespmem:v4+s24+$0xFFFFFFF0 ss:$0x1], $0xffff  }
0x17b: {  	v9 =	vld.idx.msk [tilespmem:v4+s24+$0x0 ss:$0x1], $0xffff  }
0x17c: {  	s22 =	sadd.s32 $0x9000, s22;
	v10 =	vld.idx.msk [tilespmem:v4+s24+$0x10 ss:$0x1], $0xffff  }
0x17d: {  	s25 =	sadd.s32 s21, s22;
	v11 =	vld.idx.msk [tilespmem:v4+s24+$0xFFFFFFC0 ss:$0x1], $0xffff  }
0x17e: {  	[tilespmem:s25+$0x70] =	vst.add.f32.msk $0xffff, v5  }
0x17f: {  	v5 =	vld.idx.msk [tilespmem:v4+s24+$0x20 ss:$0x1], $0xffff  }
0x180: {  	[tilespmem:s25+$0x10] =	vst.add.f32.msk $0xffff, v6  }
0x181: {  	[tilespmem:s25+$0x20] =	vst.add.f32.msk $0xffff, v7  }
0x182: {  	[tilespmem:s25+$0x30] =	vst.add.f32.msk $0xffff, v8  }
0x183: {  	[tilespmem:s25+$0x40] =	vst.add.f32.msk $0xffff, v9  }
0x184: {  	[tilespmem:s25+$0x50] =	vst.add.f32.msk $0xffff, v10  }
0x185: {  	[tilespmem:s25+$0x0] =	vst.add.f32.msk $0xffff, v11  }
0x186: {  	s23 =	simm.s32 $0x0;
	s24 =	sadd.s32 $0x400, s24;
	[tilespmem:s25+$0x60] =	vst.add.f32.msk $0xffff, v5  }
.LBB2_20:
0x187: {  	v5 =	vld.idx.msk [tilespmem:v4+s24+$0x30 ss:$0x1], $0xffff;
	s23 =	sadd.s32 $0x8, s23  }
0x188: {  	v6 =	vld.idx.msk [tilespmem:v4+s24+$0xFFFFFFD0 ss:$0x1], $0xffff;
	p1 =	slt.u32 s23, $0x38  }
0x189: {  	v7 =	vld.idx.msk [tilespmem:v4+s24+$0xFFFFFFE0 ss:$0x1], $0xffff  }
0x18a: {  	v8 =	vld.idx.msk [tilespmem:v4+s24+$0xFFFFFFF0 ss:$0x1], $0xffff  }
0x18b: {  	s22 =	sadd.s32 $0x400, s22;
	v9 =	vld.idx.msk [tilespmem:v4+s24+$0x0 ss:$0x1], $0xffff  }
0x18c: {  	s25 =	sadd.s32 s21, s22;
	v10 =	vld.idx.msk [tilespmem:v4+s24+$0x10 ss:$0x1], $0xffff  }
0x18d: {  	[tilespmem:s25+$0x70] =	vst.add.f32.msk $0xffff, v5  }
0x18e: {  	v5 =	vld.idx.msk [tilespmem:v4+s24+$0x20 ss:$0x1], $0xffff  }
0x18f: {  	v11 =	vld.idx.msk [tilespmem:v4+s24+$0xFFFFFFC0 ss:$0x1], $0xffff  }
0x190: {  	[tilespmem:s25+$0x10] =	vst.add.f32.msk $0xffff, v6  }
0x191: {  	[tilespmem:s25+$0x20] =	vst.add.f32.msk $0xffff, v7  }
.Ltmp11:
0x192: {  	[tilespmem:s25+$0x30] =	vst.add.f32.msk $0xffff, v8;
	(pc) =	sbr.rel @p1 .LBB2_20-.Ltmp11, $4  }
0x193: {  	[tilespmem:s25+$0x40] =	vst.add.f32.msk $0xffff, v9  }
0x194: {  	[tilespmem:s25+$0x50] =	vst.add.f32.msk $0xffff, v10  }
0x195: {  	[tilespmem:s25+$0x0] =	vst.add.f32.msk $0xffff, v11  }
0x196: {  	s24 =	sadd.s32 $0x400, s24;
	[tilespmem:s25+$0x60] =	vst.add.f32.msk $0xffff, v5  }
0x197: {  	s8 =	sadd.s32 $0x1, s8  }
0x198: {  	p1 =	sne.s32 s8, $0x10  }
.Ltmp12:
0x199: {  	_ = 	snop;
	(pc) =	sbr.rel @p1 .LBB2_19-.Ltmp12, $2  }
0x19a: {  	_ =	sdelay $0x2  }
0x19b: {  	s18 =	sadd.s32 $0x1, s18;
	s17 =	sadd.s32 $0x400, s17  }
0x19c: {  	s17 =	simm.s32 $0x0;
	s8 =	rddreg [dreg:$0xb]  }
0x19d: {  	[hbm4b:s8+s17] =	stream.linear.scatter [tilespmem:s29], [sflag:$0xA], $0x4000, $0x38;
	[tilespmem:$0x1D000] =	vst v63  }
0x19e: {  	_ =	swait.ge [sflag:s19], $0x4000  }
0x19f: {  	[sflag:s19] =	ssyncset.done $0x0  }
0x1a0: {  	[sflag:s19] =	ssyncadd.s32 $0xFFFFC000  }
0x1a1: {  	_ =	swait.ge [sflag:s5], $0x4000  }
0x1a2: {  	[sflag:s5] =	ssyncset.done $0x0  }
0x1a3: {  	[sflag:s5] =	ssyncadd.s32 $0xFFFFC000  }
0x1a4: {  	v4 =	vld [tilespmem:s6+$0x860];
	_ =	sdelay $0x4  }
0x1a5: {  	v5 =	vshll.u32 v4, $0x3  }
0x1a6: {  	v4 =	vand.u32 $0x7, v4;
	v5 =	vand.u32 $0xFFFFFFC0, v5  }
0x1a7: {  	v4 =	vor.u32 v4, v5  }
0x1a8: {  	v5 =	vperm.xlane v4, v1;
	_ =	sdelay $0x1  }
0x1a9: {  	v5 =	vadd.s32 v2, v5;
	_ =	sdelay $0x3  }
0x1aa: {  	s23 =	simm.s32 $0x15000  }
0x1ab: {  	[tilespmem:s23], [sflag:$0x6] =	stream.indirect_vreg.gather [hbm4b:s4+s17], $0x80, v5, vm0, $0xb8;
	[tilespmem:$0x1D000] =	vst v63  }
0x1ac: {  	s24 =	simm.s32 $0x15800;
	v4 =	vperm.xlane v4, v3  }
0x1ad: {  	[tilespmem:s24], [sflag:$0x6] =	stream.indirect_vreg.gather [hbm4b:s9+s17], $0x80, v5, vm0, $0xb8;
	[tilespmem:$0x1D000] =	vst v63  }
0x1ae: {  	s25 =	simm.s32 $0x16000;
	v4 =	vadd.s32 v2, v4  }
0x1af: {  	[tilespmem:s25], [sflag:$0x6] =	stream.indirect_vreg.gather [hbm4b:s10+s17], $0x80, v5, vm0, $0xb8;
	[tilespmem:$0x1D000] =	vst v63  }
0x1b0: {  	s18 =	simm.s32 $0x16800  }
0x1b1: {  	[tilespmem:s18], [sflag:$0x6] =	stream.indirect_vreg.gather [hbm4b:s11+s17], $0x80, v5, vm0, $0xb8;
	[tilespmem:$0x1D000] =	vst v63  }
0x1b2: {  	s21 =	simm.s32 $0x17000  }
0x1b3: {  	[tilespmem:s21], [sflag:$0x6] =	stream.indirect_vreg.gather [hbm4b:s4+s17], $0x80, v4, vm0, $0xb8;
	[tilespmem:$0x1D000] =	vst v63  }
0x1b4: {  	s22 =	simm.s32 $0x17800  }
0x1b5: {  	[tilespmem:s22], [sflag:$0x6] =	stream.indirect_vreg.gather [hbm4b:s9+s17], $0x80, v4, vm0, $0xb8;
	[tilespmem:$0x1D000] =	vst v63  }
0x1b6: {  	s23 =	simm.s32 $0x18000  }
0x1b7: {  	[tilespmem:s23], [sflag:$0x6] =	stream.indirect_vreg.gather [hbm4b:s10+s17], $0x80, v4, vm0, $0xb8;
	[tilespmem:$0x1D000] =	vst v63  }
0x1b8: {  	s24 =	simm.s32 $0x18800  }
0x1b9: {  	[tilespmem:s24], [sflag:$0x6] =	stream.indirect_vreg.gather [hbm4b:s11+s17], $0x80, v4, vm0, $0xb8;
	[tilespmem:$0x1D000] =	vst v63  }
0x1ba: {  	_ =	swait.ge [sflag:s15], $0x4000  }
0x1bb: {  	s8 =	simm.s32 $0x0;
	[sflag:s15] =	ssyncset.done $0x0  }
0x1bc: {  	s18 =	simm.s32 $0x0;
	s25 =	rddreg [dreg:$0xc];
	[sflag:s15] =	ssyncadd.s32 $0xFFFFC000  }
0x1bd: {  	[tilespmem:s29], [sflag:$0x3] =	stream.linear.gather [hbm4b:s25+s17], $0x4000, $0x38;
	[tilespmem:$0x1D000] =	vst v63  }
.LBB2_23:
0x1be: {  	s21 =	sand.u32 $0x7, s18  }
0x1bf: {  	s21 =	sshll.u32 s21, $0x9  }
0x1c0: {  	s21 =	sshrl.u32 s21, $0x2  }
0x1c1: {  	v4 =	vmov s21;
	_ =	sdelay $0x2  }
0x1c2: {  	s22 =	sand.u32 $0x3FFFE000, s17  }
0x1c3: {  	s24 =	sadd.s32 $0x19040, s22  }
0x1c4: {  	v5 =	vld.idx.msk [tilespmem:v4+s24+$0x30 ss:$0x1], $0xffff  }
0x1c5: {  	v6 =	vld.idx.msk [tilespmem:v4+s24+$0xFFFFFFD0 ss:$0x1], $0xffff  }
0x1c6: {  	v7 =	vld.idx.msk [tilespmem:v4+s24+$0xFFFFFFE0 ss:$0x1], $0xffff  }
0x1c7: {  	v8 =	vld.idx.msk [tilespmem:v4+s24+$0xFFFFFFF0 ss:$0x1], $0xffff  }
0x1c8: {  	v9 =	vld.idx.msk [tilespmem:v4+s24+$0x0 ss:$0x1], $0xffff  }
0x1c9: {  	s22 =	sor.u32 $0x1000, s22;
	v10 =	vld.idx.msk [tilespmem:v4+s24+$0x10 ss:$0x1], $0xffff  }
0x1ca: {  	s25 =	sadd.s32 s21, s22;
	v11 =	vld.idx.msk [tilespmem:v4+s24+$0xFFFFFFC0 ss:$0x1], $0xffff  }
0x1cb: {  	[tilespmem:s25+$0x70] =	vst.add.f32.msk $0xffff, v5  }
0x1cc: {  	v5 =	vld.idx.msk [tilespmem:v4+s24+$0x20 ss:$0x1], $0xffff  }
0x1cd: {  	[tilespmem:s25+$0x10] =	vst.add.f32.msk $0xffff, v6  }
0x1ce: {  	[tilespmem:s25+$0x20] =	vst.add.f32.msk $0xffff, v7  }
0x1cf: {  	[tilespmem:s25+$0x30] =	vst.add.f32.msk $0xffff, v8  }
0x1d0: {  	[tilespmem:s25+$0x40] =	vst.add.f32.msk $0xffff, v9  }
0x1d1: {  	[tilespmem:s25+$0x50] =	vst.add.f32.msk $0xffff, v10  }
0x1d2: {  	[tilespmem:s25+$0x0] =	vst.add.f32.msk $0xffff, v11  }
0x1d3: {  	s23 =	simm.s32 $0x0;
	s24 =	sadd.s32 $0x400, s24;
	[tilespmem:s25+$0x60] =	vst.add.f32.msk $0xffff, v5  }
.LBB2_24:
0x1d4: {  	v5 =	vld.idx.msk [tilespmem:v4+s24+$0x30 ss:$0x1], $0xffff;
	s23 =	sadd.s32 $0x8, s23  }
0x1d5: {  	v6 =	vld.idx.msk [tilespmem:v4+s24+$0xFFFFFFD0 ss:$0x1], $0xffff;
	p1 =	slt.u32 s23, $0x38  }
0x1d6: {  	v7 =	vld.idx.msk [tilespmem:v4+s24+$0xFFFFFFE0 ss:$0x1], $0xffff  }
0x1d7: {  	v8 =	vld.idx.msk [tilespmem:v4+s24+$0xFFFFFFF0 ss:$0x1], $0xffff  }
0x1d8: {  	s22 =	sadd.s32 $0x400, s22;
	v9 =	vld.idx.msk [tilespmem:v4+s24+$0x0 ss:$0x1], $0xffff  }
0x1d9: {  	s25 =	sadd.s32 s21, s22;
	v10 =	vld.idx.msk [tilespmem:v4+s24+$0x10 ss:$0x1], $0xffff  }
0x1da: {  	[tilespmem:s25+$0x70] =	vst.add.f32.msk $0xffff, v5  }
0x1db: {  	v5 =	vld.idx.msk [tilespmem:v4+s24+$0x20 ss:$0x1], $0xffff  }
0x1dc: {  	v11 =	vld.idx.msk [tilespmem:v4+s24+$0xFFFFFFC0 ss:$0x1], $0xffff  }
0x1dd: {  	[tilespmem:s25+$0x10] =	vst.add.f32.msk $0xffff, v6  }
0x1de: {  	[tilespmem:s25+$0x20] =	vst.add.f32.msk $0xffff, v7  }
.Ltmp13:
0x1df: {  	[tilespmem:s25+$0x30] =	vst.add.f32.msk $0xffff, v8;
	(pc) =	sbr.rel @p1 .LBB2_24-.Ltmp13, $4  }
0x1e0: {  	[tilespmem:s25+$0x40] =	vst.add.f32.msk $0xffff, v9  }
0x1e1: {  	[tilespmem:s25+$0x50] =	vst.add.f32.msk $0xffff, v10  }
0x1e2: {  	[tilespmem:s25+$0x0] =	vst.add.f32.msk $0xffff, v11  }
0x1e3: {  	s24 =	sadd.s32 $0x400, s24;
	[tilespmem:s25+$0x60] =	vst.add.f32.msk $0xffff, v5  }
0x1e4: {  	s8 =	sadd.s32 $0x1, s8  }
0x1e5: {  	p1 =	sne.s32 s8, $0x10  }
.Ltmp14:
0x1e6: {  	_ = 	snop;
	(pc) =	sbr.rel @p1 .LBB2_23-.Ltmp14, $2  }
0x1e7: {  	_ =	sdelay $0x2  }
0x1e8: {  	s18 =	sadd.s32 $0x1, s18;
	s17 =	sadd.s32 $0x400, s17  }
0x1e9: {  	s17 =	simm.s32 $0x0;
	s8 =	rddreg [dreg:$0xd]  }
0x1ea: {  	[hbm4b:s8+s17] =	stream.linear.scatter [tilespmem:s13], [sflag:$0x8], $0x4000, $0x38;
	[tilespmem:$0x1D000] =	vst v63  }
0x1eb: {  	_ =	swait.ge [sflag:s30], $0x4000  }
0x1ec: {  	[sflag:s30] =	ssyncset.done $0x0  }
0x1ed: {  	[sflag:s30] =	ssyncadd.s32 $0xFFFFC000  }
0x1ee: {  	_ =	swait.ge [sflag:s20], $0x4000  }
0x1ef: {  	[sflag:s20] =	ssyncset.done $0x0  }
0x1f0: {  	[sflag:s20] =	ssyncadd.s32 $0xFFFFC000  }
0x1f1: {  	v4 =	vld [tilespmem:s6+$0x870];
	_ =	sdelay $0x4  }
0x1f2: {  	v5 =	vshll.u32 v4, $0x3  }
0x1f3: {  	v4 =	vand.u32 $0x7, v4;
	v5 =	vand.u32 $0xFFFFFFC0, v5  }
0x1f4: {  	v4 =	vor.u32 v4, v5  }
0x1f5: {  	v5 =	vperm.xlane v4, v1;
	_ =	sdelay $0x1  }
0x1f6: {  	v5 =	vadd.s32 v2, v5;
	_ =	sdelay $0x3  }
0x1f7: {  	s25 =	simm.s32 $0x19000  }
0x1f8: {  	[tilespmem:s25], [sflag:$0x7] =	stream.indirect_vreg.gather [hbm4b:s4+s17], $0x80, v5, vm0, $0xb8;
	[tilespmem:$0x1D000] =	vst v63  }
0x1f9: {  	s18 =	simm.s32 $0x19800;
	v4 =	vperm.xlane v4, v3  }
0x1fa: {  	[tilespmem:s18], [sflag:$0x7] =	stream.indirect_vreg.gather [hbm4b:s9+s17], $0x80, v5, vm0, $0xb8;
	[tilespmem:$0x1D000] =	vst v63  }
0x1fb: {  	s21 =	simm.s32 $0x1A000;
	v4 =	vadd.s32 v2, v4  }
0x1fc: {  	[tilespmem:s21], [sflag:$0x7] =	stream.indirect_vreg.gather [hbm4b:s10+s17], $0x80, v5, vm0, $0xb8;
	[tilespmem:$0x1D000] =	vst v63  }
0x1fd: {  	s22 =	simm.s32 $0x1A800  }
0x1fe: {  	[tilespmem:s22], [sflag:$0x7] =	stream.indirect_vreg.gather [hbm4b:s11+s17], $0x80, v5, vm0, $0xb8;
	[tilespmem:$0x1D000] =	vst v63  }
0x1ff: {  	s23 =	simm.s32 $0x1B000  }
0x200: {  	[tilespmem:s23], [sflag:$0x7] =	stream.indirect_vreg.gather [hbm4b:s4+s17], $0x80, v4, vm0, $0xb8;
	[tilespmem:$0x1D000] =	vst v63  }
0x201: {  	s24 =	simm.s32 $0x1B800  }
0x202: {  	[tilespmem:s24], [sflag:$0x7] =	stream.indirect_vreg.gather [hbm4b:s9+s17], $0x80, v4, vm0, $0xb8;
	[tilespmem:$0x1D000] =	vst v63  }
0x203: {  	_ = 	snop  }
0x204: {  	[tilespmem:s26], [sflag:$0x7] =	stream.indirect_vreg.gather [hbm4b:s10+s17], $0x80, v4, vm0, $0xb8;
	[tilespmem:$0x1D000] =	vst v63  }
0x205: {  	_ = 	snop  }
0x206: {  	[tilespmem:s28], [sflag:$0x7] =	stream.indirect_vreg.gather [hbm4b:s11+s17], $0x80, v4, vm0, $0xb8;
	[tilespmem:$0x1D000] =	vst v63  }
0x207: {  	_ =	swait.ge [sflag:s0], $0x4000  }
0x208: {  	s8 =	simm.s32 $0x0;
	[sflag:s0] =	ssyncset.done $0x0  }
0x209: {  	s18 =	simm.s32 $0x0;
	s25 =	rddreg [dreg:$0xe];
	[sflag:s0] =	ssyncadd.s32 $0xFFFFC000  }
0x20a: {  	[tilespmem:s13], [sflag:$0x1] =	stream.linear.gather [hbm4b:s25+s17], $0x4000, $0x38;
	[tilespmem:$0x1D000] =	vst v63  }
.LBB2_27:
0x20b: {  	s21 =	sand.u32 $0x7, s18  }
0x20c: {  	s21 =	sshll.u32 s21, $0x9  }
0x20d: {  	s21 =	sshrl.u32 s21, $0x2  }
0x20e: {  	v4 =	vmov s21;
	_ =	sdelay $0x2  }
0x20f: {  	s22 =	sand.u32 $0x3FFFE000, s17  }
0x210: {  	s24 =	sadd.s32 $0xD040, s22  }
0x211: {  	v5 =	vld.idx.msk [tilespmem:v4+s24+$0x30 ss:$0x1], $0xffff  }
0x212: {  	v6 =	vld.idx.msk [tilespmem:v4+s24+$0xFFFFFFD0 ss:$0x1], $0xffff  }
0x213: {  	v7 =	vld.idx.msk [tilespmem:v4+s24+$0xFFFFFFE0 ss:$0x1], $0xffff  }
0x214: {  	v8 =	vld.idx.msk [tilespmem:v4+s24+$0xFFFFFFF0 ss:$0x1], $0xffff  }
0x215: {  	v9 =	vld.idx.msk [tilespmem:v4+s24+$0x0 ss:$0x1], $0xffff  }
0x216: {  	s22 =	sadd.s32 $0x5000, s22;
	v10 =	vld.idx.msk [tilespmem:v4+s24+$0x10 ss:$0x1], $0xffff  }
0x217: {  	s25 =	sadd.s32 s21, s22;
	v11 =	vld.idx.msk [tilespmem:v4+s24+$0xFFFFFFC0 ss:$0x1], $0xffff  }
0x218: {  	[tilespmem:s25+$0x70] =	vst.add.f32.msk $0xffff, v5  }
0x219: {  	v5 =	vld.idx.msk [tilespmem:v4+s24+$0x20 ss:$0x1], $0xffff  }
0x21a: {  	[tilespmem:s25+$0x10] =	vst.add.f32.msk $0xffff, v6  }
0x21b: {  	[tilespmem:s25+$0x20] =	vst.add.f32.msk $0xffff, v7  }
0x21c: {  	[tilespmem:s25+$0x30] =	vst.add.f32.msk $0xffff, v8  }
0x21d: {  	[tilespmem:s25+$0x40] =	vst.add.f32.msk $0xffff, v9  }
0x21e: {  	[tilespmem:s25+$0x50] =	vst.add.f32.msk $0xffff, v10  }
0x21f: {  	[tilespmem:s25+$0x0] =	vst.add.f32.msk $0xffff, v11  }
0x220: {  	s23 =	simm.s32 $0x0;
	s24 =	sadd.s32 $0x400, s24;
	[tilespmem:s25+$0x60] =	vst.add.f32.msk $0xffff, v5  }
.LBB2_28:
0x221: {  	v5 =	vld.idx.msk [tilespmem:v4+s24+$0x30 ss:$0x1], $0xffff;
	s23 =	sadd.s32 $0x8, s23  }
0x222: {  	v6 =	vld.idx.msk [tilespmem:v4+s24+$0xFFFFFFD0 ss:$0x1], $0xffff;
	p1 =	slt.u32 s23, $0x38  }
0x223: {  	v7 =	vld.idx.msk [tilespmem:v4+s24+$0xFFFFFFE0 ss:$0x1], $0xffff  }
0x224: {  	v8 =	vld.idx.msk [tilespmem:v4+s24+$0xFFFFFFF0 ss:$0x1], $0xffff  }
0x225: {  	s22 =	sadd.s32 $0x400, s22;
	v9 =	vld.idx.msk [tilespmem:v4+s24+$0x0 ss:$0x1], $0xffff  }
0x226: {  	s25 =	sadd.s32 s21, s22;
	v10 =	vld.idx.msk [tilespmem:v4+s24+$0x10 ss:$0x1], $0xffff  }
0x227: {  	[tilespmem:s25+$0x70] =	vst.add.f32.msk $0xffff, v5  }
0x228: {  	v5 =	vld.idx.msk [tilespmem:v4+s24+$0x20 ss:$0x1], $0xffff  }
0x229: {  	v11 =	vld.idx.msk [tilespmem:v4+s24+$0xFFFFFFC0 ss:$0x1], $0xffff  }
0x22a: {  	[tilespmem:s25+$0x10] =	vst.add.f32.msk $0xffff, v6  }
0x22b: {  	[tilespmem:s25+$0x20] =	vst.add.f32.msk $0xffff, v7  }
.Ltmp15:
0x22c: {  	[tilespmem:s25+$0x30] =	vst.add.f32.msk $0xffff, v8;
	(pc) =	sbr.rel @p1 .LBB2_28-.Ltmp15, $4  }
0x22d: {  	[tilespmem:s25+$0x40] =	vst.add.f32.msk $0xffff, v9  }
0x22e: {  	[tilespmem:s25+$0x50] =	vst.add.f32.msk $0xffff, v10  }
0x22f: {  	[tilespmem:s25+$0x0] =	vst.add.f32.msk $0xffff, v11  }
0x230: {  	s24 =	sadd.s32 $0x400, s24;
	[tilespmem:s25+$0x60] =	vst.add.f32.msk $0xffff, v5  }
0x231: {  	s8 =	sadd.s32 $0x1, s8  }
0x232: {  	p1 =	sne.s32 s8, $0x10  }
.Ltmp16:
0x233: {  	_ = 	snop;
	(pc) =	sbr.rel @p1 .LBB2_27-.Ltmp16, $2  }
0x234: {  	_ =	sdelay $0x2  }
0x235: {  	s18 =	sadd.s32 $0x1, s18;
	s17 =	sadd.s32 $0x400, s17  }
0x236: {  	s17 =	simm.s32 $0x0;
	s8 =	rddreg [dreg:$0xf]  }
0x237: {  	[hbm4b:s8+s17] =	stream.linear.scatter [tilespmem:s14], [sflag:$0x9], $0x4000, $0x38;
	[tilespmem:$0x1D000] =	vst v63  }
0x238: {  	_ =	swait.ge [sflag:s1], $0x4000  }
0x239: {  	[sflag:s1] =	ssyncset.done $0x0  }
0x23a: {  	[sflag:s1] =	ssyncadd.s32 $0xFFFFC000  }
0x23b: {  	_ =	swait.ge [sflag:s31], $0x4000  }
0x23c: {  	[sflag:s31] =	ssyncset.done $0x0  }
0x23d: {  	[sflag:s31] =	ssyncadd.s32 $0xFFFFC000  }
0x23e: {  	v4 =	vld [tilespmem:s6+$0x880];
	_ =	sdelay $0x4  }
0x23f: {  	v5 =	vshll.u32 v4, $0x3  }
0x240: {  	v4 =	vand.u32 $0x7, v4;
	v5 =	vand.u32 $0xFFFFFFC0, v5  }
0x241: {  	v4 =	vor.u32 v4, v5  }
0x242: {  	v5 =	vperm.xlane v4, v1;
	_ =	sdelay $0x1  }
0x243: {  	v5 =	vadd.s32 v2, v5;
	_ =	sdelay $0x3  }
0x244: {  	s23 =	simm.s32 $0xD000  }
0x245: {  	[tilespmem:s23], [sflag:$0x4] =	stream.indirect_vreg.gather [hbm4b:s4+s17], $0x80, v5, vm0, $0xb8;
	[tilespmem:$0x1D000] =	vst v63  }
0x246: {  	s24 =	simm.s32 $0xD800;
	v4 =	vperm.xlane v4, v3  }
0x247: {  	[tilespmem:s24], [sflag:$0x4] =	stream.indirect_vreg.gather [hbm4b:s9+s17], $0x80, v5, vm0, $0xb8;
	[tilespmem:$0x1D000] =	vst v63  }
0x248: {  	s25 =	simm.s32 $0xE000;
	v4 =	vadd.s32 v2, v4  }
0x249: {  	[tilespmem:s25], [sflag:$0x4] =	stream.indirect_vreg.gather [hbm4b:s10+s17], $0x80, v5, vm0, $0xb8;
	[tilespmem:$0x1D000] =	vst v63  }
0x24a: {  	s18 =	simm.s32 $0xE800  }
0x24b: {  	[tilespmem:s18], [sflag:$0x4] =	stream.indirect_vreg.gather [hbm4b:s11+s17], $0x80, v5, vm0, $0xb8;
	[tilespmem:$0x1D000] =	vst v63  }
0x24c: {  	s21 =	simm.s32 $0xF000  }
0x24d: {  	[tilespmem:s21], [sflag:$0x4] =	stream.indirect_vreg.gather [hbm4b:s4+s17], $0x80, v4, vm0, $0xb8;
	[tilespmem:$0x1D000] =	vst v63  }
0x24e: {  	s22 =	simm.s32 $0xF800  }
0x24f: {  	[tilespmem:s22], [sflag:$0x4] =	stream.indirect_vreg.gather [hbm4b:s9+s17], $0x80, v4, vm0, $0xb8;
	[tilespmem:$0x1D000] =	vst v63  }
0x250: {  	s23 =	simm.s32 $0x10000  }
0x251: {  	[tilespmem:s23], [sflag:$0x4] =	stream.indirect_vreg.gather [hbm4b:s10+s17], $0x80, v4, vm0, $0xb8;
	[tilespmem:$0x1D000] =	vst v63  }
0x252: {  	s24 =	simm.s32 $0x10800  }
0x253: {  	[tilespmem:s24], [sflag:$0x4] =	stream.indirect_vreg.gather [hbm4b:s11+s17], $0x80, v4, vm0, $0xb8;
	[tilespmem:$0x1D000] =	vst v63  }
0x254: {  	_ =	swait.ge [sflag:s7], $0x4000  }
0x255: {  	s8 =	simm.s32 $0x0;
	[sflag:s7] =	ssyncset.done $0x0  }
0x256: {  	s18 =	simm.s32 $0x0;
	s25 =	rddreg [dreg:$0x10];
	[sflag:s7] =	ssyncadd.s32 $0xFFFFC000  }
0x257: {  	[tilespmem:s14], [sflag:$0x2] =	stream.linear.gather [hbm4b:s25+s17], $0x4000, $0x38;
	[tilespmem:$0x1D000] =	vst v63  }
.LBB2_31:
0x258: {  	s21 =	sand.u32 $0x7, s18  }
0x259: {  	s21 =	sshll.u32 s21, $0x9  }
0x25a: {  	s21 =	sshrl.u32 s21, $0x2  }
0x25b: {  	v4 =	vmov s21;
	_ =	sdelay $0x2  }
0x25c: {  	s22 =	sand.u32 $0x3FFFE000, s17  }
0x25d: {  	s24 =	sadd.s32 $0x11040, s22  }
0x25e: {  	v5 =	vld.idx.msk [tilespmem:v4+s24+$0x30 ss:$0x1], $0xffff  }
0x25f: {  	v6 =	vld.idx.msk [tilespmem:v4+s24+$0xFFFFFFD0 ss:$0x1], $0xffff  }
0x260: {  	v7 =	vld.idx.msk [tilespmem:v4+s24+$0xFFFFFFE0 ss:$0x1], $0xffff  }
0x261: {  	v8 =	vld.idx.msk [tilespmem:v4+s24+$0xFFFFFFF0 ss:$0x1], $0xffff  }
0x262: {  	v9 =	vld.idx.msk [tilespmem:v4+s24+$0x0 ss:$0x1], $0xffff  }
0x263: {  	s22 =	sadd.s32 $0x9000, s22;
	v10 =	vld.idx.msk [tilespmem:v4+s24+$0x10 ss:$0x1], $0xffff  }
0x264: {  	s25 =	sadd.s32 s21, s22;
	v11 =	vld.idx.msk [tilespmem:v4+s24+$0xFFFFFFC0 ss:$0x1], $0xffff  }
0x265: {  	[tilespmem:s25+$0x70] =	vst.add.f32.msk $0xffff, v5  }
0x266: {  	v5 =	vld.idx.msk [tilespmem:v4+s24+$0x20 ss:$0x1], $0xffff  }
0x267: {  	[tilespmem:s25+$0x10] =	vst.add.f32.msk $0xffff, v6  }
0x268: {  	[tilespmem:s25+$0x20] =	vst.add.f32.msk $0xffff, v7  }
0x269: {  	[tilespmem:s25+$0x30] =	vst.add.f32.msk $0xffff, v8  }
0x26a: {  	[tilespmem:s25+$0x40] =	vst.add.f32.msk $0xffff, v9  }
0x26b: {  	[tilespmem:s25+$0x50] =	vst.add.f32.msk $0xffff, v10  }
0x26c: {  	[tilespmem:s25+$0x0] =	vst.add.f32.msk $0xffff, v11  }
0x26d: {  	s23 =	simm.s32 $0x0;
	s24 =	sadd.s32 $0x400, s24;
	[tilespmem:s25+$0x60] =	vst.add.f32.msk $0xffff, v5  }
.LBB2_32:
0x26e: {  	v5 =	vld.idx.msk [tilespmem:v4+s24+$0x30 ss:$0x1], $0xffff;
	s23 =	sadd.s32 $0x8, s23  }
0x26f: {  	v6 =	vld.idx.msk [tilespmem:v4+s24+$0xFFFFFFD0 ss:$0x1], $0xffff;
	p1 =	slt.u32 s23, $0x38  }
0x270: {  	v7 =	vld.idx.msk [tilespmem:v4+s24+$0xFFFFFFE0 ss:$0x1], $0xffff  }
0x271: {  	v8 =	vld.idx.msk [tilespmem:v4+s24+$0xFFFFFFF0 ss:$0x1], $0xffff  }
0x272: {  	s22 =	sadd.s32 $0x400, s22;
	v9 =	vld.idx.msk [tilespmem:v4+s24+$0x0 ss:$0x1], $0xffff  }
0x273: {  	s25 =	sadd.s32 s21, s22;
	v10 =	vld.idx.msk [tilespmem:v4+s24+$0x10 ss:$0x1], $0xffff  }
0x274: {  	[tilespmem:s25+$0x70] =	vst.add.f32.msk $0xffff, v5  }
0x275: {  	v5 =	vld.idx.msk [tilespmem:v4+s24+$0x20 ss:$0x1], $0xffff  }
0x276: {  	v11 =	vld.idx.msk [tilespmem:v4+s24+$0xFFFFFFC0 ss:$0x1], $0xffff  }
0x277: {  	[tilespmem:s25+$0x10] =	vst.add.f32.msk $0xffff, v6  }
0x278: {  	[tilespmem:s25+$0x20] =	vst.add.f32.msk $0xffff, v7  }
.Ltmp17:
0x279: {  	[tilespmem:s25+$0x30] =	vst.add.f32.msk $0xffff, v8;
	(pc) =	sbr.rel @p1 .LBB2_32-.Ltmp17, $4  }
0x27a: {  	[tilespmem:s25+$0x40] =	vst.add.f32.msk $0xffff, v9  }
0x27b: {  	[tilespmem:s25+$0x50] =	vst.add.f32.msk $0xffff, v10  }
0x27c: {  	[tilespmem:s25+$0x0] =	vst.add.f32.msk $0xffff, v11  }
0x27d: {  	s24 =	sadd.s32 $0x400, s24;
	[tilespmem:s25+$0x60] =	vst.add.f32.msk $0xffff, v5  }
0x27e: {  	s8 =	sadd.s32 $0x1, s8  }
0x27f: {  	p1 =	sne.s32 s8, $0x10  }
.Ltmp18:
0x280: {  	_ = 	snop;
	(pc) =	sbr.rel @p1 .LBB2_31-.Ltmp18, $2  }
0x281: {  	_ =	sdelay $0x2  }
0x282: {  	s18 =	sadd.s32 $0x1, s18;
	s17 =	sadd.s32 $0x400, s17  }
0x283: {  	s17 =	simm.s32 $0x0;
	s8 =	rddreg [dreg:$0x11]  }
0x284: {  	[hbm4b:s8+s17] =	stream.linear.scatter [tilespmem:s29], [sflag:$0xA], $0x4000, $0x38;
	[tilespmem:$0x1D000] =	vst v63  }
0x285: {  	_ =	swait.ge [sflag:s19], $0x4000  }
0x286: {  	[sflag:s19] =	ssyncset.done $0x0  }
0x287: {  	[sflag:s19] =	ssyncadd.s32 $0xFFFFC000  }
0x288: {  	_ =	swait.ge [sflag:s3], $0x4000  }
0x289: {  	[sflag:s3] =	ssyncset.done $0x0  }
0x28a: {  	[sflag:s3] =	ssyncadd.s32 $0xFFFFC000  }
0x28b: {  	v4 =	vld [tilespmem:s6+$0x890];
	_ =	sdelay $0x4  }
0x28c: {  	v5 =	vshll.u32 v4, $0x3  }
0x28d: {  	v4 =	vand.u32 $0x7, v4;
	v5 =	vand.u32 $0xFFFFFFC0, v5  }
0x28e: {  	v4 =	vor.u32 v4, v5  }
0x28f: {  	v5 =	vperm.xlane v4, v1;
	_ =	sdelay $0x1  }
0x290: {  	v5 =	vadd.s32 v2, v5;
	_ =	sdelay $0x3  }
0x291: {  	s23 =	simm.s32 $0x11000  }
0x292: {  	[tilespmem:s23], [sflag:$0x5] =	stream.indirect_vreg.gather [hbm4b:s4+s17], $0x80, v5, vm0, $0xb8;
	[tilespmem:$0x1D000] =	vst v63  }
0x293: {  	s24 =	simm.s32 $0x11800;
	v4 =	vperm.xlane v4, v3  }
0x294: {  	[tilespmem:s24], [sflag:$0x5] =	stream.indirect_vreg.gather [hbm4b:s9+s17], $0x80, v5, vm0, $0xb8;
	[tilespmem:$0x1D000] =	vst v63  }
0x295: {  	s25 =	simm.s32 $0x12000;
	v4 =	vadd.s32 v2, v4  }
0x296: {  	[tilespmem:s25], [sflag:$0x5] =	stream.indirect_vreg.gather [hbm4b:s10+s17], $0x80, v5, vm0, $0xb8;
	[tilespmem:$0x1D000] =	vst v63  }
0x297: {  	s18 =	simm.s32 $0x12800  }
0x298: {  	[tilespmem:s18], [sflag:$0x5] =	stream.indirect_vreg.gather [hbm4b:s11+s17], $0x80, v5, vm0, $0xb8;
	[tilespmem:$0x1D000] =	vst v63  }
0x299: {  	s21 =	simm.s32 $0x13000  }
0x29a: {  	[tilespmem:s21], [sflag:$0x5] =	stream.indirect_vreg.gather [hbm4b:s4+s17], $0x80, v4, vm0, $0xb8;
	[tilespmem:$0x1D000] =	vst v63  }
0x29b: {  	s22 =	simm.s32 $0x13800  }
0x29c: {  	[tilespmem:s22], [sflag:$0x5] =	stream.indirect_vreg.gather [hbm4b:s9+s17], $0x80, v4, vm0, $0xb8;
	[tilespmem:$0x1D000] =	vst v63  }
0x29d: {  	s23 =	simm.s32 $0x14000  }
0x29e: {  	[tilespmem:s23], [sflag:$0x5] =	stream.indirect_vreg.gather [hbm4b:s10+s17], $0x80, v4, vm0, $0xb8;
	[tilespmem:$0x1D000] =	vst v63  }
0x29f: {  	s24 =	simm.s32 $0x14800  }
0x2a0: {  	[tilespmem:s24], [sflag:$0x5] =	stream.indirect_vreg.gather [hbm4b:s11+s17], $0x80, v4, vm0, $0xb8;
	[tilespmem:$0x1D000] =	vst v63  }
0x2a1: {  	_ =	swait.ge [sflag:s15], $0x4000  }
0x2a2: {  	s8 =	simm.s32 $0x0;
	[sflag:s15] =	ssyncset.done $0x0  }
0x2a3: {  	s18 =	simm.s32 $0x0;
	s25 =	rddreg [dreg:$0x12];
	[sflag:s15] =	ssyncadd.s32 $0xFFFFC000  }
0x2a4: {  	[tilespmem:s29], [sflag:$0x3] =	stream.linear.gather [hbm4b:s25+s17], $0x4000, $0x38;
	[tilespmem:$0x1D000] =	vst v63  }
.LBB2_35:
0x2a5: {  	s21 =	sand.u32 $0x7, s18  }
0x2a6: {  	s21 =	sshll.u32 s21, $0x9  }
0x2a7: {  	s21 =	sshrl.u32 s21, $0x2  }
0x2a8: {  	v4 =	vmov s21;
	_ =	sdelay $0x2  }
0x2a9: {  	s22 =	sand.u32 $0x3FFFE000, s17  }
0x2aa: {  	s24 =	sadd.s32 $0x15040, s22  }
0x2ab: {  	v5 =	vld.idx.msk [tilespmem:v4+s24+$0x30 ss:$0x1], $0xffff  }
0x2ac: {  	v6 =	vld.idx.msk [tilespmem:v4+s24+$0xFFFFFFD0 ss:$0x1], $0xffff  }
0x2ad: {  	v7 =	vld.idx.msk [tilespmem:v4+s24+$0xFFFFFFE0 ss:$0x1], $0xffff  }
0x2ae: {  	v8 =	vld.idx.msk [tilespmem:v4+s24+$0xFFFFFFF0 ss:$0x1], $0xffff  }
0x2af: {  	v9 =	vld.idx.msk [tilespmem:v4+s24+$0x0 ss:$0x1], $0xffff  }
0x2b0: {  	s22 =	sor.u32 $0x1000, s22;
	v10 =	vld.idx.msk [tilespmem:v4+s24+$0x10 ss:$0x1], $0xffff  }
0x2b1: {  	s25 =	sadd.s32 s21, s22;
	v11 =	vld.idx.msk [tilespmem:v4+s24+$0xFFFFFFC0 ss:$0x1], $0xffff  }
0x2b2: {  	[tilespmem:s25+$0x70] =	vst.add.f32.msk $0xffff, v5  }
0x2b3: {  	v5 =	vld.idx.msk [tilespmem:v4+s24+$0x20 ss:$0x1], $0xffff  }
0x2b4: {  	[tilespmem:s25+$0x10] =	vst.add.f32.msk $0xffff, v6  }
0x2b5: {  	[tilespmem:s25+$0x20] =	vst.add.f32.msk $0xffff, v7  }
0x2b6: {  	[tilespmem:s25+$0x30] =	vst.add.f32.msk $0xffff, v8  }
0x2b7: {  	[tilespmem:s25+$0x40] =	vst.add.f32.msk $0xffff, v9  }
0x2b8: {  	[tilespmem:s25+$0x50] =	vst.add.f32.msk $0xffff, v10  }
0x2b9: {  	[tilespmem:s25+$0x0] =	vst.add.f32.msk $0xffff, v11  }
0x2ba: {  	s23 =	simm.s32 $0x0;
	s24 =	sadd.s32 $0x400, s24;
	[tilespmem:s25+$0x60] =	vst.add.f32.msk $0xffff, v5  }
.LBB2_36:
0x2bb: {  	v5 =	vld.idx.msk [tilespmem:v4+s24+$0x30 ss:$0x1], $0xffff;
	s23 =	sadd.s32 $0x8, s23  }
0x2bc: {  	v6 =	vld.idx.msk [tilespmem:v4+s24+$0xFFFFFFD0 ss:$0x1], $0xffff;
	p1 =	slt.u32 s23, $0x38  }
0x2bd: {  	v7 =	vld.idx.msk [tilespmem:v4+s24+$0xFFFFFFE0 ss:$0x1], $0xffff  }
0x2be: {  	v8 =	vld.idx.msk [tilespmem:v4+s24+$0xFFFFFFF0 ss:$0x1], $0xffff  }
0x2bf: {  	s22 =	sadd.s32 $0x400, s22;
	v9 =	vld.idx.msk [tilespmem:v4+s24+$0x0 ss:$0x1], $0xffff  }
0x2c0: {  	s25 =	sadd.s32 s21, s22;
	v10 =	vld.idx.msk [tilespmem:v4+s24+$0x10 ss:$0x1], $0xffff  }
0x2c1: {  	[tilespmem:s25+$0x70] =	vst.add.f32.msk $0xffff, v5  }
0x2c2: {  	v5 =	vld.idx.msk [tilespmem:v4+s24+$0x20 ss:$0x1], $0xffff  }
0x2c3: {  	v11 =	vld.idx.msk [tilespmem:v4+s24+$0xFFFFFFC0 ss:$0x1], $0xffff  }
0x2c4: {  	[tilespmem:s25+$0x10] =	vst.add.f32.msk $0xffff, v6  }
0x2c5: {  	[tilespmem:s25+$0x20] =	vst.add.f32.msk $0xffff, v7  }
.Ltmp19:
0x2c6: {  	[tilespmem:s25+$0x30] =	vst.add.f32.msk $0xffff, v8;
	(pc) =	sbr.rel @p1 .LBB2_36-.Ltmp19, $4  }
0x2c7: {  	[tilespmem:s25+$0x40] =	vst.add.f32.msk $0xffff, v9  }
0x2c8: {  	[tilespmem:s25+$0x50] =	vst.add.f32.msk $0xffff, v10  }
0x2c9: {  	[tilespmem:s25+$0x0] =	vst.add.f32.msk $0xffff, v11  }
0x2ca: {  	s24 =	sadd.s32 $0x400, s24;
	[tilespmem:s25+$0x60] =	vst.add.f32.msk $0xffff, v5  }
0x2cb: {  	s8 =	sadd.s32 $0x1, s8  }
0x2cc: {  	p1 =	sne.s32 s8, $0x10  }
.Ltmp20:
0x2cd: {  	_ = 	snop;
	(pc) =	sbr.rel @p1 .LBB2_35-.Ltmp20, $2  }
0x2ce: {  	_ =	sdelay $0x2  }
0x2cf: {  	s18 =	sadd.s32 $0x1, s18;
	s17 =	sadd.s32 $0x400, s17  }
0x2d0: {  	s17 =	simm.s32 $0x0;
	s8 =	rddreg [dreg:$0x13]  }
0x2d1: {  	[hbm4b:s8+s17] =	stream.linear.scatter [tilespmem:s13], [sflag:$0x8], $0x4000, $0x38;
	[tilespmem:$0x1D000] =	vst v63  }
0x2d2: {  	_ =	swait.ge [sflag:s30], $0x4000  }
0x2d3: {  	[sflag:s30] =	ssyncset.done $0x0  }
0x2d4: {  	[sflag:s30] =	ssyncadd.s32 $0xFFFFC000  }
0x2d5: {  	_ =	swait.ge [sflag:s5], $0x4000  }
0x2d6: {  	[sflag:s5] =	ssyncset.done $0x0  }
0x2d7: {  	[sflag:s5] =	ssyncadd.s32 $0xFFFFC000  }
0x2d8: {  	v4 =	vld [tilespmem:s6+$0x8A0];
	_ =	sdelay $0x4  }
0x2d9: {  	v5 =	vshll.u32 v4, $0x3  }
0x2da: {  	v4 =	vand.u32 $0x7, v4;
	v5 =	vand.u32 $0xFFFFFFC0, v5  }
0x2db: {  	v4 =	vor.u32 v4, v5  }
0x2dc: {  	v5 =	vperm.xlane v4, v1;
	_ =	sdelay $0x1  }
0x2dd: {  	v5 =	vadd.s32 v2, v5;
	_ =	sdelay $0x3  }
0x2de: {  	s23 =	simm.s32 $0x15000  }
0x2df: {  	[tilespmem:s23], [sflag:$0x6] =	stream.indirect_vreg.gather [hbm4b:s4+s17], $0x80, v5, vm0, $0xb8;
	[tilespmem:$0x1D000] =	vst v63  }
0x2e0: {  	s24 =	simm.s32 $0x15800;
	v4 =	vperm.xlane v4, v3  }
0x2e1: {  	[tilespmem:s24], [sflag:$0x6] =	stream.indirect_vreg.gather [hbm4b:s9+s17], $0x80, v5, vm0, $0xb8;
	[tilespmem:$0x1D000] =	vst v63  }
0x2e2: {  	s25 =	simm.s32 $0x16000;
	v4 =	vadd.s32 v2, v4  }
0x2e3: {  	[tilespmem:s25], [sflag:$0x6] =	stream.indirect_vreg.gather [hbm4b:s10+s17], $0x80, v5, vm0, $0xb8;
	[tilespmem:$0x1D000] =	vst v63  }
0x2e4: {  	s18 =	simm.s32 $0x16800  }
0x2e5: {  	[tilespmem:s18], [sflag:$0x6] =	stream.indirect_vreg.gather [hbm4b:s11+s17], $0x80, v5, vm0, $0xb8;
	[tilespmem:$0x1D000] =	vst v63  }
0x2e6: {  	s21 =	simm.s32 $0x17000  }
0x2e7: {  	[tilespmem:s21], [sflag:$0x6] =	stream.indirect_vreg.gather [hbm4b:s4+s17], $0x80, v4, vm0, $0xb8;
	[tilespmem:$0x1D000] =	vst v63  }
0x2e8: {  	s22 =	simm.s32 $0x17800  }
0x2e9: {  	[tilespmem:s22], [sflag:$0x6] =	stream.indirect_vreg.gather [hbm4b:s9+s17], $0x80, v4, vm0, $0xb8;
	[tilespmem:$0x1D000] =	vst v63  }
0x2ea: {  	s23 =	simm.s32 $0x18000  }
0x2eb: {  	[tilespmem:s23], [sflag:$0x6] =	stream.indirect_vreg.gather [hbm4b:s10+s17], $0x80, v4, vm0, $0xb8;
	[tilespmem:$0x1D000] =	vst v63  }
0x2ec: {  	s24 =	simm.s32 $0x18800  }
0x2ed: {  	[tilespmem:s24], [sflag:$0x6] =	stream.indirect_vreg.gather [hbm4b:s11+s17], $0x80, v4, vm0, $0xb8;
	[tilespmem:$0x1D000] =	vst v63  }
0x2ee: {  	_ =	swait.ge [sflag:s0], $0x4000  }
0x2ef: {  	s8 =	simm.s32 $0x0;
	[sflag:s0] =	ssyncset.done $0x0  }
0x2f0: {  	s18 =	simm.s32 $0x0;
	s25 =	rddreg [dreg:$0x16];
	[sflag:s0] =	ssyncadd.s32 $0xFFFFC000  }
0x2f1: {  	[tilespmem:s13], [sflag:$0x1] =	stream.linear.gather [hbm4b:s25+s17], $0x4000, $0x38;
	[tilespmem:$0x1D000] =	vst v63  }
.LBB2_39:
0x2f2: {  	s21 =	sand.u32 $0x7, s18  }
0x2f3: {  	s21 =	sshll.u32 s21, $0x9  }
0x2f4: {  	s21 =	sshrl.u32 s21, $0x2  }
0x2f5: {  	v4 =	vmov s21;
	_ =	sdelay $0x2  }
0x2f6: {  	s22 =	sand.u32 $0x3FFFE000, s17  }
0x2f7: {  	s24 =	sadd.s32 $0x19040, s22  }
0x2f8: {  	v5 =	vld.idx.msk [tilespmem:v4+s24+$0x30 ss:$0x1], $0xffff  }
0x2f9: {  	v6 =	vld.idx.msk [tilespmem:v4+s24+$0xFFFFFFD0 ss:$0x1], $0xffff  }
0x2fa: {  	v7 =	vld.idx.msk [tilespmem:v4+s24+$0xFFFFFFE0 ss:$0x1], $0xffff  }
0x2fb: {  	v8 =	vld.idx.msk [tilespmem:v4+s24+$0xFFFFFFF0 ss:$0x1], $0xffff  }
0x2fc: {  	v9 =	vld.idx.msk [tilespmem:v4+s24+$0x0 ss:$0x1], $0xffff  }
0x2fd: {  	s22 =	sadd.s32 $0x5000, s22;
	v10 =	vld.idx.msk [tilespmem:v4+s24+$0x10 ss:$0x1], $0xffff  }
0x2fe: {  	s25 =	sadd.s32 s21, s22;
	v11 =	vld.idx.msk [tilespmem:v4+s24+$0xFFFFFFC0 ss:$0x1], $0xffff  }
0x2ff: {  	[tilespmem:s25+$0x70] =	vst.add.f32.msk $0xffff, v5  }
0x300: {  	v5 =	vld.idx.msk [tilespmem:v4+s24+$0x20 ss:$0x1], $0xffff  }
0x301: {  	[tilespmem:s25+$0x10] =	vst.add.f32.msk $0xffff, v6  }
0x302: {  	[tilespmem:s25+$0x20] =	vst.add.f32.msk $0xffff, v7  }
0x303: {  	[tilespmem:s25+$0x30] =	vst.add.f32.msk $0xffff, v8  }
0x304: {  	[tilespmem:s25+$0x40] =	vst.add.f32.msk $0xffff, v9  }
0x305: {  	[tilespmem:s25+$0x50] =	vst.add.f32.msk $0xffff, v10  }
0x306: {  	[tilespmem:s25+$0x0] =	vst.add.f32.msk $0xffff, v11  }
0x307: {  	s23 =	simm.s32 $0x0;
	s24 =	sadd.s32 $0x400, s24;
	[tilespmem:s25+$0x60] =	vst.add.f32.msk $0xffff, v5  }
.LBB2_40:
0x308: {  	v5 =	vld.idx.msk [tilespmem:v4+s24+$0x30 ss:$0x1], $0xffff;
	s23 =	sadd.s32 $0x8, s23  }
0x309: {  	v6 =	vld.idx.msk [tilespmem:v4+s24+$0xFFFFFFD0 ss:$0x1], $0xffff;
	p1 =	slt.u32 s23, $0x38  }
0x30a: {  	v7 =	vld.idx.msk [tilespmem:v4+s24+$0xFFFFFFE0 ss:$0x1], $0xffff  }
0x30b: {  	v8 =	vld.idx.msk [tilespmem:v4+s24+$0xFFFFFFF0 ss:$0x1], $0xffff  }
0x30c: {  	s22 =	sadd.s32 $0x400, s22;
	v9 =	vld.idx.msk [tilespmem:v4+s24+$0x0 ss:$0x1], $0xffff  }
0x30d: {  	s25 =	sadd.s32 s21, s22;
	v10 =	vld.idx.msk [tilespmem:v4+s24+$0x10 ss:$0x1], $0xffff  }
0x30e: {  	[tilespmem:s25+$0x70] =	vst.add.f32.msk $0xffff, v5  }
0x30f: {  	v5 =	vld.idx.msk [tilespmem:v4+s24+$0x20 ss:$0x1], $0xffff  }
0x310: {  	v11 =	vld.idx.msk [tilespmem:v4+s24+$0xFFFFFFC0 ss:$0x1], $0xffff  }
0x311: {  	[tilespmem:s25+$0x10] =	vst.add.f32.msk $0xffff, v6  }
0x312: {  	[tilespmem:s25+$0x20] =	vst.add.f32.msk $0xffff, v7  }
.Ltmp21:
0x313: {  	[tilespmem:s25+$0x30] =	vst.add.f32.msk $0xffff, v8;
	(pc) =	sbr.rel @p1 .LBB2_40-.Ltmp21, $4  }
0x314: {  	[tilespmem:s25+$0x40] =	vst.add.f32.msk $0xffff, v9  }
0x315: {  	[tilespmem:s25+$0x50] =	vst.add.f32.msk $0xffff, v10  }
0x316: {  	[tilespmem:s25+$0x0] =	vst.add.f32.msk $0xffff, v11  }
0x317: {  	s24 =	sadd.s32 $0x400, s24;
	[tilespmem:s25+$0x60] =	vst.add.f32.msk $0xffff, v5  }
0x318: {  	s8 =	sadd.s32 $0x1, s8  }
0x319: {  	p1 =	sne.s32 s8, $0x10  }
.Ltmp22:
0x31a: {  	_ = 	snop;
	(pc) =	sbr.rel @p1 .LBB2_39-.Ltmp22, $2  }
0x31b: {  	_ =	sdelay $0x2  }
0x31c: {  	s18 =	sadd.s32 $0x1, s18;
	s17 =	sadd.s32 $0x400, s17  }
0x31d: {  	s17 =	simm.s32 $0x0;
	s8 =	rddreg [dreg:$0x14]  }
0x31e: {  	[hbm4b:s8+s17] =	stream.linear.scatter [tilespmem:s14], [sflag:$0x9], $0x4000, $0x38;
	[tilespmem:$0x1D000] =	vst v63  }
0x31f: {  	_ =	swait.ge [sflag:s1], $0x4000  }
0x320: {  	[sflag:s1] =	ssyncset.done $0x0  }
0x321: {  	[sflag:s1] =	ssyncadd.s32 $0xFFFFC000  }
0x322: {  	_ =	swait.ge [sflag:s20], $0x4000  }
0x323: {  	[sflag:s20] =	ssyncset.done $0x0  }
0x324: {  	[sflag:s20] =	ssyncadd.s32 $0xFFFFC000  }
0x325: {  	v4 =	vld [tilespmem:s6+$0x8B0];
	_ =	sdelay $0x4  }
0x326: {  	v5 =	vshll.u32 v4, $0x3  }
0x327: {  	v4 =	vand.u32 $0x7, v4;
	v5 =	vand.u32 $0xFFFFFFC0, v5  }
0x328: {  	v4 =	vor.u32 v4, v5  }
0x329: {  	v5 =	vperm.xlane v4, v1;
	_ =	sdelay $0x1  }
0x32a: {  	v5 =	vadd.s32 v2, v5;
	_ =	sdelay $0x3  }
0x32b: {  	s25 =	simm.s32 $0x19000  }
0x32c: {  	[tilespmem:s25], [sflag:$0x7] =	stream.indirect_vreg.gather [hbm4b:s4+s17], $0x80, v5, vm0, $0xb8;
	[tilespmem:$0x1D000] =	vst v63  }
0x32d: {  	s18 =	simm.s32 $0x19800;
	v4 =	vperm.xlane v4, v3  }
0x32e: {  	[tilespmem:s18], [sflag:$0x7] =	stream.indirect_vreg.gather [hbm4b:s9+s17], $0x80, v5, vm0, $0xb8;
	[tilespmem:$0x1D000] =	vst v63  }
0x32f: {  	s21 =	simm.s32 $0x1A000;
	v4 =	vadd.s32 v2, v4  }
0x330: {  	[tilespmem:s21], [sflag:$0x7] =	stream.indirect_vreg.gather [hbm4b:s10+s17], $0x80, v5, vm0, $0xb8;
	[tilespmem:$0x1D000] =	vst v63  }
0x331: {  	s22 =	simm.s32 $0x1A800  }
0x332: {  	[tilespmem:s22], [sflag:$0x7] =	stream.indirect_vreg.gather [hbm4b:s11+s17], $0x80, v5, vm0, $0xb8;
	[tilespmem:$0x1D000] =	vst v63  }
0x333: {  	s23 =	simm.s32 $0x1B000  }
0x334: {  	[tilespmem:s23], [sflag:$0x7] =	stream.indirect_vreg.gather [hbm4b:s4+s17], $0x80, v4, vm0, $0xb8;
	[tilespmem:$0x1D000] =	vst v63  }
0x335: {  	s24 =	simm.s32 $0x1B800  }
0x336: {  	[tilespmem:s24], [sflag:$0x7] =	stream.indirect_vreg.gather [hbm4b:s9+s17], $0x80, v4, vm0, $0xb8;
	[tilespmem:$0x1D000] =	vst v63  }
0x337: {  	_ = 	snop  }
0x338: {  	[tilespmem:s26], [sflag:$0x7] =	stream.indirect_vreg.gather [hbm4b:s10+s17], $0x80, v4, vm0, $0xb8;
	[tilespmem:$0x1D000] =	vst v63  }
0x339: {  	_ = 	snop  }
0x33a: {  	[tilespmem:s28], [sflag:$0x7] =	stream.indirect_vreg.gather [hbm4b:s11+s17], $0x80, v4, vm0, $0xb8;
	[tilespmem:$0x1D000] =	vst v63  }
0x33b: {  	_ =	swait.ge [sflag:s7], $0x4000  }
0x33c: {  	s8 =	simm.s32 $0x0;
	[sflag:s7] =	ssyncset.done $0x0  }
0x33d: {  	s18 =	simm.s32 $0x0;
	s25 =	rddreg [dreg:$0x18];
	[sflag:s7] =	ssyncadd.s32 $0xFFFFC000  }
0x33e: {  	[tilespmem:s14], [sflag:$0x2] =	stream.linear.gather [hbm4b:s25+s17], $0x4000, $0x38;
	[tilespmem:$0x1D000] =	vst v63  }
.LBB2_43:
0x33f: {  	s21 =	sand.u32 $0x7, s18  }
0x340: {  	s21 =	sshll.u32 s21, $0x9  }
0x341: {  	s21 =	sshrl.u32 s21, $0x2  }
0x342: {  	v4 =	vmov s21;
	_ =	sdelay $0x2  }
0x343: {  	s22 =	sand.u32 $0x3FFFE000, s17  }
0x344: {  	s24 =	sadd.s32 $0xD040, s22  }
0x345: {  	v5 =	vld.idx.msk [tilespmem:v4+s24+$0x30 ss:$0x1], $0xffff  }
0x346: {  	v6 =	vld.idx.msk [tilespmem:v4+s24+$0xFFFFFFD0 ss:$0x1], $0xffff  }
0x347: {  	v7 =	vld.idx.msk [tilespmem:v4+s24+$0xFFFFFFE0 ss:$0x1], $0xffff  }
0x348: {  	v8 =	vld.idx.msk [tilespmem:v4+s24+$0xFFFFFFF0 ss:$0x1], $0xffff  }
0x349: {  	v9 =	vld.idx.msk [tilespmem:v4+s24+$0x0 ss:$0x1], $0xffff  }
0x34a: {  	s22 =	sadd.s32 $0x9000, s22;
	v10 =	vld.idx.msk [tilespmem:v4+s24+$0x10 ss:$0x1], $0xffff  }
0x34b: {  	s25 =	sadd.s32 s21, s22;
	v11 =	vld.idx.msk [tilespmem:v4+s24+$0xFFFFFFC0 ss:$0x1], $0xffff  }
0x34c: {  	[tilespmem:s25+$0x70] =	vst.add.f32.msk $0xffff, v5  }
0x34d: {  	v5 =	vld.idx.msk [tilespmem:v4+s24+$0x20 ss:$0x1], $0xffff  }
0x34e: {  	[tilespmem:s25+$0x10] =	vst.add.f32.msk $0xffff, v6  }
0x34f: {  	[tilespmem:s25+$0x20] =	vst.add.f32.msk $0xffff, v7  }
0x350: {  	[tilespmem:s25+$0x30] =	vst.add.f32.msk $0xffff, v8  }
0x351: {  	[tilespmem:s25+$0x40] =	vst.add.f32.msk $0xffff, v9  }
0x352: {  	[tilespmem:s25+$0x50] =	vst.add.f32.msk $0xffff, v10  }
0x353: {  	[tilespmem:s25+$0x0] =	vst.add.f32.msk $0xffff, v11  }
0x354: {  	s23 =	simm.s32 $0x0;
	s24 =	sadd.s32 $0x400, s24;
	[tilespmem:s25+$0x60] =	vst.add.f32.msk $0xffff, v5  }
.LBB2_44:
0x355: {  	v5 =	vld.idx.msk [tilespmem:v4+s24+$0x30 ss:$0x1], $0xffff;
	s23 =	sadd.s32 $0x8, s23  }
0x356: {  	v6 =	vld.idx.msk [tilespmem:v4+s24+$0xFFFFFFD0 ss:$0x1], $0xffff;
	p1 =	slt.u32 s23, $0x38  }
0x357: {  	v7 =	vld.idx.msk [tilespmem:v4+s24+$0xFFFFFFE0 ss:$0x1], $0xffff  }
0x358: {  	v8 =	vld.idx.msk [tilespmem:v4+s24+$0xFFFFFFF0 ss:$0x1], $0xffff  }
0x359: {  	s22 =	sadd.s32 $0x400, s22;
	v9 =	vld.idx.msk [tilespmem:v4+s24+$0x0 ss:$0x1], $0xffff  }
0x35a: {  	s25 =	sadd.s32 s21, s22;
	v10 =	vld.idx.msk [tilespmem:v4+s24+$0x10 ss:$0x1], $0xffff  }
0x35b: {  	[tilespmem:s25+$0x70] =	vst.add.f32.msk $0xffff, v5  }
0x35c: {  	v5 =	vld.idx.msk [tilespmem:v4+s24+$0x20 ss:$0x1], $0xffff  }
0x35d: {  	v11 =	vld.idx.msk [tilespmem:v4+s24+$0xFFFFFFC0 ss:$0x1], $0xffff  }
0x35e: {  	[tilespmem:s25+$0x10] =	vst.add.f32.msk $0xffff, v6  }
0x35f: {  	[tilespmem:s25+$0x20] =	vst.add.f32.msk $0xffff, v7  }
.Ltmp23:
0x360: {  	[tilespmem:s25+$0x30] =	vst.add.f32.msk $0xffff, v8;
	(pc) =	sbr.rel @p1 .LBB2_44-.Ltmp23, $4  }
0x361: {  	[tilespmem:s25+$0x40] =	vst.add.f32.msk $0xffff, v9  }
0x362: {  	[tilespmem:s25+$0x50] =	vst.add.f32.msk $0xffff, v10  }
0x363: {  	[tilespmem:s25+$0x0] =	vst.add.f32.msk $0xffff, v11  }
0x364: {  	s24 =	sadd.s32 $0x400, s24;
	[tilespmem:s25+$0x60] =	vst.add.f32.msk $0xffff, v5  }
0x365: {  	s8 =	sadd.s32 $0x1, s8  }
0x366: {  	p1 =	sne.s32 s8, $0x10  }
.Ltmp24:
0x367: {  	_ = 	snop;
	(pc) =	sbr.rel @p1 .LBB2_43-.Ltmp24, $2  }
0x368: {  	_ =	sdelay $0x2  }
0x369: {  	s18 =	sadd.s32 $0x1, s18;
	s17 =	sadd.s32 $0x400, s17  }
0x36a: {  	s17 =	simm.s32 $0x0;
	s8 =	rddreg [dreg:$0x15]  }
0x36b: {  	[hbm4b:s8+s17] =	stream.linear.scatter [tilespmem:s29], [sflag:$0xA], $0x4000, $0x38;
	[tilespmem:$0x1D000] =	vst v63  }
0x36c: {  	_ =	swait.ge [sflag:s19], $0x4000  }
0x36d: {  	[sflag:s19] =	ssyncset.done $0x0  }
0x36e: {  	[sflag:s19] =	ssyncadd.s32 $0xFFFFC000  }
0x36f: {  	_ =	swait.ge [sflag:s31], $0x4000  }
0x370: {  	[sflag:s31] =	ssyncset.done $0x0  }
0x371: {  	[sflag:s31] =	ssyncadd.s32 $0xFFFFC000  }
0x372: {  	v4 =	vld [tilespmem:s6+$0x8C0];
	_ =	sdelay $0x4  }
0x373: {  	v5 =	vshll.u32 v4, $0x3  }
0x374: {  	v4 =	vand.u32 $0x7, v4;
	v5 =	vand.u32 $0xFFFFFFC0, v5  }
0x375: {  	v4 =	vor.u32 v4, v5  }
0x376: {  	v5 =	vperm.xlane v4, v1;
	_ =	sdelay $0x1  }
0x377: {  	v5 =	vadd.s32 v2, v5;
	_ =	sdelay $0x3  }
0x378: {  	s23 =	simm.s32 $0xD000  }
0x379: {  	[tilespmem:s23], [sflag:$0x4] =	stream.indirect_vreg.gather [hbm4b:s4+s17], $0x80, v5, vm0, $0xb8;
	[tilespmem:$0x1D000] =	vst v63  }
0x37a: {  	s24 =	simm.s32 $0xD800;
	v4 =	vperm.xlane v4, v3  }
0x37b: {  	[tilespmem:s24], [sflag:$0x4] =	stream.indirect_vreg.gather [hbm4b:s9+s17], $0x80, v5, vm0, $0xb8;
	[tilespmem:$0x1D000] =	vst v63  }
0x37c: {  	s25 =	simm.s32 $0xE000;
	v4 =	vadd.s32 v2, v4  }
0x37d: {  	[tilespmem:s25], [sflag:$0x4] =	stream.indirect_vreg.gather [hbm4b:s10+s17], $0x80, v5, vm0, $0xb8;
	[tilespmem:$0x1D000] =	vst v63  }
0x37e: {  	s18 =	simm.s32 $0xE800  }
0x37f: {  	[tilespmem:s18], [sflag:$0x4] =	stream.indirect_vreg.gather [hbm4b:s11+s17], $0x80, v5, vm0, $0xb8;
	[tilespmem:$0x1D000] =	vst v63  }
0x380: {  	s21 =	simm.s32 $0xF000  }
0x381: {  	[tilespmem:s21], [sflag:$0x4] =	stream.indirect_vreg.gather [hbm4b:s4+s17], $0x80, v4, vm0, $0xb8;
	[tilespmem:$0x1D000] =	vst v63  }
0x382: {  	s22 =	simm.s32 $0xF800  }
0x383: {  	[tilespmem:s22], [sflag:$0x4] =	stream.indirect_vreg.gather [hbm4b:s9+s17], $0x80, v4, vm0, $0xb8;
	[tilespmem:$0x1D000] =	vst v63  }
0x384: {  	s23 =	simm.s32 $0x10000  }
0x385: {  	[tilespmem:s23], [sflag:$0x4] =	stream.indirect_vreg.gather [hbm4b:s10+s17], $0x80, v4, vm0, $0xb8;
	[tilespmem:$0x1D000] =	vst v63  }
0x386: {  	s24 =	simm.s32 $0x10800  }
0x387: {  	[tilespmem:s24], [sflag:$0x4] =	stream.indirect_vreg.gather [hbm4b:s11+s17], $0x80, v4, vm0, $0xb8;
	[tilespmem:$0x1D000] =	vst v63  }
0x388: {  	_ =	swait.ge [sflag:s15], $0x4000  }
0x389: {  	s8 =	simm.s32 $0x0;
	[sflag:s15] =	ssyncset.done $0x0  }
0x38a: {  	s18 =	simm.s32 $0x0;
	s25 =	rddreg [dreg:$0x1a];
	[sflag:s15] =	ssyncadd.s32 $0xFFFFC000  }
0x38b: {  	[tilespmem:s29], [sflag:$0x3] =	stream.linear.gather [hbm4b:s25+s17], $0x4000, $0x38;
	[tilespmem:$0x1D000] =	vst v63  }
.LBB2_47:
0x38c: {  	s21 =	sand.u32 $0x7, s18  }
0x38d: {  	s21 =	sshll.u32 s21, $0x9  }
0x38e: {  	s21 =	sshrl.u32 s21, $0x2  }
0x38f: {  	v4 =	vmov s21;
	_ =	sdelay $0x2  }
0x390: {  	s22 =	sand.u32 $0x3FFFE000, s17  }
0x391: {  	s24 =	sadd.s32 $0x11040, s22  }
0x392: {  	v5 =	vld.idx.msk [tilespmem:v4+s24+$0x30 ss:$0x1], $0xffff  }
0x393: {  	v6 =	vld.idx.msk [tilespmem:v4+s24+$0xFFFFFFD0 ss:$0x1], $0xffff  }
0x394: {  	v7 =	vld.idx.msk [tilespmem:v4+s24+$0xFFFFFFE0 ss:$0x1], $0xffff  }
0x395: {  	v8 =	vld.idx.msk [tilespmem:v4+s24+$0xFFFFFFF0 ss:$0x1], $0xffff  }
0x396: {  	v9 =	vld.idx.msk [tilespmem:v4+s24+$0x0 ss:$0x1], $0xffff  }
0x397: {  	s22 =	sor.u32 $0x1000, s22;
	v10 =	vld.idx.msk [tilespmem:v4+s24+$0x10 ss:$0x1], $0xffff  }
0x398: {  	s25 =	sadd.s32 s21, s22;
	v11 =	vld.idx.msk [tilespmem:v4+s24+$0xFFFFFFC0 ss:$0x1], $0xffff  }
0x399: {  	[tilespmem:s25+$0x70] =	vst.add.f32.msk $0xffff, v5  }
0x39a: {  	v5 =	vld.idx.msk [tilespmem:v4+s24+$0x20 ss:$0x1], $0xffff  }
0x39b: {  	[tilespmem:s25+$0x10] =	vst.add.f32.msk $0xffff, v6  }
0x39c: {  	[tilespmem:s25+$0x20] =	vst.add.f32.msk $0xffff, v7  }
0x39d: {  	[tilespmem:s25+$0x30] =	vst.add.f32.msk $0xffff, v8  }
0x39e: {  	[tilespmem:s25+$0x40] =	vst.add.f32.msk $0xffff, v9  }
0x39f: {  	[tilespmem:s25+$0x50] =	vst.add.f32.msk $0xffff, v10  }
0x3a0: {  	[tilespmem:s25+$0x0] =	vst.add.f32.msk $0xffff, v11  }
0x3a1: {  	s23 =	simm.s32 $0x0;
	s24 =	sadd.s32 $0x400, s24;
	[tilespmem:s25+$0x60] =	vst.add.f32.msk $0xffff, v5  }
.LBB2_48:
0x3a2: {  	v5 =	vld.idx.msk [tilespmem:v4+s24+$0x30 ss:$0x1], $0xffff;
	s23 =	sadd.s32 $0x8, s23  }
0x3a3: {  	v6 =	vld.idx.msk [tilespmem:v4+s24+$0xFFFFFFD0 ss:$0x1], $0xffff;
	p1 =	slt.u32 s23, $0x38  }
0x3a4: {  	v7 =	vld.idx.msk [tilespmem:v4+s24+$0xFFFFFFE0 ss:$0x1], $0xffff  }
0x3a5: {  	v8 =	vld.idx.msk [tilespmem:v4+s24+$0xFFFFFFF0 ss:$0x1], $0xffff  }
0x3a6: {  	s22 =	sadd.s32 $0x400, s22;
	v9 =	vld.idx.msk [tilespmem:v4+s24+$0x0 ss:$0x1], $0xffff  }
0x3a7: {  	s25 =	sadd.s32 s21, s22;
	v10 =	vld.idx.msk [tilespmem:v4+s24+$0x10 ss:$0x1], $0xffff  }
0x3a8: {  	[tilespmem:s25+$0x70] =	vst.add.f32.msk $0xffff, v5  }
0x3a9: {  	v5 =	vld.idx.msk [tilespmem:v4+s24+$0x20 ss:$0x1], $0xffff  }
0x3aa: {  	v11 =	vld.idx.msk [tilespmem:v4+s24+$0xFFFFFFC0 ss:$0x1], $0xffff  }
0x3ab: {  	[tilespmem:s25+$0x10] =	vst.add.f32.msk $0xffff, v6  }
0x3ac: {  	[tilespmem:s25+$0x20] =	vst.add.f32.msk $0xffff, v7  }
.Ltmp25:
0x3ad: {  	[tilespmem:s25+$0x30] =	vst.add.f32.msk $0xffff, v8;
	(pc) =	sbr.rel @p1 .LBB2_48-.Ltmp25, $4  }
0x3ae: {  	[tilespmem:s25+$0x40] =	vst.add.f32.msk $0xffff, v9  }
0x3af: {  	[tilespmem:s25+$0x50] =	vst.add.f32.msk $0xffff, v10  }
0x3b0: {  	[tilespmem:s25+$0x0] =	vst.add.f32.msk $0xffff, v11  }
0x3b1: {  	s24 =	sadd.s32 $0x400, s24;
	[tilespmem:s25+$0x60] =	vst.add.f32.msk $0xffff, v5  }
0x3b2: {  	s8 =	sadd.s32 $0x1, s8  }
0x3b3: {  	p1 =	sne.s32 s8, $0x10  }
.Ltmp26:
0x3b4: {  	_ = 	snop;
	(pc) =	sbr.rel @p1 .LBB2_47-.Ltmp26, $2  }
0x3b5: {  	_ =	sdelay $0x2  }
0x3b6: {  	s18 =	sadd.s32 $0x1, s18;
	s17 =	sadd.s32 $0x400, s17  }
0x3b7: {  	s17 =	simm.s32 $0x0;
	s8 =	rddreg [dreg:$0x17]  }
0x3b8: {  	[hbm4b:s8+s17] =	stream.linear.scatter [tilespmem:s13], [sflag:$0x8], $0x4000, $0x38;
	[tilespmem:$0x1D000] =	vst v63  }
0x3b9: {  	_ =	swait.ge [sflag:s30], $0x4000  }
0x3ba: {  	[sflag:s30] =	ssyncset.done $0x0  }
0x3bb: {  	[sflag:s30] =	ssyncadd.s32 $0xFFFFC000  }
0x3bc: {  	_ =	swait.ge [sflag:s3], $0x4000  }
0x3bd: {  	[sflag:s3] =	ssyncset.done $0x0  }
0x3be: {  	[sflag:s3] =	ssyncadd.s32 $0xFFFFC000  }
0x3bf: {  	v4 =	vld [tilespmem:s6+$0x8D0];
	_ =	sdelay $0x4  }
0x3c0: {  	v5 =	vshll.u32 v4, $0x3  }
0x3c1: {  	v4 =	vand.u32 $0x7, v4;
	v5 =	vand.u32 $0xFFFFFFC0, v5  }
0x3c2: {  	v4 =	vor.u32 v4, v5  }
0x3c3: {  	v5 =	vperm.xlane v4, v1;
	_ =	sdelay $0x1  }
0x3c4: {  	v5 =	vadd.s32 v2, v5;
	_ =	sdelay $0x3  }
0x3c5: {  	s23 =	simm.s32 $0x11000  }
0x3c6: {  	[tilespmem:s23], [sflag:$0x5] =	stream.indirect_vreg.gather [hbm4b:s4+s17], $0x80, v5, vm0, $0xb8;
	[tilespmem:$0x1D000] =	vst v63  }
0x3c7: {  	s24 =	simm.s32 $0x11800;
	v4 =	vperm.xlane v4, v3  }
0x3c8: {  	[tilespmem:s24], [sflag:$0x5] =	stream.indirect_vreg.gather [hbm4b:s9+s17], $0x80, v5, vm0, $0xb8;
	[tilespmem:$0x1D000] =	vst v63  }
0x3c9: {  	s25 =	simm.s32 $0x12000;
	v4 =	vadd.s32 v2, v4  }
0x3ca: {  	[tilespmem:s25], [sflag:$0x5] =	stream.indirect_vreg.gather [hbm4b:s10+s17], $0x80, v5, vm0, $0xb8;
	[tilespmem:$0x1D000] =	vst v63  }
0x3cb: {  	s18 =	simm.s32 $0x12800  }
0x3cc: {  	[tilespmem:s18], [sflag:$0x5] =	stream.indirect_vreg.gather [hbm4b:s11+s17], $0x80, v5, vm0, $0xb8;
	[tilespmem:$0x1D000] =	vst v63  }
0x3cd: {  	s21 =	simm.s32 $0x13000  }
0x3ce: {  	[tilespmem:s21], [sflag:$0x5] =	stream.indirect_vreg.gather [hbm4b:s4+s17], $0x80, v4, vm0, $0xb8;
	[tilespmem:$0x1D000] =	vst v63  }
0x3cf: {  	s22 =	simm.s32 $0x13800  }
0x3d0: {  	[tilespmem:s22], [sflag:$0x5] =	stream.indirect_vreg.gather [hbm4b:s9+s17], $0x80, v4, vm0, $0xb8;
	[tilespmem:$0x1D000] =	vst v63  }
0x3d1: {  	s23 =	simm.s32 $0x14000  }
0x3d2: {  	[tilespmem:s23], [sflag:$0x5] =	stream.indirect_vreg.gather [hbm4b:s10+s17], $0x80, v4, vm0, $0xb8;
	[tilespmem:$0x1D000] =	vst v63  }
0x3d3: {  	s24 =	simm.s32 $0x14800  }
0x3d4: {  	[tilespmem:s24], [sflag:$0x5] =	stream.indirect_vreg.gather [hbm4b:s11+s17], $0x80, v4, vm0, $0xb8;
	[tilespmem:$0x1D000] =	vst v63  }
0x3d5: {  	_ =	swait.ge [sflag:s0], $0x4000  }
0x3d6: {  	s8 =	simm.s32 $0x0;
	[sflag:s0] =	ssyncset.done $0x0  }
0x3d7: {  	s18 =	simm.s32 $0x0;
	s25 =	rddreg [dreg:$0x1c];
	[sflag:s0] =	ssyncadd.s32 $0xFFFFC000  }
0x3d8: {  	[tilespmem:s13], [sflag:$0x1] =	stream.linear.gather [hbm4b:s25+s17], $0x4000, $0x38;
	[tilespmem:$0x1D000] =	vst v63  }
.LBB2_51:
0x3d9: {  	s21 =	sand.u32 $0x7, s18  }
0x3da: {  	s21 =	sshll.u32 s21, $0x9  }
0x3db: {  	s21 =	sshrl.u32 s21, $0x2  }
0x3dc: {  	v4 =	vmov s21;
	_ =	sdelay $0x2  }
0x3dd: {  	s22 =	sand.u32 $0x3FFFE000, s17  }
0x3de: {  	s24 =	sadd.s32 $0x15040, s22  }
0x3df: {  	v5 =	vld.idx.msk [tilespmem:v4+s24+$0x30 ss:$0x1], $0xffff  }
0x3e0: {  	v6 =	vld.idx.msk [tilespmem:v4+s24+$0xFFFFFFD0 ss:$0x1], $0xffff  }
0x3e1: {  	v7 =	vld.idx.msk [tilespmem:v4+s24+$0xFFFFFFE0 ss:$0x1], $0xffff  }
0x3e2: {  	v8 =	vld.idx.msk [tilespmem:v4+s24+$0xFFFFFFF0 ss:$0x1], $0xffff  }
0x3e3: {  	v9 =	vld.idx.msk [tilespmem:v4+s24+$0x0 ss:$0x1], $0xffff  }
0x3e4: {  	s22 =	sadd.s32 $0x5000, s22;
	v10 =	vld.idx.msk [tilespmem:v4+s24+$0x10 ss:$0x1], $0xffff  }
0x3e5: {  	s25 =	sadd.s32 s21, s22;
	v11 =	vld.idx.msk [tilespmem:v4+s24+$0xFFFFFFC0 ss:$0x1], $0xffff  }
0x3e6: {  	[tilespmem:s25+$0x70] =	vst.add.f32.msk $0xffff, v5  }
0x3e7: {  	v5 =	vld.idx.msk [tilespmem:v4+s24+$0x20 ss:$0x1], $0xffff  }
0x3e8: {  	[tilespmem:s25+$0x10] =	vst.add.f32.msk $0xffff, v6  }
0x3e9: {  	[tilespmem:s25+$0x20] =	vst.add.f32.msk $0xffff, v7  }
0x3ea: {  	[tilespmem:s25+$0x30] =	vst.add.f32.msk $0xffff, v8  }
0x3eb: {  	[tilespmem:s25+$0x40] =	vst.add.f32.msk $0xffff, v9  }
0x3ec: {  	[tilespmem:s25+$0x50] =	vst.add.f32.msk $0xffff, v10  }
0x3ed: {  	[tilespmem:s25+$0x0] =	vst.add.f32.msk $0xffff, v11  }
0x3ee: {  	s23 =	simm.s32 $0x0;
	s24 =	sadd.s32 $0x400, s24;
	[tilespmem:s25+$0x60] =	vst.add.f32.msk $0xffff, v5  }
.LBB2_52:
0x3ef: {  	v5 =	vld.idx.msk [tilespmem:v4+s24+$0x30 ss:$0x1], $0xffff;
	s23 =	sadd.s32 $0x8, s23  }
0x3f0: {  	v6 =	vld.idx.msk [tilespmem:v4+s24+$0xFFFFFFD0 ss:$0x1], $0xffff;
	p1 =	slt.u32 s23, $0x38  }
0x3f1: {  	v7 =	vld.idx.msk [tilespmem:v4+s24+$0xFFFFFFE0 ss:$0x1], $0xffff  }
0x3f2: {  	v8 =	vld.idx.msk [tilespmem:v4+s24+$0xFFFFFFF0 ss:$0x1], $0xffff  }
0x3f3: {  	s22 =	sadd.s32 $0x400, s22;
	v9 =	vld.idx.msk [tilespmem:v4+s24+$0x0 ss:$0x1], $0xffff  }
0x3f4: {  	s25 =	sadd.s32 s21, s22;
	v10 =	vld.idx.msk [tilespmem:v4+s24+$0x10 ss:$0x1], $0xffff  }
0x3f5: {  	[tilespmem:s25+$0x70] =	vst.add.f32.msk $0xffff, v5  }
0x3f6: {  	v5 =	vld.idx.msk [tilespmem:v4+s24+$0x20 ss:$0x1], $0xffff  }
0x3f7: {  	v11 =	vld.idx.msk [tilespmem:v4+s24+$0xFFFFFFC0 ss:$0x1], $0xffff  }
0x3f8: {  	[tilespmem:s25+$0x10] =	vst.add.f32.msk $0xffff, v6  }
0x3f9: {  	[tilespmem:s25+$0x20] =	vst.add.f32.msk $0xffff, v7  }
.Ltmp27:
0x3fa: {  	[tilespmem:s25+$0x30] =	vst.add.f32.msk $0xffff, v8;
	(pc) =	sbr.rel @p1 .LBB2_52-.Ltmp27, $4  }
0x3fb: {  	[tilespmem:s25+$0x40] =	vst.add.f32.msk $0xffff, v9  }
0x3fc: {  	[tilespmem:s25+$0x50] =	vst.add.f32.msk $0xffff, v10  }
0x3fd: {  	[tilespmem:s25+$0x0] =	vst.add.f32.msk $0xffff, v11  }
0x3fe: {  	s24 =	sadd.s32 $0x400, s24;
	[tilespmem:s25+$0x60] =	vst.add.f32.msk $0xffff, v5  }
0x3ff: {  	s8 =	sadd.s32 $0x1, s8  }
0x400: {  	p1 =	sne.s32 s8, $0x10  }
.Ltmp28:
0x401: {  	_ = 	snop;
	(pc) =	sbr.rel @p1 .LBB2_51-.Ltmp28, $2  }
0x402: {  	_ =	sdelay $0x2  }
0x403: {  	s18 =	sadd.s32 $0x1, s18;
	s17 =	sadd.s32 $0x400, s17  }
0x404: {  	s17 =	simm.s32 $0x0;
	s8 =	rddreg [dreg:$0x19]  }
0x405: {  	[hbm4b:s8+s17] =	stream.linear.scatter [tilespmem:s14], [sflag:$0x9], $0x4000, $0x38;
	[tilespmem:$0x1D000] =	vst v63  }
0x406: {  	_ =	swait.ge [sflag:s1], $0x4000  }
0x407: {  	[sflag:s1] =	ssyncset.done $0x0  }
0x408: {  	[sflag:s1] =	ssyncadd.s32 $0xFFFFC000  }
0x409: {  	_ =	swait.ge [sflag:s5], $0x4000  }
0x40a: {  	[sflag:s5] =	ssyncset.done $0x0  }
0x40b: {  	[sflag:s5] =	ssyncadd.s32 $0xFFFFC000  }
0x40c: {  	v4 =	vld [tilespmem:s6+$0x8E0];
	_ =	sdelay $0x4  }
0x40d: {  	v5 =	vshll.u32 v4, $0x3  }
0x40e: {  	v4 =	vand.u32 $0x7, v4;
	v5 =	vand.u32 $0xFFFFFFC0, v5  }
0x40f: {  	v4 =	vor.u32 v4, v5  }
0x410: {  	v5 =	vperm.xlane v4, v1;
	_ =	sdelay $0x1  }
0x411: {  	v5 =	vadd.s32 v2, v5;
	_ =	sdelay $0x3  }
0x412: {  	s23 =	simm.s32 $0x15000  }
0x413: {  	[tilespmem:s23], [sflag:$0x6] =	stream.indirect_vreg.gather [hbm4b:s4+s17], $0x80, v5, vm0, $0xb8;
	[tilespmem:$0x1D000] =	vst v63  }
0x414: {  	s24 =	simm.s32 $0x15800;
	v4 =	vperm.xlane v4, v3  }
0x415: {  	[tilespmem:s24], [sflag:$0x6] =	stream.indirect_vreg.gather [hbm4b:s9+s17], $0x80, v5, vm0, $0xb8;
	[tilespmem:$0x1D000] =	vst v63  }
0x416: {  	s25 =	simm.s32 $0x16000;
	v4 =	vadd.s32 v2, v4  }
0x417: {  	[tilespmem:s25], [sflag:$0x6] =	stream.indirect_vreg.gather [hbm4b:s10+s17], $0x80, v5, vm0, $0xb8;
	[tilespmem:$0x1D000] =	vst v63  }
0x418: {  	s18 =	simm.s32 $0x16800  }
0x419: {  	[tilespmem:s18], [sflag:$0x6] =	stream.indirect_vreg.gather [hbm4b:s11+s17], $0x80, v5, vm0, $0xb8;
	[tilespmem:$0x1D000] =	vst v63  }
0x41a: {  	s21 =	simm.s32 $0x17000  }
0x41b: {  	[tilespmem:s21], [sflag:$0x6] =	stream.indirect_vreg.gather [hbm4b:s4+s17], $0x80, v4, vm0, $0xb8;
	[tilespmem:$0x1D000] =	vst v63  }
0x41c: {  	s22 =	simm.s32 $0x17800  }
0x41d: {  	[tilespmem:s22], [sflag:$0x6] =	stream.indirect_vreg.gather [hbm4b:s9+s17], $0x80, v4, vm0, $0xb8;
	[tilespmem:$0x1D000] =	vst v63  }
0x41e: {  	s23 =	simm.s32 $0x18000  }
0x41f: {  	[tilespmem:s23], [sflag:$0x6] =	stream.indirect_vreg.gather [hbm4b:s10+s17], $0x80, v4, vm0, $0xb8;
	[tilespmem:$0x1D000] =	vst v63  }
0x420: {  	s24 =	simm.s32 $0x18800  }
0x421: {  	[tilespmem:s24], [sflag:$0x6] =	stream.indirect_vreg.gather [hbm4b:s11+s17], $0x80, v4, vm0, $0xb8;
	[tilespmem:$0x1D000] =	vst v63  }
0x422: {  	_ =	swait.ge [sflag:s7], $0x4000  }
0x423: {  	s25 =	sld [smem:$0x7F5]  }
0x424: {  	[sflag:s7] =	ssyncset.done $0x0  }
0x425: {  	s8 =	simm.s32 $0x0;
	s18 =	simm.s32 $0x0;
	[sflag:s7] =	ssyncadd.s32 $0xFFFFC000  }
0x426: {  	[tilespmem:s14], [sflag:$0x2] =	stream.linear.gather [hbm4b:s25+s17], $0x4000, $0x38;
	[tilespmem:$0x1D000] =	vst v63  }
.LBB2_55:
0x427: {  	s21 =	sand.u32 $0x7, s18  }
0x428: {  	s21 =	sshll.u32 s21, $0x9  }
0x429: {  	s21 =	sshrl.u32 s21, $0x2  }
0x42a: {  	v4 =	vmov s21;
	_ =	sdelay $0x2  }
0x42b: {  	s22 =	sand.u32 $0x3FFFE000, s17  }
0x42c: {  	s24 =	sadd.s32 $0x19040, s22  }
0x42d: {  	v5 =	vld.idx.msk [tilespmem:v4+s24+$0x30 ss:$0x1], $0xffff  }
0x42e: {  	v6 =	vld.idx.msk [tilespmem:v4+s24+$0xFFFFFFD0 ss:$0x1], $0xffff  }
0x42f: {  	v7 =	vld.idx.msk [tilespmem:v4+s24+$0xFFFFFFE0 ss:$0x1], $0xffff  }
0x430: {  	v8 =	vld.idx.msk [tilespmem:v4+s24+$0xFFFFFFF0 ss:$0x1], $0xffff  }
0x431: {  	v9 =	vld.idx.msk [tilespmem:v4+s24+$0x0 ss:$0x1], $0xffff  }
0x432: {  	s22 =	sadd.s32 $0x9000, s22;
	v10 =	vld.idx.msk [tilespmem:v4+s24+$0x10 ss:$0x1], $0xffff  }
0x433: {  	s25 =	sadd.s32 s21, s22;
	v11 =	vld.idx.msk [tilespmem:v4+s24+$0xFFFFFFC0 ss:$0x1], $0xffff  }
0x434: {  	[tilespmem:s25+$0x70] =	vst.add.f32.msk $0xffff, v5  }
0x435: {  	v5 =	vld.idx.msk [tilespmem:v4+s24+$0x20 ss:$0x1], $0xffff  }
0x436: {  	[tilespmem:s25+$0x10] =	vst.add.f32.msk $0xffff, v6  }
0x437: {  	[tilespmem:s25+$0x20] =	vst.add.f32.msk $0xffff, v7  }
0x438: {  	[tilespmem:s25+$0x30] =	vst.add.f32.msk $0xffff, v8  }
0x439: {  	[tilespmem:s25+$0x40] =	vst.add.f32.msk $0xffff, v9  }
0x43a: {  	[tilespmem:s25+$0x50] =	vst.add.f32.msk $0xffff, v10  }
0x43b: {  	[tilespmem:s25+$0x0] =	vst.add.f32.msk $0xffff, v11  }
0x43c: {  	s23 =	simm.s32 $0x0;
	s24 =	sadd.s32 $0x400, s24;
	[tilespmem:s25+$0x60] =	vst.add.f32.msk $0xffff, v5  }
.LBB2_56:
0x43d: {  	v5 =	vld.idx.msk [tilespmem:v4+s24+$0x30 ss:$0x1], $0xffff;
	s23 =	sadd.s32 $0x8, s23  }
0x43e: {  	v6 =	vld.idx.msk [tilespmem:v4+s24+$0xFFFFFFD0 ss:$0x1], $0xffff;
	p1 =	slt.u32 s23, $0x38  }
0x43f: {  	v7 =	vld.idx.msk [tilespmem:v4+s24+$0xFFFFFFE0 ss:$0x1], $0xffff  }
0x440: {  	v8 =	vld.idx.msk [tilespmem:v4+s24+$0xFFFFFFF0 ss:$0x1], $0xffff  }
0x441: {  	s22 =	sadd.s32 $0x400, s22;
	v9 =	vld.idx.msk [tilespmem:v4+s24+$0x0 ss:$0x1], $0xffff  }
0x442: {  	s25 =	sadd.s32 s21, s22;
	v10 =	vld.idx.msk [tilespmem:v4+s24+$0x10 ss:$0x1], $0xffff  }
0x443: {  	[tilespmem:s25+$0x70] =	vst.add.f32.msk $0xffff, v5  }
0x444: {  	v5 =	vld.idx.msk [tilespmem:v4+s24+$0x20 ss:$0x1], $0xffff  }
0x445: {  	v11 =	vld.idx.msk [tilespmem:v4+s24+$0xFFFFFFC0 ss:$0x1], $0xffff  }
0x446: {  	[tilespmem:s25+$0x10] =	vst.add.f32.msk $0xffff, v6  }
0x447: {  	[tilespmem:s25+$0x20] =	vst.add.f32.msk $0xffff, v7  }
.Ltmp29:
0x448: {  	[tilespmem:s25+$0x30] =	vst.add.f32.msk $0xffff, v8;
	(pc) =	sbr.rel @p1 .LBB2_56-.Ltmp29, $4  }
0x449: {  	[tilespmem:s25+$0x40] =	vst.add.f32.msk $0xffff, v9  }
0x44a: {  	[tilespmem:s25+$0x50] =	vst.add.f32.msk $0xffff, v10  }
0x44b: {  	[tilespmem:s25+$0x0] =	vst.add.f32.msk $0xffff, v11  }
0x44c: {  	s24 =	sadd.s32 $0x400, s24;
	[tilespmem:s25+$0x60] =	vst.add.f32.msk $0xffff, v5  }
0x44d: {  	s8 =	sadd.s32 $0x1, s8  }
0x44e: {  	p1 =	sne.s32 s8, $0x10  }
.Ltmp30:
0x44f: {  	_ = 	snop;
	(pc) =	sbr.rel @p1 .LBB2_55-.Ltmp30, $2  }
0x450: {  	_ =	sdelay $0x2  }
0x451: {  	s18 =	sadd.s32 $0x1, s18;
	s17 =	sadd.s32 $0x400, s17  }
0x452: {  	s17 =	simm.s32 $0x0;
	s8 =	rddreg [dreg:$0x1b]  }
0x453: {  	[hbm4b:s8+s17] =	stream.linear.scatter [tilespmem:s29], [sflag:$0xA], $0x4000, $0x38;
	[tilespmem:$0x1D000] =	vst v63  }
0x454: {  	_ =	swait.ge [sflag:s19], $0x4000  }
0x455: {  	[sflag:s19] =	ssyncset.done $0x0  }
0x456: {  	[sflag:s19] =	ssyncadd.s32 $0xFFFFC000  }
0x457: {  	_ =	swait.ge [sflag:s20], $0x4000  }
0x458: {  	[sflag:s20] =	ssyncset.done $0x0  }
0x459: {  	[sflag:s20] =	ssyncadd.s32 $0xFFFFC000  }
0x45a: {  	v4 =	vld [tilespmem:s6+$0x8F0];
	_ =	sdelay $0x4  }
0x45b: {  	v5 =	vshll.u32 v4, $0x3  }
0x45c: {  	v4 =	vand.u32 $0x7, v4;
	v5 =	vand.u32 $0xFFFFFFC0, v5  }
0x45d: {  	v4 =	vor.u32 v4, v5  }
0x45e: {  	v5 =	vperm.xlane v4, v1;
	_ =	sdelay $0x1  }
0x45f: {  	v5 =	vadd.s32 v2, v5;
	_ =	sdelay $0x3  }
0x460: {  	s25 =	simm.s32 $0x19000  }
0x461: {  	[tilespmem:s25], [sflag:$0x7] =	stream.indirect_vreg.gather [hbm4b:s4+s17], $0x80, v5, vm0, $0xb8;
	[tilespmem:$0x1D000] =	vst v63  }
0x462: {  	s18 =	simm.s32 $0x19800;
	v4 =	vperm.xlane v4, v3  }
0x463: {  	[tilespmem:s18], [sflag:$0x7] =	stream.indirect_vreg.gather [hbm4b:s9+s17], $0x80, v5, vm0, $0xb8;
	[tilespmem:$0x1D000] =	vst v63  }
0x464: {  	s21 =	simm.s32 $0x1A000;
	v4 =	vadd.s32 v2, v4  }
0x465: {  	[tilespmem:s21], [sflag:$0x7] =	stream.indirect_vreg.gather [hbm4b:s10+s17], $0x80, v5, vm0, $0xb8;
	[tilespmem:$0x1D000] =	vst v63  }
0x466: {  	s22 =	simm.s32 $0x1A800  }
0x467: {  	[tilespmem:s22], [sflag:$0x7] =	stream.indirect_vreg.gather [hbm4b:s11+s17], $0x80, v5, vm0, $0xb8;
	[tilespmem:$0x1D000] =	vst v63  }
0x468: {  	s23 =	simm.s32 $0x1B000  }
0x469: {  	[tilespmem:s23], [sflag:$0x7] =	stream.indirect_vreg.gather [hbm4b:s4+s17], $0x80, v4, vm0, $0xb8;
	[tilespmem:$0x1D000] =	vst v63  }
0x46a: {  	s24 =	simm.s32 $0x1B800  }
0x46b: {  	[tilespmem:s24], [sflag:$0x7] =	stream.indirect_vreg.gather [hbm4b:s9+s17], $0x80, v4, vm0, $0xb8;
	[tilespmem:$0x1D000] =	vst v63  }
0x46c: {  	_ = 	snop  }
0x46d: {  	[tilespmem:s26], [sflag:$0x7] =	stream.indirect_vreg.gather [hbm4b:s10+s17], $0x80, v4, vm0, $0xb8;
	[tilespmem:$0x1D000] =	vst v63  }
0x46e: {  	_ = 	snop  }
0x46f: {  	[tilespmem:s28], [sflag:$0x7] =	stream.indirect_vreg.gather [hbm4b:s11+s17], $0x80, v4, vm0, $0xb8;
	[tilespmem:$0x1D000] =	vst v63  }
0x470: {  	_ =	swait.ge [sflag:s15], $0x4000  }
0x471: {  	s25 =	sld [smem:$0x7F6]  }
0x472: {  	[sflag:s15] =	ssyncset.done $0x0  }
0x473: {  	s8 =	simm.s32 $0x0;
	s18 =	simm.s32 $0x0;
	[sflag:s15] =	ssyncadd.s32 $0xFFFFC000  }
0x474: {  	[tilespmem:s29], [sflag:$0x3] =	stream.linear.gather [hbm4b:s25+s17], $0x4000, $0x38;
	[tilespmem:$0x1D000] =	vst v63  }
.LBB2_59:
0x475: {  	s21 =	sand.u32 $0x7, s18  }
0x476: {  	s21 =	sshll.u32 s21, $0x9  }
0x477: {  	s21 =	sshrl.u32 s21, $0x2  }
0x478: {  	v4 =	vmov s21;
	_ =	sdelay $0x2  }
0x479: {  	s22 =	sand.u32 $0x3FFFE000, s17  }
0x47a: {  	s24 =	sadd.s32 $0xD040, s22  }
0x47b: {  	v5 =	vld.idx.msk [tilespmem:v4+s24+$0x30 ss:$0x1], $0xffff  }
0x47c: {  	v6 =	vld.idx.msk [tilespmem:v4+s24+$0xFFFFFFD0 ss:$0x1], $0xffff  }
0x47d: {  	v7 =	vld.idx.msk [tilespmem:v4+s24+$0xFFFFFFE0 ss:$0x1], $0xffff  }
0x47e: {  	v8 =	vld.idx.msk [tilespmem:v4+s24+$0xFFFFFFF0 ss:$0x1], $0xffff  }
0x47f: {  	v9 =	vld.idx.msk [tilespmem:v4+s24+$0x0 ss:$0x1], $0xffff  }
0x480: {  	s22 =	sor.u32 $0x1000, s22;
	v10 =	vld.idx.msk [tilespmem:v4+s24+$0x10 ss:$0x1], $0xffff  }
0x481: {  	s25 =	sadd.s32 s21, s22;
	v11 =	vld.idx.msk [tilespmem:v4+s24+$0xFFFFFFC0 ss:$0x1], $0xffff  }
0x482: {  	[tilespmem:s25+$0x70] =	vst.add.f32.msk $0xffff, v5  }
0x483: {  	v5 =	vld.idx.msk [tilespmem:v4+s24+$0x20 ss:$0x1], $0xffff  }
0x484: {  	[tilespmem:s25+$0x10] =	vst.add.f32.msk $0xffff, v6  }
0x485: {  	[tilespmem:s25+$0x20] =	vst.add.f32.msk $0xffff, v7  }
0x486: {  	[tilespmem:s25+$0x30] =	vst.add.f32.msk $0xffff, v8  }
0x487: {  	[tilespmem:s25+$0x40] =	vst.add.f32.msk $0xffff, v9  }
0x488: {  	[tilespmem:s25+$0x50] =	vst.add.f32.msk $0xffff, v10  }
0x489: {  	[tilespmem:s25+$0x0] =	vst.add.f32.msk $0xffff, v11  }
0x48a: {  	s23 =	simm.s32 $0x0;
	s24 =	sadd.s32 $0x400, s24;
	[tilespmem:s25+$0x60] =	vst.add.f32.msk $0xffff, v5  }
.LBB2_60:
0x48b: {  	v5 =	vld.idx.msk [tilespmem:v4+s24+$0x30 ss:$0x1], $0xffff;
	s23 =	sadd.s32 $0x8, s23  }
0x48c: {  	v6 =	vld.idx.msk [tilespmem:v4+s24+$0xFFFFFFD0 ss:$0x1], $0xffff;
	p1 =	slt.u32 s23, $0x38  }
0x48d: {  	v7 =	vld.idx.msk [tilespmem:v4+s24+$0xFFFFFFE0 ss:$0x1], $0xffff  }
0x48e: {  	v8 =	vld.idx.msk [tilespmem:v4+s24+$0xFFFFFFF0 ss:$0x1], $0xffff  }
0x48f: {  	s22 =	sadd.s32 $0x400, s22;
	v9 =	vld.idx.msk [tilespmem:v4+s24+$0x0 ss:$0x1], $0xffff  }
0x490: {  	s25 =	sadd.s32 s21, s22;
	v10 =	vld.idx.msk [tilespmem:v4+s24+$0x10 ss:$0x1], $0xffff  }
0x491: {  	[tilespmem:s25+$0x70] =	vst.add.f32.msk $0xffff, v5  }
0x492: {  	v5 =	vld.idx.msk [tilespmem:v4+s24+$0x20 ss:$0x1], $0xffff  }
0x493: {  	v11 =	vld.idx.msk [tilespmem:v4+s24+$0xFFFFFFC0 ss:$0x1], $0xffff  }
0x494: {  	[tilespmem:s25+$0x10] =	vst.add.f32.msk $0xffff, v6  }
0x495: {  	[tilespmem:s25+$0x20] =	vst.add.f32.msk $0xffff, v7  }
.Ltmp31:
0x496: {  	[tilespmem:s25+$0x30] =	vst.add.f32.msk $0xffff, v8;
	(pc) =	sbr.rel @p1 .LBB2_60-.Ltmp31, $4  }
0x497: {  	[tilespmem:s25+$0x40] =	vst.add.f32.msk $0xffff, v9  }
0x498: {  	[tilespmem:s25+$0x50] =	vst.add.f32.msk $0xffff, v10  }
0x499: {  	[tilespmem:s25+$0x0] =	vst.add.f32.msk $0xffff, v11  }
0x49a: {  	s24 =	sadd.s32 $0x400, s24;
	[tilespmem:s25+$0x60] =	vst.add.f32.msk $0xffff, v5  }
0x49b: {  	s8 =	sadd.s32 $0x1, s8  }
0x49c: {  	p1 =	sne.s32 s8, $0x10  }
.Ltmp32:
0x49d: {  	_ = 	snop;
	(pc) =	sbr.rel @p1 .LBB2_59-.Ltmp32, $2  }
0x49e: {  	_ =	sdelay $0x2  }
0x49f: {  	s18 =	sadd.s32 $0x1, s18;
	s17 =	sadd.s32 $0x400, s17  }
0x4a0: {  	s17 =	simm.s32 $0x0;
	s8 =	rddreg [dreg:$0x1d]  }
0x4a1: {  	[hbm4b:s8+s17] =	stream.linear.scatter [tilespmem:s13], [sflag:$0x8], $0x4000, $0x38;
	[tilespmem:$0x1D000] =	vst v63  }
0x4a2: {  	_ =	swait.ge [sflag:s30], $0x4000  }
0x4a3: {  	[sflag:s30] =	ssyncset.done $0x0  }
0x4a4: {  	[sflag:s30] =	ssyncadd.s32 $0xFFFFC000  }
0x4a5: {  	_ =	swait.ge [sflag:s31], $0x4000  }
0x4a6: {  	[sflag:s31] =	ssyncset.done $0x0  }
0x4a7: {  	[sflag:s31] =	ssyncadd.s32 $0xFFFFC000  }
0x4a8: {  	_ =	swait.ge [sflag:s0], $0x4000  }
0x4a9: {  	s25 =	sld [smem:$0x7F7]  }
0x4aa: {  	[sflag:s0] =	ssyncset.done $0x0  }
0x4ab: {  	s18 =	simm.s32 $0x0;
	s8 =	simm.s32 $0x0;
	[sflag:s0] =	ssyncadd.s32 $0xFFFFC000  }
0x4ac: {  	[tilespmem:s13], [sflag:$0x1] =	stream.linear.gather [hbm4b:s25+s17], $0x4000, $0x38;
	[tilespmem:$0x1D000] =	vst v63  }
.LBB2_63:
0x4ad: {  	s21 =	sand.u32 $0x7, s18  }
0x4ae: {  	s21 =	sshll.u32 s21, $0x9  }
0x4af: {  	s21 =	sshrl.u32 s21, $0x2  }
0x4b0: {  	v4 =	vmov s21;
	_ =	sdelay $0x2  }
0x4b1: {  	s22 =	sand.u32 $0x3FFFE000, s17  }
0x4b2: {  	s24 =	sadd.s32 $0x11040, s22  }
0x4b3: {  	v5 =	vld.idx.msk [tilespmem:v4+s24+$0x30 ss:$0x1], $0xffff  }
0x4b4: {  	v6 =	vld.idx.msk [tilespmem:v4+s24+$0xFFFFFFD0 ss:$0x1], $0xffff  }
0x4b5: {  	v7 =	vld.idx.msk [tilespmem:v4+s24+$0xFFFFFFE0 ss:$0x1], $0xffff  }
0x4b6: {  	v8 =	vld.idx.msk [tilespmem:v4+s24+$0xFFFFFFF0 ss:$0x1], $0xffff  }
0x4b7: {  	v9 =	vld.idx.msk [tilespmem:v4+s24+$0x0 ss:$0x1], $0xffff  }
0x4b8: {  	s22 =	sadd.s32 $0x5000, s22;
	v10 =	vld.idx.msk [tilespmem:v4+s24+$0x10 ss:$0x1], $0xffff  }
0x4b9: {  	s25 =	sadd.s32 s21, s22;
	v11 =	vld.idx.msk [tilespmem:v4+s24+$0xFFFFFFC0 ss:$0x1], $0xffff  }
0x4ba: {  	[tilespmem:s25+$0x70] =	vst.add.f32.msk $0xffff, v5  }
0x4bb: {  	v5 =	vld.idx.msk [tilespmem:v4+s24+$0x20 ss:$0x1], $0xffff  }
0x4bc: {  	[tilespmem:s25+$0x10] =	vst.add.f32.msk $0xffff, v6  }
0x4bd: {  	[tilespmem:s25+$0x20] =	vst.add.f32.msk $0xffff, v7  }
0x4be: {  	[tilespmem:s25+$0x30] =	vst.add.f32.msk $0xffff, v8  }
0x4bf: {  	[tilespmem:s25+$0x40] =	vst.add.f32.msk $0xffff, v9  }
0x4c0: {  	[tilespmem:s25+$0x50] =	vst.add.f32.msk $0xffff, v10  }
0x4c1: {  	[tilespmem:s25+$0x0] =	vst.add.f32.msk $0xffff, v11  }
0x4c2: {  	s23 =	simm.s32 $0x0;
	s24 =	sadd.s32 $0x400, s24;
	[tilespmem:s25+$0x60] =	vst.add.f32.msk $0xffff, v5  }
.LBB2_64:
0x4c3: {  	v5 =	vld.idx.msk [tilespmem:v4+s24+$0x30 ss:$0x1], $0xffff;
	s23 =	sadd.s32 $0x8, s23  }
0x4c4: {  	v6 =	vld.idx.msk [tilespmem:v4+s24+$0xFFFFFFD0 ss:$0x1], $0xffff;
	p1 =	slt.u32 s23, $0x38  }
0x4c5: {  	v7 =	vld.idx.msk [tilespmem:v4+s24+$0xFFFFFFE0 ss:$0x1], $0xffff  }
0x4c6: {  	v8 =	vld.idx.msk [tilespmem:v4+s24+$0xFFFFFFF0 ss:$0x1], $0xffff  }
0x4c7: {  	s22 =	sadd.s32 $0x400, s22;
	v9 =	vld.idx.msk [tilespmem:v4+s24+$0x0 ss:$0x1], $0xffff  }
0x4c8: {  	s25 =	sadd.s32 s21, s22;
	v10 =	vld.idx.msk [tilespmem:v4+s24+$0x10 ss:$0x1], $0xffff  }
0x4c9: {  	[tilespmem:s25+$0x70] =	vst.add.f32.msk $0xffff, v5  }
0x4ca: {  	v5 =	vld.idx.msk [tilespmem:v4+s24+$0x20 ss:$0x1], $0xffff  }
0x4cb: {  	v11 =	vld.idx.msk [tilespmem:v4+s24+$0xFFFFFFC0 ss:$0x1], $0xffff  }
0x4cc: {  	[tilespmem:s25+$0x10] =	vst.add.f32.msk $0xffff, v6  }
0x4cd: {  	[tilespmem:s25+$0x20] =	vst.add.f32.msk $0xffff, v7  }
.Ltmp33:
0x4ce: {  	[tilespmem:s25+$0x30] =	vst.add.f32.msk $0xffff, v8;
	(pc) =	sbr.rel @p1 .LBB2_64-.Ltmp33, $4  }
0x4cf: {  	[tilespmem:s25+$0x40] =	vst.add.f32.msk $0xffff, v9  }
0x4d0: {  	[tilespmem:s25+$0x50] =	vst.add.f32.msk $0xffff, v10  }
0x4d1: {  	[tilespmem:s25+$0x0] =	vst.add.f32.msk $0xffff, v11  }
0x4d2: {  	s24 =	sadd.s32 $0x400, s24;
	[tilespmem:s25+$0x60] =	vst.add.f32.msk $0xffff, v5  }
0x4d3: {  	s8 =	sadd.s32 $0x1, s8  }
0x4d4: {  	p1 =	sne.s32 s8, $0x10  }
.Ltmp34:
0x4d5: {  	_ = 	snop;
	(pc) =	sbr.rel @p1 .LBB2_63-.Ltmp34, $2  }
0x4d6: {  	_ =	sdelay $0x2  }
0x4d7: {  	s18 =	sadd.s32 $0x1, s18;
	s17 =	sadd.s32 $0x400, s17  }
0x4d8: {  	s8 =	sld [smem:$0x7F8];
	_ =	sdelay $0x1  }
0x4d9: {  	s17 =	simm.s32 $0x0  }
0x4da: {  	[hbm4b:s8+s17] =	stream.linear.scatter [tilespmem:s14], [sflag:$0x9], $0x4000, $0x38;
	[tilespmem:$0x1D000] =	vst v63  }
0x4db: {  	_ =	swait.ge [sflag:s1], $0x4000  }
0x4dc: {  	[sflag:s1] =	ssyncset.done $0x0  }
0x4dd: {  	[sflag:s1] =	ssyncadd.s32 $0xFFFFC000  }
0x4de: {  	_ =	swait.ge [sflag:s3], $0x4000  }
0x4df: {  	[sflag:s3] =	ssyncset.done $0x0  }
0x4e0: {  	s18 =	simm.s32 $0x0;
	s8 =	simm.s32 $0x0;
	[sflag:s3] =	ssyncadd.s32 $0xFFFFC000  }
.LBB2_67:
0x4e1: {  	s21 =	sand.u32 $0x7, s18  }
0x4e2: {  	s21 =	sshll.u32 s21, $0x9  }
0x4e3: {  	s21 =	sshrl.u32 s21, $0x2  }
0x4e4: {  	v4 =	vmov s21;
	_ =	sdelay $0x2  }
0x4e5: {  	s22 =	sand.u32 $0x3FFFE000, s17  }
0x4e6: {  	s24 =	sadd.s32 $0x15040, s22  }
0x4e7: {  	v5 =	vld.idx.msk [tilespmem:v4+s24+$0x30 ss:$0x1], $0xffff  }
0x4e8: {  	v6 =	vld.idx.msk [tilespmem:v4+s24+$0xFFFFFFD0 ss:$0x1], $0xffff  }
0x4e9: {  	v7 =	vld.idx.msk [tilespmem:v4+s24+$0xFFFFFFE0 ss:$0x1], $0xffff  }
0x4ea: {  	v8 =	vld.idx.msk [tilespmem:v4+s24+$0xFFFFFFF0 ss:$0x1], $0xffff  }
0x4eb: {  	v9 =	vld.idx.msk [tilespmem:v4+s24+$0x0 ss:$0x1], $0xffff  }
0x4ec: {  	s22 =	sadd.s32 $0x9000, s22;
	v10 =	vld.idx.msk [tilespmem:v4+s24+$0x10 ss:$0x1], $0xffff  }
0x4ed: {  	s25 =	sadd.s32 s21, s22;
	v11 =	vld.idx.msk [tilespmem:v4+s24+$0xFFFFFFC0 ss:$0x1], $0xffff  }
0x4ee: {  	[tilespmem:s25+$0x70] =	vst.add.f32.msk $0xffff, v5  }
0x4ef: {  	v5 =	vld.idx.msk [tilespmem:v4+s24+$0x20 ss:$0x1], $0xffff  }
0x4f0: {  	[tilespmem:s25+$0x10] =	vst.add.f32.msk $0xffff, v6  }
0x4f1: {  	[tilespmem:s25+$0x20] =	vst.add.f32.msk $0xffff, v7  }
0x4f2: {  	[tilespmem:s25+$0x30] =	vst.add.f32.msk $0xffff, v8  }
0x4f3: {  	[tilespmem:s25+$0x40] =	vst.add.f32.msk $0xffff, v9  }
0x4f4: {  	[tilespmem:s25+$0x50] =	vst.add.f32.msk $0xffff, v10  }
0x4f5: {  	[tilespmem:s25+$0x0] =	vst.add.f32.msk $0xffff, v11  }
0x4f6: {  	s23 =	simm.s32 $0x0;
	s24 =	sadd.s32 $0x400, s24;
	[tilespmem:s25+$0x60] =	vst.add.f32.msk $0xffff, v5  }
.LBB2_68:
0x4f7: {  	v5 =	vld.idx.msk [tilespmem:v4+s24+$0x30 ss:$0x1], $0xffff;
	s23 =	sadd.s32 $0x8, s23  }
0x4f8: {  	v6 =	vld.idx.msk [tilespmem:v4+s24+$0xFFFFFFD0 ss:$0x1], $0xffff;
	p1 =	slt.u32 s23, $0x38  }
0x4f9: {  	v7 =	vld.idx.msk [tilespmem:v4+s24+$0xFFFFFFE0 ss:$0x1], $0xffff  }
0x4fa: {  	v8 =	vld.idx.msk [tilespmem:v4+s24+$0xFFFFFFF0 ss:$0x1], $0xffff  }
0x4fb: {  	s22 =	sadd.s32 $0x400, s22;
	v9 =	vld.idx.msk [tilespmem:v4+s24+$0x0 ss:$0x1], $0xffff  }
0x4fc: {  	s25 =	sadd.s32 s21, s22;
	v10 =	vld.idx.msk [tilespmem:v4+s24+$0x10 ss:$0x1], $0xffff  }
0x4fd: {  	[tilespmem:s25+$0x70] =	vst.add.f32.msk $0xffff, v5  }
0x4fe: {  	v5 =	vld.idx.msk [tilespmem:v4+s24+$0x20 ss:$0x1], $0xffff  }
0x4ff: {  	v11 =	vld.idx.msk [tilespmem:v4+s24+$0xFFFFFFC0 ss:$0x1], $0xffff  }
0x500: {  	[tilespmem:s25+$0x10] =	vst.add.f32.msk $0xffff, v6  }
0x501: {  	[tilespmem:s25+$0x20] =	vst.add.f32.msk $0xffff, v7  }
.Ltmp35:
0x502: {  	[tilespmem:s25+$0x30] =	vst.add.f32.msk $0xffff, v8;
	(pc) =	sbr.rel @p1 .LBB2_68-.Ltmp35, $4  }
0x503: {  	[tilespmem:s25+$0x40] =	vst.add.f32.msk $0xffff, v9  }
0x504: {  	[tilespmem:s25+$0x50] =	vst.add.f32.msk $0xffff, v10  }
0x505: {  	[tilespmem:s25+$0x0] =	vst.add.f32.msk $0xffff, v11  }
0x506: {  	s24 =	sadd.s32 $0x400, s24;
	[tilespmem:s25+$0x60] =	vst.add.f32.msk $0xffff, v5  }
0x507: {  	s8 =	sadd.s32 $0x1, s8  }
0x508: {  	p1 =	sne.s32 s8, $0x10  }
.Ltmp36:
0x509: {  	_ = 	snop;
	(pc) =	sbr.rel @p1 .LBB2_67-.Ltmp36, $2  }
0x50a: {  	_ =	sdelay $0x2  }
0x50b: {  	s18 =	sadd.s32 $0x1, s18;
	s17 =	sadd.s32 $0x400, s17  }
0x50c: {  	s8 =	sld [smem:$0x7F9];
	_ =	sdelay $0x1  }
0x50d: {  	s17 =	simm.s32 $0x0  }
0x50e: {  	[hbm4b:s8+s17] =	stream.linear.scatter [tilespmem:s29], [sflag:$0xA], $0x4000, $0x38;
	[tilespmem:$0x1D000] =	vst v63  }
0x50f: {  	_ =	swait.ge [sflag:s19], $0x4000  }
0x510: {  	[sflag:s19] =	ssyncset.done $0x0  }
0x511: {  	[sflag:s19] =	ssyncadd.s32 $0xFFFFC000  }
0x512: {  	_ =	swait.ge [sflag:s5], $0x4000  }
0x513: {  	[sflag:s5] =	ssyncset.done $0x0  }
0x514: {  	s18 =	simm.s32 $0x0;
	s8 =	simm.s32 $0x0;
	[sflag:s5] =	ssyncadd.s32 $0xFFFFC000  }
.LBB2_71:
0x515: {  	s21 =	sand.u32 $0x7, s18  }
0x516: {  	s21 =	sshll.u32 s21, $0x9  }
0x517: {  	s21 =	sshrl.u32 s21, $0x2  }
0x518: {  	v4 =	vmov s21;
	_ =	sdelay $0x2  }
0x519: {  	s22 =	sand.u32 $0x3FFFE000, s17  }
0x51a: {  	s24 =	sadd.s32 $0x19040, s22  }
0x51b: {  	v5 =	vld.idx.msk [tilespmem:v4+s24+$0x30 ss:$0x1], $0xffff  }
0x51c: {  	v6 =	vld.idx.msk [tilespmem:v4+s24+$0xFFFFFFD0 ss:$0x1], $0xffff  }
0x51d: {  	v7 =	vld.idx.msk [tilespmem:v4+s24+$0xFFFFFFE0 ss:$0x1], $0xffff  }
0x51e: {  	v8 =	vld.idx.msk [tilespmem:v4+s24+$0xFFFFFFF0 ss:$0x1], $0xffff  }
0x51f: {  	v9 =	vld.idx.msk [tilespmem:v4+s24+$0x0 ss:$0x1], $0xffff  }
0x520: {  	s22 =	sor.u32 $0x1000, s22;
	v10 =	vld.idx.msk [tilespmem:v4+s24+$0x10 ss:$0x1], $0xffff  }
0x521: {  	s25 =	sadd.s32 s21, s22;
	v11 =	vld.idx.msk [tilespmem:v4+s24+$0xFFFFFFC0 ss:$0x1], $0xffff  }
0x522: {  	[tilespmem:s25+$0x70] =	vst.add.f32.msk $0xffff, v5  }
0x523: {  	v5 =	vld.idx.msk [tilespmem:v4+s24+$0x20 ss:$0x1], $0xffff  }
0x524: {  	[tilespmem:s25+$0x10] =	vst.add.f32.msk $0xffff, v6  }
0x525: {  	[tilespmem:s25+$0x20] =	vst.add.f32.msk $0xffff, v7  }
0x526: {  	[tilespmem:s25+$0x30] =	vst.add.f32.msk $0xffff, v8  }
0x527: {  	[tilespmem:s25+$0x40] =	vst.add.f32.msk $0xffff, v9  }
0x528: {  	[tilespmem:s25+$0x50] =	vst.add.f32.msk $0xffff, v10  }
0x529: {  	[tilespmem:s25+$0x0] =	vst.add.f32.msk $0xffff, v11  }
0x52a: {  	s23 =	simm.s32 $0x0;
	s24 =	sadd.s32 $0x400, s24;
	[tilespmem:s25+$0x60] =	vst.add.f32.msk $0xffff, v5  }
.LBB2_72:
0x52b: {  	v5 =	vld.idx.msk [tilespmem:v4+s24+$0x30 ss:$0x1], $0xffff;
	s23 =	sadd.s32 $0x8, s23  }
0x52c: {  	v6 =	vld.idx.msk [tilespmem:v4+s24+$0xFFFFFFD0 ss:$0x1], $0xffff;
	p1 =	slt.u32 s23, $0x38  }
0x52d: {  	v7 =	vld.idx.msk [tilespmem:v4+s24+$0xFFFFFFE0 ss:$0x1], $0xffff  }
0x52e: {  	v8 =	vld.idx.msk [tilespmem:v4+s24+$0xFFFFFFF0 ss:$0x1], $0xffff  }
0x52f: {  	s22 =	sadd.s32 $0x400, s22;
	v9 =	vld.idx.msk [tilespmem:v4+s24+$0x0 ss:$0x1], $0xffff  }
0x530: {  	s25 =	sadd.s32 s21, s22;
	v10 =	vld.idx.msk [tilespmem:v4+s24+$0x10 ss:$0x1], $0xffff  }
0x531: {  	[tilespmem:s25+$0x70] =	vst.add.f32.msk $0xffff, v5  }
0x532: {  	v5 =	vld.idx.msk [tilespmem:v4+s24+$0x20 ss:$0x1], $0xffff  }
0x533: {  	v11 =	vld.idx.msk [tilespmem:v4+s24+$0xFFFFFFC0 ss:$0x1], $0xffff  }
0x534: {  	[tilespmem:s25+$0x10] =	vst.add.f32.msk $0xffff, v6  }
0x535: {  	[tilespmem:s25+$0x20] =	vst.add.f32.msk $0xffff, v7  }
.Ltmp37:
0x536: {  	[tilespmem:s25+$0x30] =	vst.add.f32.msk $0xffff, v8;
	(pc) =	sbr.rel @p1 .LBB2_72-.Ltmp37, $4  }
0x537: {  	[tilespmem:s25+$0x40] =	vst.add.f32.msk $0xffff, v9  }
0x538: {  	[tilespmem:s25+$0x50] =	vst.add.f32.msk $0xffff, v10  }
0x539: {  	[tilespmem:s25+$0x0] =	vst.add.f32.msk $0xffff, v11  }
0x53a: {  	s24 =	sadd.s32 $0x400, s24;
	[tilespmem:s25+$0x60] =	vst.add.f32.msk $0xffff, v5  }
0x53b: {  	s8 =	sadd.s32 $0x1, s8  }
0x53c: {  	p1 =	sne.s32 s8, $0x10  }
.Ltmp38:
0x53d: {  	_ = 	snop;
	(pc) =	sbr.rel @p1 .LBB2_71-.Ltmp38, $2  }
0x53e: {  	_ =	sdelay $0x2  }
0x53f: {  	s18 =	sadd.s32 $0x1, s18;
	s17 =	sadd.s32 $0x400, s17  }
0x540: {  	s8 =	sld [smem:$0x7FA];
	_ =	sdelay $0x2  }
0x541: {  	[hbm4b:s8+s2] =	stream.linear.scatter [tilespmem:s13], [sflag:$0x8], $0x4000, $0x38;
	[tilespmem:$0x1D000] =	vst v63  }
0x542: {  	_ =	swait.ge [sflag:s0], $0x4000  }
0x543: {  	[sflag:s0] =	ssyncset.done $0x0  }
0x544: {  	[sflag:s0] =	ssyncadd.s32 $0xFFFFC000  }
0x545: {  	_ =	swait.ge [sflag:s7], $0x4000  }
0x546: {  	[sflag:s7] =	ssyncset.done $0x0  }
0x547: {  	[sflag:s7] =	ssyncadd.s32 $0xFFFFC000  }
0x548: {  	_ =	swait.ge [sflag:s15], $0x4000  }
0x549: {  	s25 =	sld [smem:$0x7FB];
	_ =	sdelay $0x1  }
0x54a: {  	s16 =	sadd.s32 $0x1, s16  }
0x54b: {  	p1 =	sne.s32 s16, s25  }
.Ltmp39:
0x54c: {  	_ = 	snop;
	(pc) =	sbr.rel @p1 .LBB2_1-.Ltmp39, $4  }
.Ltmp40:
0x54d: {  	_ = 	snop;
	(pc) =	sbr.rel @!p1 .LBB2_75-.Ltmp40, $4  }
0x54e: {  	_ = 	snop  }
0x54f: {  	[sflag:s15] =	ssyncset.done $0x0  }
0x550: {  	[sflag:s15] =	ssyncadd.s32 $0xFFFFC000  }
0x551: {  	_ = 	snop  }
.LBB2_8:
.Ltmp41:
0x552: {  	(pc) =	sbr.rel .LBB2_10-.Ltmp41, $2  }
0x553: {  	_ =	sdelay $0x2  }
0x554: {  	s18 =	smov.u32 s6;
	s8 =	smov.u32 s12  }
.LBB2_75:
0x555: {  	_ =	sfence.sel $0x180000  }
0x556: {  	[bflag:$0x0] =	sbarrier.arrive $0xFFFF  }
0x557: {  	_ =	strace $0x90000047  }
0x558: {  	s0 =	stileid.u32;
	[bflag:$0x2] =	sbarrier.arrive $0xFFFF  }
0x559: {  	p0 =	sne.s32 s0, $0x0;
	s0 =	rddreg [dreg:$0x4]  }
0x55a: {  	s0 =	sadd.s32 @!p0 $0x100000, s0  }
0x55b: {  	[sflag:s0] =	ssyncadd.tile.s32 @!p0 $0x1;
	_ =	shalt  }
.Lfunc_end2:
_tile_overlayer_lowered:
.L_overlay_start_2:
0x55c: {  	(tag) =	ssettag $0x2  }
0x55d: {  	s0 =	rddreg [dreg:$0x0];
	s2 =	stileid.u32  }
0x55e: {  	s1 =	rddreg [dreg:$0x1];
	p0 =	sne.s32 s2, $0x0  }
0x55f: {  	s3 =	rddreg [dreg:$0x2];
	[bflag:$0x3] =	sbarrier.arrive $0xFFFF;
	s2 =	simm.s32 @!p0 $0x1C0C  }
0x560: {  	[timem:s3], [sflag:s2] =	dma.local @!p0 [hbm:s0], s1  }
0x561: {  	s0 =	simm.s32 @!p0 $0xC  }
0x562: {  	_ =	swait.ge @!p0 [sflag:s0], s1  }
0x563: {  	s1 =	ssub.s32 @!p0 $0x0, s1;
	[sflag:s0] =	ssyncset.done @!p0 $0x0  }
0x564: {  	[sflag:s0] =	ssyncadd.s32 @!p0 s1  }
0x565: {  	[bflag:$0x3] =	sbarrier.arrive $0xFFFF  }
0x566: {  	_ =	shalt  }

</sc_bundles>
